<compile_context>
chip_gen: v7x
topology: tpu7x:2x2x1
jax: 0.10.2.dev20260603
libtpu: 0.0.44.dev20260713+nightly
codegen_flags: <defaults>
</compile_context>

<pallas_src>
import functools

import jax
import jax.numpy as jnp
from jax import lax
from jax.experimental import pallas as pl
from jax.experimental.pallas import tpu as pltpu
from jax.experimental.pallas import tpu_sc as plsc

VOCAB_N = 1000000
EMB_DIM = 64
IDX_W = 128
NSLOT = 5

N_VBLK = VOCAB_N // IDX_W
N_WORKERS = 32
VBLK_MAIN = 7808
VBLK_PER_W = VBLK_MAIN // N_WORKERS


@jax.jit
def _relayout(tableT, tail):
    mesh = plsc.VectorSubcoreMesh(core_axis_name="c", subcore_axis_name="s")
    info = plsc.get_sparse_core_info()
    nc = info.num_cores

    def body(tabT_hbm, tail_hbm, out_hbm, src_v, dstT_v, sem_i, sem_o):
        wid = lax.axis_index("s") * nc + lax.axis_index("c")

        def blk_of(j):
            return j * N_WORKERS + wid

        def fire_in(blk, slot):
            pltpu.async_copy(tabT_hbm.at[:, pl.ds(blk * IDX_W, IDX_W)],
                             src_v.at[slot], sem_i.at[slot])

        def wait_in(slot):
            pltpu.make_async_copy(tabT_hbm.at[:, pl.ds(0, IDX_W)],
                                  src_v.at[slot], sem_i.at[slot]).wait()

        def fire_out(blk, slot):
            pltpu.async_copy(dstT_v.at[slot, :, pl.ds(0, 2 * EMB_DIM)],
                             out_hbm.at[pl.ds(blk * 64, 64)],
                             sem_o.at[slot])

        def wait_out(slot):
            pltpu.make_async_copy(dstT_v.at[slot, :, pl.ds(0, 2 * EMB_DIM)],
                                  out_hbm.at[pl.ds(0, 64)],
                                  sem_o.at[slot]).wait()

        lane = lax.iota(jnp.int32, 16)
        vlanes = [lane + k * 16 for k in range(8)]
        vhi = [v // 2 for v in vlanes]
        vlo = [(v % 2) * EMB_DIM for v in vlanes]

        def transpose_blk(slot, nk):
            src = src_v.at[slot]
            dstT = dstT_v.at[slot]

            @plsc.parallel_loop(0, EMB_DIM, step=1, unroll=4)
            def _(d):
                dvec = jnp.full((16,), d, jnp.int32)
                row = src.at[d]
                for k in range(nk):
                    plsc.store_scatter(dstT, [vhi[k], vlo[k] + dvec],
                                       row[pl.ds(k * 16, 16)])

        fire_in(blk_of(0), 0)
        fire_in(blk_of(1), 1)

        def outer(p, carry):
            for s in range(2):
                j = 2 * p + s
                wait_in(s)

                @pl.when(p > 0)
                def _():
                    wait_out(s)

                transpose_blk(s, 8)
                fire_out(blk_of(j), s)

                @pl.when(p < VBLK_PER_W // 2 - 1)
                def _():
                    fire_in(blk_of(j + 2), s)
            return carry

        lax.fori_loop(0, VBLK_PER_W // 2, outer, 0)
        wait_out(0)
        wait_out(1)

        @pl.when(wid < 4)
        def _():
            blk = VBLK_MAIN + wid
            pltpu.sync_copy(tabT_hbm.at[:, pl.ds(blk * IDX_W, IDX_W)],
                            src_v.at[0])
            transpose_blk(0, 8)
            pltpu.sync_copy(dstT_v.at[0, :, pl.ds(0, 2 * EMB_DIM)],
                            out_hbm.at[pl.ds(blk * 64, 64)])

        @pl.when(wid == 4)
        def _():
            r0 = N_VBLK * IDX_W // 2
            pltpu.sync_copy(tail_hbm, src_v.at[0])
            transpose_blk(0, 4)
            pltpu.sync_copy(dstT_v.at[0, pl.ds(0, 32), pl.ds(0, 2 * EMB_DIM)],
                            out_hbm.at[pl.ds(r0, 32)])

    run = pl.kernel(
        body,
        out_type=jax.ShapeDtypeStruct((VOCAB_N // 2, 2 * EMB_DIM),
                                      jnp.float32),
        mesh=mesh,
        scratch_types=[
            pltpu.VMEM((2, EMB_DIM, IDX_W), jnp.float32),
            pltpu.VMEM((2, 64, 2 * EMB_DIM + 1), jnp.float32),
            pltpu.SemaphoreType.DMA((2,)),
            pltpu.SemaphoreType.DMA((2,)),
        ],
        compiler_params=pltpu.CompilerParams(use_tc_tiling_on_sc=True,
                                             needs_layout_passes=False),
    )
    return run(tableT, tail)


@functools.partial(jax.jit, static_argnames=("idx_per_worker",))
def _embed_lookup(x_idx, table_lin, idx_per_worker):
    mesh = plsc.VectorSubcoreMesh(core_axis_name="c", subcore_axis_name="s")
    info = plsc.get_sparse_core_info()
    nc = info.num_cores

    n_chunks = idx_per_worker // IDX_W
    n_outer = n_chunks // NSLOT

    def body(idx_hbm, table_hbm, out_hbm, idx_v, rows_v, rowsT_v, sem_g,
             sem_s):
        wid = lax.axis_index("s") * nc + lax.axis_index("c")
        base = wid * idx_per_worker
        pltpu.sync_copy(idx_hbm.at[pl.ds(base, idx_per_worker)], idx_v)

        def fire_gather(c, slot):
            pltpu.async_copy(table_hbm.at[idx_v.at[pl.ds(c * IDX_W, IDX_W)]],
                             rows_v.at[slot], sem_g.at[slot])

        def wait_gather(slot):
            pltpu.make_async_copy(table_hbm.at[idx_v.at[pl.ds(0, IDX_W)]],
                                  rows_v.at[slot], sem_g.at[slot]).wait()

        def fire_store(c, slot):
            g = base // IDX_W + c
            pltpu.async_copy(rowsT_v.at[slot, :, :, pl.ds(0, IDX_W)],
                             out_hbm.at[g // 32, :, g % 32],
                             sem_s.at[slot])

        def wait_store(slot):
            pltpu.make_async_copy(rowsT_v.at[slot, :, :, pl.ds(0, IDX_W)],
                                  out_hbm.at[0, :, 0],
                                  sem_s.at[slot]).wait()

        lane = lax.iota(jnp.int32, 16)
        d_hi = [(lane + k * 16) // 8 for k in range(4)]
        d_lo = lane % 8

        def transpose(slot):
            src = rows_v.at[slot]
            dstT = rowsT_v.at[slot]

            @plsc.parallel_loop(0, IDX_W, step=1, unroll=4)
            def _(b):
                bvec = jnp.full((16,), b, jnp.int32)
                row = src.at[b]
                for k in range(4):
                    plsc.store_scatter(dstT, [d_hi[k], d_lo, bvec],
                                       row[pl.ds(k * 16, 16)])

        for c in range(NSLOT):
            fire_gather(c, c)

        def outer(o, carry):
            for b in range(NSLOT):
                i = o * NSLOT + b
                wait_gather(b)

                @pl.when(o > 0)
                def _():
                    wait_store(b)

                transpose(b)
                fire_store(i, b)

                @pl.when(o < n_outer - 1)
                def _():
                    fire_gather(i + NSLOT, b)
            return carry

        lax.fori_loop(0, n_outer, outer, 0)

        for b in range(NSLOT):
            wait_store(b)

    run = pl.kernel(
        body,
        out_type=jax.ShapeDtypeStruct((200, 8, 32, 8, 128), jnp.float32),
        mesh=mesh,
        scratch_types=[
            pltpu.VMEM((idx_per_worker,), jnp.int32),
            pltpu.VMEM((NSLOT, IDX_W, EMB_DIM), jnp.float32),
            pltpu.VMEM((NSLOT, 8, 8, IDX_W + 1), jnp.float32),
            pltpu.SemaphoreType.DMA((NSLOT,)),
            pltpu.SemaphoreType.DMA((NSLOT,)),
        ],
        compiler_params=pltpu.CompilerParams(use_tc_tiling_on_sc=False,
                                             needs_layout_passes=False),
    )
    return run(x_idx, table_lin.reshape(VOCAB_N, EMB_DIM))


def kernel(x, table):
    b, l = x.shape
    total = b * l
    x_idx = x.T.reshape(total).astype(jnp.int32)
    tail = jnp.pad(table[N_VBLK * IDX_W:].T, ((0, 0), (0, EMB_DIM)))
    table_lin = _relayout(table.T, tail)
    info = plsc.get_sparse_core_info()
    n_workers = info.num_cores * info.num_subcores
    idx_per_worker = total // n_workers
    out5 = _embed_lookup(x_idx, table_lin, idx_per_worker)
    out = (out5.transpose(0, 1, 3, 2, 4)
           .reshape(l, EMB_DIM, b)
           .transpose(2, 0, 1))
    return out

# --- scband reference (transcript-rebuilt; emitter-appended) ---
"""Pipeline reference for scband-normal-embedding-42588895707233 (READ-ONLY COPY).

The authoritative reference and input builder live on the scoring server;
editing this copy changes nothing except your own understanding.
"""

import jax, jax.numpy as jnp
import numpy as np

VOCAB = 1000000
EMB_DIM = 64

def setup_inputs(seed: int = 0) -> dict:
    key = jax.random.key(seed)
    k_idx, k_tab = jax.random.split(key)
    x = jax.random.randint(k_idx, (4096, 200), 0, VOCAB, dtype=jnp.int64)
    # nn.Embedding default init: N(0, 1)
    table = jax.random.normal(k_tab, (VOCAB, EMB_DIM), dtype=jnp.float32)
    return {"x": x, "table": table}

def reference(x, table):
    # Faithful translation of nn.Embedding lookup: out[b, l, :] = table[x[b, l], :]
    return jnp.take(table, x, axis=0)

if __name__ == "__main__":
    import jax
    _d = setup_inputs()
    print(jax.jit(kernel)(*tuple(_d.values())))

</pallas_src>

<mosaic_0001>
#map = affine_map<(d0, d1) -> (0, 0)>
module attributes {stable_mosaic.version = 14 : i64} {
  func.func @body(%arg0: i32, %arg1: i32, %arg2: memref<64x1000000xf32, #tpu.memory_space<hbm>>, %arg3: memref<64x128xf32, #tpu.memory_space<hbm>>, %arg4: memref<500000x128xf32, #tpu.memory_space<hbm>>, %arg5: memref<2x64x128xf32, #tpu.memory_space<vmem>>, %arg6: memref<2x64x129xf32, #tpu.memory_space<vmem>>, %arg7: memref<2x!tpu.dma_semaphore, #tpu.memory_space<semaphore_mem>>, %arg8: memref<2x!tpu.dma_semaphore, #tpu.memory_space<semaphore_mem>>) attributes {dimension_semantics = [#tpu.dimension_semantics<core_parallel>, #tpu.dimension_semantics<subcore_parallel>], iteration_bounds = array<i64: 2, 16>, scalar_prefetch = 0 : i64, scratch_operands = 4 : i64, tpu.core_type = #tpu.core_type<sc_vector_subcore>, window_params = [{transform_indices = #map}, {transform_indices = #map}, {transform_indices = #map}]} {
    %mul3A = arith.constant 2 : i32
    %mul3A_0 = arith.muli %arg1, %mul3A : i32
    %add3A = arith.addi %mul3A_0, %arg0 : i32
    %iota3A = tpu.iota {dimensions = array<i32: 0>} : vector<16xi32>
    %add3A_1 = arith.constant 0 : i32
    %add3A_2 = vector.broadcast %add3A_1 : i32 to vector<16xi32>
    %add3A_3 = arith.addi %iota3A, %add3A_2 : vector<16xi32>
    %add3A_4 = arith.constant 16 : i32
    %add3A_5 = vector.broadcast %add3A_4 : i32 to vector<16xi32>
    %add3A_6 = arith.addi %iota3A, %add3A_5 : vector<16xi32>
    %add3A_7 = arith.constant 32 : i32
    %add3A_8 = vector.broadcast %add3A_7 : i32 to vector<16xi32>
    %add3A_9 = arith.addi %iota3A, %add3A_8 : vector<16xi32>
    %add3A_10 = arith.constant 48 : i32
    %add3A_11 = vector.broadcast %add3A_10 : i32 to vector<16xi32>
    %add3A_12 = arith.addi %iota3A, %add3A_11 : vector<16xi32>
    %add3A_13 = arith.constant 64 : i32
    %add3A_14 = vector.broadcast %add3A_13 : i32 to vector<16xi32>
    %add3A_15 = arith.addi %iota3A, %add3A_14 : vector<16xi32>
    %add3A_16 = arith.constant 80 : i32
    %add3A_17 = vector.broadcast %add3A_16 : i32 to vector<16xi32>
    %add3A_18 = arith.addi %iota3A, %add3A_17 : vector<16xi32>
    %add3A_19 = arith.constant 96 : i32
    %add3A_20 = vector.broadcast %add3A_19 : i32 to vector<16xi32>
    %add3A_21 = arith.addi %iota3A, %add3A_20 : vector<16xi32>
    %add3A_22 = arith.constant 112 : i32
    %add3A_23 = vector.broadcast %add3A_22 : i32 to vector<16xi32>
    %add3A_24 = arith.addi %iota3A, %add3A_23 : vector<16xi32>
    %jit3A = arith.constant 2 : i32
    %div3A = vector.broadcast %jit3A : i32 to vector<16xi32>
    %div3A_25 = arith.divsi %add3A_3, %div3A : vector<16xi32>
    %sign3A = arith.constant 0 : i32
    %sign3A_26 = vector.broadcast %sign3A : i32 to vector<16xi32>
    %sign3A_27 = arith.cmpi sgt, %add3A_3, %sign3A_26 : vector<16xi32>
    %sign3A_28 = arith.extui %sign3A_27 : vector<16xi1> to vector<16xi32>
    %sign3A_29 = arith.constant 0 : i32
    %sign3A_30 = vector.broadcast %sign3A_29 : i32 to vector<16xi32>
    %sign3A_31 = arith.cmpi slt, %add3A_3, %sign3A_30 : vector<16xi32>
    %sign3A_32 = arith.extui %sign3A_31 : vector<16xi1> to vector<16xi32>
    %sign3A_33 = arith.subi %sign3A_28, %sign3A_32 : vector<16xi32>
    %sign3A_34 = arith.constant 0 : i32
    %sign3A_35 = arith.cmpi sgt, %jit3A, %sign3A_34 : i32
    %sign3A_36 = arith.extui %sign3A_35 : i1 to i32
    %sign3A_37 = arith.constant 0 : i32
    %sign3A_38 = arith.cmpi slt, %jit3A, %sign3A_37 : i32
    %sign3A_39 = arith.extui %sign3A_38 : i1 to i32
    %sign3A_40 = arith.subi %sign3A_36, %sign3A_39 : i32
    %ne3A = vector.broadcast %sign3A_40 : i32 to vector<16xi32>
    %ne3A_41 = arith.cmpi ne, %sign3A_33, %ne3A : vector<16xi32>
    %rem3A = vector.broadcast %jit3A : i32 to vector<16xi32>
    %rem3A_42 = arith.remsi %add3A_3, %rem3A : vector<16xi32>
    %ne3A_43 = arith.constant 0 : i32
    %ne3A_44 = vector.broadcast %ne3A_43 : i32 to vector<16xi32>
    %ne3A_45 = arith.cmpi ne, %rem3A_42, %ne3A_44 : vector<16xi32>
    %and3A = arith.andi %ne3A_41, %ne3A_45 : vector<16xi1>
    %sub3A = arith.constant 1 : i32
    %sub3A_46 = vector.broadcast %sub3A : i32 to vector<16xi32>
    %sub3A_47 = arith.subi %div3A_25, %sub3A_46 : vector<16xi32>
    %select_n3A = arith.select %and3A, %sub3A_47, %div3A_25 : vector<16xi1>, vector<16xi32>
    %jit3A_48 = arith.constant 2 : i32
    %div3A_49 = vector.broadcast %jit3A_48 : i32 to vector<16xi32>
    %div3A_50 = arith.divsi %add3A_6, %div3A_49 : vector<16xi32>
    %sign3A_51 = arith.constant 0 : i32
    %sign3A_52 = vector.broadcast %sign3A_51 : i32 to vector<16xi32>
    %sign3A_53 = arith.cmpi sgt, %add3A_6, %sign3A_52 : vector<16xi32>
    %sign3A_54 = arith.extui %sign3A_53 : vector<16xi1> to vector<16xi32>
    %sign3A_55 = arith.constant 0 : i32
    %sign3A_56 = vector.broadcast %sign3A_55 : i32 to vector<16xi32>
    %sign3A_57 = arith.cmpi slt, %add3A_6, %sign3A_56 : vector<16xi32>
    %sign3A_58 = arith.extui %sign3A_57 : vector<16xi1> to vector<16xi32>
    %sign3A_59 = arith.subi %sign3A_54, %sign3A_58 : vector<16xi32>
    %sign3A_60 = arith.constant 0 : i32
    %sign3A_61 = arith.cmpi sgt, %jit3A_48, %sign3A_60 : i32
    %sign3A_62 = arith.extui %sign3A_61 : i1 to i32
    %sign3A_63 = arith.constant 0 : i32
    %sign3A_64 = arith.cmpi slt, %jit3A_48, %sign3A_63 : i32
    %sign3A_65 = arith.extui %sign3A_64 : i1 to i32
    %sign3A_66 = arith.subi %sign3A_62, %sign3A_65 : i32
    %ne3A_67 = vector.broadcast %sign3A_66 : i32 to vector<16xi32>
    %ne3A_68 = arith.cmpi ne, %sign3A_59, %ne3A_67 : vector<16xi32>
    %rem3A_69 = vector.broadcast %jit3A_48 : i32 to vector<16xi32>
    %rem3A_70 = arith.remsi %add3A_6, %rem3A_69 : vector<16xi32>
    %ne3A_71 = arith.constant 0 : i32
    %ne3A_72 = vector.broadcast %ne3A_71 : i32 to vector<16xi32>
    %ne3A_73 = arith.cmpi ne, %rem3A_70, %ne3A_72 : vector<16xi32>
    %and3A_74 = arith.andi %ne3A_68, %ne3A_73 : vector<16xi1>
    %sub3A_75 = arith.constant 1 : i32
    %sub3A_76 = vector.broadcast %sub3A_75 : i32 to vector<16xi32>
    %sub3A_77 = arith.subi %div3A_50, %sub3A_76 : vector<16xi32>
    %select_n3A_78 = arith.select %and3A_74, %sub3A_77, %div3A_50 : vector<16xi1>, vector<16xi32>
    %jit3A_79 = arith.constant 2 : i32
    %div3A_80 = vector.broadcast %jit3A_79 : i32 to vector<16xi32>
    %div3A_81 = arith.divsi %add3A_9, %div3A_80 : vector<16xi32>
    %sign3A_82 = arith.constant 0 : i32
    %sign3A_83 = vector.broadcast %sign3A_82 : i32 to vector<16xi32>
    %sign3A_84 = arith.cmpi sgt, %add3A_9, %sign3A_83 : vector<16xi32>
    %sign3A_85 = arith.extui %sign3A_84 : vector<16xi1> to vector<16xi32>
    %sign3A_86 = arith.constant 0 : i32
    %sign3A_87 = vector.broadcast %sign3A_86 : i32 to vector<16xi32>
    %sign3A_88 = arith.cmpi slt, %add3A_9, %sign3A_87 : vector<16xi32>
    %sign3A_89 = arith.extui %sign3A_88 : vector<16xi1> to vector<16xi32>
    %sign3A_90 = arith.subi %sign3A_85, %sign3A_89 : vector<16xi32>
    %sign3A_91 = arith.constant 0 : i32
    %sign3A_92 = arith.cmpi sgt, %jit3A_79, %sign3A_91 : i32
    %sign3A_93 = arith.extui %sign3A_92 : i1 to i32
    %sign3A_94 = arith.constant 0 : i32
    %sign3A_95 = arith.cmpi slt, %jit3A_79, %sign3A_94 : i32
    %sign3A_96 = arith.extui %sign3A_95 : i1 to i32
    %sign3A_97 = arith.subi %sign3A_93, %sign3A_96 : i32
    %ne3A_98 = vector.broadcast %sign3A_97 : i32 to vector<16xi32>
    %ne3A_99 = arith.cmpi ne, %sign3A_90, %ne3A_98 : vector<16xi32>
    %rem3A_100 = vector.broadcast %jit3A_79 : i32 to vector<16xi32>
    %rem3A_101 = arith.remsi %add3A_9, %rem3A_100 : vector<16xi32>
    %ne3A_102 = arith.constant 0 : i32
    %ne3A_103 = vector.broadcast %ne3A_102 : i32 to vector<16xi32>
    %ne3A_104 = arith.cmpi ne, %rem3A_101, %ne3A_103 : vector<16xi32>
    %and3A_105 = arith.andi %ne3A_99, %ne3A_104 : vector<16xi1>
    %sub3A_106 = arith.constant 1 : i32
    %sub3A_107 = vector.broadcast %sub3A_106 : i32 to vector<16xi32>
    %sub3A_108 = arith.subi %div3A_81, %sub3A_107 : vector<16xi32>
    %select_n3A_109 = arith.select %and3A_105, %sub3A_108, %div3A_81 : vector<16xi1>, vector<16xi32>
    %jit3A_110 = arith.constant 2 : i32
    %div3A_111 = vector.broadcast %jit3A_110 : i32 to vector<16xi32>
    %div3A_112 = arith.divsi %add3A_12, %div3A_111 : vector<16xi32>
    %sign3A_113 = arith.constant 0 : i32
    %sign3A_114 = vector.broadcast %sign3A_113 : i32 to vector<16xi32>
    %sign3A_115 = arith.cmpi sgt, %add3A_12, %sign3A_114 : vector<16xi32>
    %sign3A_116 = arith.extui %sign3A_115 : vector<16xi1> to vector<16xi32>
    %sign3A_117 = arith.constant 0 : i32
    %sign3A_118 = vector.broadcast %sign3A_117 : i32 to vector<16xi32>
    %sign3A_119 = arith.cmpi slt, %add3A_12, %sign3A_118 : vector<16xi32>
    %sign3A_120 = arith.extui %sign3A_119 : vector<16xi1> to vector<16xi32>
    %sign3A_121 = arith.subi %sign3A_116, %sign3A_120 : vector<16xi32>
    %sign3A_122 = arith.constant 0 : i32
    %sign3A_123 = arith.cmpi sgt, %jit3A_110, %sign3A_122 : i32
    %sign3A_124 = arith.extui %sign3A_123 : i1 to i32
    %sign3A_125 = arith.constant 0 : i32
    %sign3A_126 = arith.cmpi slt, %jit3A_110, %sign3A_125 : i32
    %sign3A_127 = arith.extui %sign3A_126 : i1 to i32
    %sign3A_128 = arith.subi %sign3A_124, %sign3A_127 : i32
    %ne3A_129 = vector.broadcast %sign3A_128 : i32 to vector<16xi32>
    %ne3A_130 = arith.cmpi ne, %sign3A_121, %ne3A_129 : vector<16xi32>
    %rem3A_131 = vector.broadcast %jit3A_110 : i32 to vector<16xi32>
    %rem3A_132 = arith.remsi %add3A_12, %rem3A_131 : vector<16xi32>
    %ne3A_133 = arith.constant 0 : i32
    %ne3A_134 = vector.broadcast %ne3A_133 : i32 to vector<16xi32>
    %ne3A_135 = arith.cmpi ne, %rem3A_132, %ne3A_134 : vector<16xi32>
    %and3A_136 = arith.andi %ne3A_130, %ne3A_135 : vector<16xi1>
    %sub3A_137 = arith.constant 1 : i32
    %sub3A_138 = vector.broadcast %sub3A_137 : i32 to vector<16xi32>
    %sub3A_139 = arith.subi %div3A_112, %sub3A_138 : vector<16xi32>
    %select_n3A_140 = arith.select %and3A_136, %sub3A_139, %div3A_112 : vector<16xi1>, vector<16xi32>
    %jit3A_141 = arith.constant 2 : i32
    %div3A_142 = vector.broadcast %jit3A_141 : i32 to vector<16xi32>
    %div3A_143 = arith.divsi %add3A_15, %div3A_142 : vector<16xi32>
    %sign3A_144 = arith.constant 0 : i32
    %sign3A_145 = vector.broadcast %sign3A_144 : i32 to vector<16xi32>
    %sign3A_146 = arith.cmpi sgt, %add3A_15, %sign3A_145 : vector<16xi32>
    %sign3A_147 = arith.extui %sign3A_146 : vector<16xi1> to vector<16xi32>
    %sign3A_148 = arith.constant 0 : i32
    %sign3A_149 = vector.broadcast %sign3A_148 : i32 to vector<16xi32>
    %sign3A_150 = arith.cmpi slt, %add3A_15, %sign3A_149 : vector<16xi32>
    %sign3A_151 = arith.extui %sign3A_150 : vector<16xi1> to vector<16xi32>
    %sign3A_152 = arith.subi %sign3A_147, %sign3A_151 : vector<16xi32>
    %sign3A_153 = arith.constant 0 : i32
    %sign3A_154 = arith.cmpi sgt, %jit3A_141, %sign3A_153 : i32
    %sign3A_155 = arith.extui %sign3A_154 : i1 to i32
    %sign3A_156 = arith.constant 0 : i32
    %sign3A_157 = arith.cmpi slt, %jit3A_141, %sign3A_156 : i32
    %sign3A_158 = arith.extui %sign3A_157 : i1 to i32
    %sign3A_159 = arith.subi %sign3A_155, %sign3A_158 : i32
    %ne3A_160 = vector.broadcast %sign3A_159 : i32 to vector<16xi32>
    %ne3A_161 = arith.cmpi ne, %sign3A_152, %ne3A_160 : vector<16xi32>
    %rem3A_162 = vector.broadcast %jit3A_141 : i32 to vector<16xi32>
    %rem3A_163 = arith.remsi %add3A_15, %rem3A_162 : vector<16xi32>
    %ne3A_164 = arith.constant 0 : i32
    %ne3A_165 = vector.broadcast %ne3A_164 : i32 to vector<16xi32>
    %ne3A_166 = arith.cmpi ne, %rem3A_163, %ne3A_165 : vector<16xi32>
    %and3A_167 = arith.andi %ne3A_161, %ne3A_166 : vector<16xi1>
    %sub3A_168 = arith.constant 1 : i32
    %sub3A_169 = vector.broadcast %sub3A_168 : i32 to vector<16xi32>
    %sub3A_170 = arith.subi %div3A_143, %sub3A_169 : vector<16xi32>
    %select_n3A_171 = arith.select %and3A_167, %sub3A_170, %div3A_143 : vector<16xi1>, vector<16xi32>
    %jit3A_172 = arith.constant 2 : i32
    %div3A_173 = vector.broadcast %jit3A_172 : i32 to vector<16xi32>
    %div3A_174 = arith.divsi %add3A_18, %div3A_173 : vector<16xi32>
    %sign3A_175 = arith.constant 0 : i32
    %sign3A_176 = vector.broadcast %sign3A_175 : i32 to vector<16xi32>
    %sign3A_177 = arith.cmpi sgt, %add3A_18, %sign3A_176 : vector<16xi32>
    %sign3A_178 = arith.extui %sign3A_177 : vector<16xi1> to vector<16xi32>
    %sign3A_179 = arith.constant 0 : i32
    %sign3A_180 = vector.broadcast %sign3A_179 : i32 to vector<16xi32>
    %sign3A_181 = arith.cmpi slt, %add3A_18, %sign3A_180 : vector<16xi32>
    %sign3A_182 = arith.extui %sign3A_181 : vector<16xi1> to vector<16xi32>
    %sign3A_183 = arith.subi %sign3A_178, %sign3A_182 : vector<16xi32>
    %sign3A_184 = arith.constant 0 : i32
    %sign3A_185 = arith.cmpi sgt, %jit3A_172, %sign3A_184 : i32
    %sign3A_186 = arith.extui %sign3A_185 : i1 to i32
    %sign3A_187 = arith.constant 0 : i32
    %sign3A_188 = arith.cmpi slt, %jit3A_172, %sign3A_187 : i32
    %sign3A_189 = arith.extui %sign3A_188 : i1 to i32
    %sign3A_190 = arith.subi %sign3A_186, %sign3A_189 : i32
    %ne3A_191 = vector.broadcast %sign3A_190 : i32 to vector<16xi32>
    %ne3A_192 = arith.cmpi ne, %sign3A_183, %ne3A_191 : vector<16xi32>
    %rem3A_193 = vector.broadcast %jit3A_172 : i32 to vector<16xi32>
    %rem3A_194 = arith.remsi %add3A_18, %rem3A_193 : vector<16xi32>
    %ne3A_195 = arith.constant 0 : i32
    %ne3A_196 = vector.broadcast %ne3A_195 : i32 to vector<16xi32>
    %ne3A_197 = arith.cmpi ne, %rem3A_194, %ne3A_196 : vector<16xi32>
    %and3A_198 = arith.andi %ne3A_192, %ne3A_197 : vector<16xi1>
    %sub3A_199 = arith.constant 1 : i32
    %sub3A_200 = vector.broadcast %sub3A_199 : i32 to vector<16xi32>
    %sub3A_201 = arith.subi %div3A_174, %sub3A_200 : vector<16xi32>
    %select_n3A_202 = arith.select %and3A_198, %sub3A_201, %div3A_174 : vector<16xi1>, vector<16xi32>
    %jit3A_203 = arith.constant 2 : i32
    %div3A_204 = vector.broadcast %jit3A_203 : i32 to vector<16xi32>
    %div3A_205 = arith.divsi %add3A_21, %div3A_204 : vector<16xi32>
    %sign3A_206 = arith.constant 0 : i32
    %sign3A_207 = vector.broadcast %sign3A_206 : i32 to vector<16xi32>
    %sign3A_208 = arith.cmpi sgt, %add3A_21, %sign3A_207 : vector<16xi32>
    %sign3A_209 = arith.extui %sign3A_208 : vector<16xi1> to vector<16xi32>
    %sign3A_210 = arith.constant 0 : i32
    %sign3A_211 = vector.broadcast %sign3A_210 : i32 to vector<16xi32>
    %sign3A_212 = arith.cmpi slt, %add3A_21, %sign3A_211 : vector<16xi32>
    %sign3A_213 = arith.extui %sign3A_212 : vector<16xi1> to vector<16xi32>
    %sign3A_214 = arith.subi %sign3A_209, %sign3A_213 : vector<16xi32>
    %sign3A_215 = arith.constant 0 : i32
    %sign3A_216 = arith.cmpi sgt, %jit3A_203, %sign3A_215 : i32
    %sign3A_217 = arith.extui %sign3A_216 : i1 to i32
    %sign3A_218 = arith.constant 0 : i32
    %sign3A_219 = arith.cmpi slt, %jit3A_203, %sign3A_218 : i32
    %sign3A_220 = arith.extui %sign3A_219 : i1 to i32
    %sign3A_221 = arith.subi %sign3A_217, %sign3A_220 : i32
    %ne3A_222 = vector.broadcast %sign3A_221 : i32 to vector<16xi32>
    %ne3A_223 = arith.cmpi ne, %sign3A_214, %ne3A_222 : vector<16xi32>
    %rem3A_224 = vector.broadcast %jit3A_203 : i32 to vector<16xi32>
    %rem3A_225 = arith.remsi %add3A_21, %rem3A_224 : vector<16xi32>
    %ne3A_226 = arith.constant 0 : i32
    %ne3A_227 = vector.broadcast %ne3A_226 : i32 to vector<16xi32>
    %ne3A_228 = arith.cmpi ne, %rem3A_225, %ne3A_227 : vector<16xi32>
    %and3A_229 = arith.andi %ne3A_223, %ne3A_228 : vector<16xi1>
    %sub3A_230 = arith.constant 1 : i32
    %sub3A_231 = vector.broadcast %sub3A_230 : i32 to vector<16xi32>
    %sub3A_232 = arith.subi %div3A_205, %sub3A_231 : vector<16xi32>
    %select_n3A_233 = arith.select %and3A_229, %sub3A_232, %div3A_205 : vector<16xi1>, vector<16xi32>
    %jit3A_234 = arith.constant 2 : i32
    %div3A_235 = vector.broadcast %jit3A_234 : i32 to vector<16xi32>
    %div3A_236 = arith.divsi %add3A_24, %div3A_235 : vector<16xi32>
    %sign3A_237 = arith.constant 0 : i32
    %sign3A_238 = vector.broadcast %sign3A_237 : i32 to vector<16xi32>
    %sign3A_239 = arith.cmpi sgt, %add3A_24, %sign3A_238 : vector<16xi32>
    %sign3A_240 = arith.extui %sign3A_239 : vector<16xi1> to vector<16xi32>
    %sign3A_241 = arith.constant 0 : i32
    %sign3A_242 = vector.broadcast %sign3A_241 : i32 to vector<16xi32>
    %sign3A_243 = arith.cmpi slt, %add3A_24, %sign3A_242 : vector<16xi32>
    %sign3A_244 = arith.extui %sign3A_243 : vector<16xi1> to vector<16xi32>
    %sign3A_245 = arith.subi %sign3A_240, %sign3A_244 : vector<16xi32>
    %sign3A_246 = arith.constant 0 : i32
    %sign3A_247 = arith.cmpi sgt, %jit3A_234, %sign3A_246 : i32
    %sign3A_248 = arith.extui %sign3A_247 : i1 to i32
    %sign3A_249 = arith.constant 0 : i32
    %sign3A_250 = arith.cmpi slt, %jit3A_234, %sign3A_249 : i32
    %sign3A_251 = arith.extui %sign3A_250 : i1 to i32
    %sign3A_252 = arith.subi %sign3A_248, %sign3A_251 : i32
    %ne3A_253 = vector.broadcast %sign3A_252 : i32 to vector<16xi32>
    %ne3A_254 = arith.cmpi ne, %sign3A_245, %ne3A_253 : vector<16xi32>
    %rem3A_255 = vector.broadcast %jit3A_234 : i32 to vector<16xi32>
    %rem3A_256 = arith.remsi %add3A_24, %rem3A_255 : vector<16xi32>
    %ne3A_257 = arith.constant 0 : i32
    %ne3A_258 = vector.broadcast %ne3A_257 : i32 to vector<16xi32>
    %ne3A_259 = arith.cmpi ne, %rem3A_256, %ne3A_258 : vector<16xi32>
    %and3A_260 = arith.andi %ne3A_254, %ne3A_259 : vector<16xi1>
    %sub3A_261 = arith.constant 1 : i32
    %sub3A_262 = vector.broadcast %sub3A_261 : i32 to vector<16xi32>
    %sub3A_263 = arith.subi %div3A_236, %sub3A_262 : vector<16xi32>
    %select_n3A_264 = arith.select %and3A_260, %sub3A_263, %div3A_236 : vector<16xi1>, vector<16xi32>
    %jit3A_265 = arith.constant 2 : i32
    %eq3A = arith.constant 0 : i32
    %eq3A_266 = arith.cmpi eq, %jit3A_265, %eq3A : i32
    %jit3A_267 = arith.constant 1 : i32
    %select_n3A_268 = arith.select %eq3A_266, %jit3A_267, %jit3A_265 : i32
    %rem3A_269 = vector.broadcast %select_n3A_268 : i32 to vector<16xi32>
    %rem3A_270 = arith.remsi %add3A_3, %rem3A_269 : vector<16xi32>
    %ne3A_271 = arith.constant 0 : i32
    %ne3A_272 = vector.broadcast %ne3A_271 : i32 to vector<16xi32>
    %ne3A_273 = arith.cmpi ne, %rem3A_270, %ne3A_272 : vector<16xi32>
    %lt3A = arith.constant 0 : i32
    %lt3A_274 = vector.broadcast %lt3A : i32 to vector<16xi32>
    %lt3A_275 = arith.cmpi slt, %rem3A_270, %lt3A_274 : vector<16xi32>
    %lt3A_276 = arith.constant 0 : i32
    %lt3A_277 = arith.cmpi slt, %select_n3A_268, %lt3A_276 : i32
    %ne3A_278 = vector.broadcast %lt3A_277 : i1 to vector<16xi1>
    %ne3A_279 = vector.broadcast %ne3A_278 : vector<16xi1> to vector<16xi1>
    %ne3A_280 = arith.xori %lt3A_275, %ne3A_279 : vector<16xi1>
    %and3A_281 = arith.andi %ne3A_280, %ne3A_273 : vector<16xi1>
    %add3A_282 = vector.broadcast %select_n3A_268 : i32 to vector<16xi32>
    %add3A_283 = arith.addi %rem3A_270, %add3A_282 : vector<16xi32>
    %select_n3A_284 = arith.select %and3A_281, %add3A_283, %rem3A_270 : vector<16xi1>, vector<16xi32>
    %mul3A_285 = arith.constant 64 : i32
    %mul3A_286 = vector.broadcast %mul3A_285 : i32 to vector<16xi32>
    %mul3A_287 = arith.muli %select_n3A_284, %mul3A_286 : vector<16xi32>
    %jit3A_288 = arith.constant 2 : i32
    %eq3A_289 = arith.constant 0 : i32
    %eq3A_290 = arith.cmpi eq, %jit3A_288, %eq3A_289 : i32
    %jit3A_291 = arith.constant 1 : i32
    %select_n3A_292 = arith.select %eq3A_290, %jit3A_291, %jit3A_288 : i32
    %rem3A_293 = vector.broadcast %select_n3A_292 : i32 to vector<16xi32>
    %rem3A_294 = arith.remsi %add3A_6, %rem3A_293 : vector<16xi32>
    %ne3A_295 = arith.constant 0 : i32
    %ne3A_296 = vector.broadcast %ne3A_295 : i32 to vector<16xi32>
    %ne3A_297 = arith.cmpi ne, %rem3A_294, %ne3A_296 : vector<16xi32>
    %lt3A_298 = arith.constant 0 : i32
    %lt3A_299 = vector.broadcast %lt3A_298 : i32 to vector<16xi32>
    %lt3A_300 = arith.cmpi slt, %rem3A_294, %lt3A_299 : vector<16xi32>
    %lt3A_301 = arith.constant 0 : i32
    %lt3A_302 = arith.cmpi slt, %select_n3A_292, %lt3A_301 : i32
    %ne3A_303 = vector.broadcast %lt3A_302 : i1 to vector<16xi1>
    %ne3A_304 = vector.broadcast %ne3A_303 : vector<16xi1> to vector<16xi1>
    %ne3A_305 = arith.xori %lt3A_300, %ne3A_304 : vector<16xi1>
    %and3A_306 = arith.andi %ne3A_305, %ne3A_297 : vector<16xi1>
    %add3A_307 = vector.broadcast %select_n3A_292 : i32 to vector<16xi32>
    %add3A_308 = arith.addi %rem3A_294, %add3A_307 : vector<16xi32>
    %select_n3A_309 = arith.select %and3A_306, %add3A_308, %rem3A_294 : vector<16xi1>, vector<16xi32>
    %mul3A_310 = arith.constant 64 : i32
    %mul3A_311 = vector.broadcast %mul3A_310 : i32 to vector<16xi32>
    %mul3A_312 = arith.muli %select_n3A_309, %mul3A_311 : vector<16xi32>
    %jit3A_313 = arith.constant 2 : i32
    %eq3A_314 = arith.constant 0 : i32
    %eq3A_315 = arith.cmpi eq, %jit3A_313, %eq3A_314 : i32
    %jit3A_316 = arith.constant 1 : i32
    %select_n3A_317 = arith.select %eq3A_315, %jit3A_316, %jit3A_313 : i32
    %rem3A_318 = vector.broadcast %select_n3A_317 : i32 to vector<16xi32>
    %rem3A_319 = arith.remsi %add3A_9, %rem3A_318 : vector<16xi32>
    %ne3A_320 = arith.constant 0 : i32
    %ne3A_321 = vector.broadcast %ne3A_320 : i32 to vector<16xi32>
    %ne3A_322 = arith.cmpi ne, %rem3A_319, %ne3A_321 : vector<16xi32>
    %lt3A_323 = arith.constant 0 : i32
    %lt3A_324 = vector.broadcast %lt3A_323 : i32 to vector<16xi32>
    %lt3A_325 = arith.cmpi slt, %rem3A_319, %lt3A_324 : vector<16xi32>
    %lt3A_326 = arith.constant 0 : i32
    %lt3A_327 = arith.cmpi slt, %select_n3A_317, %lt3A_326 : i32
    %ne3A_328 = vector.broadcast %lt3A_327 : i1 to vector<16xi1>
    %ne3A_329 = vector.broadcast %ne3A_328 : vector<16xi1> to vector<16xi1>
    %ne3A_330 = arith.xori %lt3A_325, %ne3A_329 : vector<16xi1>
    %and3A_331 = arith.andi %ne3A_330, %ne3A_322 : vector<16xi1>
    %add3A_332 = vector.broadcast %select_n3A_317 : i32 to vector<16xi32>
    %add3A_333 = arith.addi %rem3A_319, %add3A_332 : vector<16xi32>
    %select_n3A_334 = arith.select %and3A_331, %add3A_333, %rem3A_319 : vector<16xi1>, vector<16xi32>
    %mul3A_335 = arith.constant 64 : i32
    %mul3A_336 = vector.broadcast %mul3A_335 : i32 to vector<16xi32>
    %mul3A_337 = arith.muli %select_n3A_334, %mul3A_336 : vector<16xi32>
    %jit3A_338 = arith.constant 2 : i32
    %eq3A_339 = arith.constant 0 : i32
    %eq3A_340 = arith.cmpi eq, %jit3A_338, %eq3A_339 : i32
    %jit3A_341 = arith.constant 1 : i32
    %select_n3A_342 = arith.select %eq3A_340, %jit3A_341, %jit3A_338 : i32
    %rem3A_343 = vector.broadcast %select_n3A_342 : i32 to vector<16xi32>
    %rem3A_344 = arith.remsi %add3A_12, %rem3A_343 : vector<16xi32>
    %ne3A_345 = arith.constant 0 : i32
    %ne3A_346 = vector.broadcast %ne3A_345 : i32 to vector<16xi32>
    %ne3A_347 = arith.cmpi ne, %rem3A_344, %ne3A_346 : vector<16xi32>
    %lt3A_348 = arith.constant 0 : i32
    %lt3A_349 = vector.broadcast %lt3A_348 : i32 to vector<16xi32>
    %lt3A_350 = arith.cmpi slt, %rem3A_344, %lt3A_349 : vector<16xi32>
    %lt3A_351 = arith.constant 0 : i32
    %lt3A_352 = arith.cmpi slt, %select_n3A_342, %lt3A_351 : i32
    %ne3A_353 = vector.broadcast %lt3A_352 : i1 to vector<16xi1>
    %ne3A_354 = vector.broadcast %ne3A_353 : vector<16xi1> to vector<16xi1>
    %ne3A_355 = arith.xori %lt3A_350, %ne3A_354 : vector<16xi1>
    %and3A_356 = arith.andi %ne3A_355, %ne3A_347 : vector<16xi1>
    %add3A_357 = vector.broadcast %select_n3A_342 : i32 to vector<16xi32>
    %add3A_358 = arith.addi %rem3A_344, %add3A_357 : vector<16xi32>
    %select_n3A_359 = arith.select %and3A_356, %add3A_358, %rem3A_344 : vector<16xi1>, vector<16xi32>
    %mul3A_360 = arith.constant 64 : i32
    %mul3A_361 = vector.broadcast %mul3A_360 : i32 to vector<16xi32>
    %mul3A_362 = arith.muli %select_n3A_359, %mul3A_361 : vector<16xi32>
    %jit3A_363 = arith.constant 2 : i32
    %eq3A_364 = arith.constant 0 : i32
    %eq3A_365 = arith.cmpi eq, %jit3A_363, %eq3A_364 : i32
    %jit3A_366 = arith.constant 1 : i32
    %select_n3A_367 = arith.select %eq3A_365, %jit3A_366, %jit3A_363 : i32
    %rem3A_368 = vector.broadcast %select_n3A_367 : i32 to vector<16xi32>
    %rem3A_369 = arith.remsi %add3A_15, %rem3A_368 : vector<16xi32>
    %ne3A_370 = arith.constant 0 : i32
    %ne3A_371 = vector.broadcast %ne3A_370 : i32 to vector<16xi32>
    %ne3A_372 = arith.cmpi ne, %rem3A_369, %ne3A_371 : vector<16xi32>
    %lt3A_373 = arith.constant 0 : i32
    %lt3A_374 = vector.broadcast %lt3A_373 : i32 to vector<16xi32>
    %lt3A_375 = arith.cmpi slt, %rem3A_369, %lt3A_374 : vector<16xi32>
    %lt3A_376 = arith.constant 0 : i32
    %lt3A_377 = arith.cmpi slt, %select_n3A_367, %lt3A_376 : i32
    %ne3A_378 = vector.broadcast %lt3A_377 : i1 to vector<16xi1>
    %ne3A_379 = vector.broadcast %ne3A_378 : vector<16xi1> to vector<16xi1>
    %ne3A_380 = arith.xori %lt3A_375, %ne3A_379 : vector<16xi1>
    %and3A_381 = arith.andi %ne3A_380, %ne3A_372 : vector<16xi1>
    %add3A_382 = vector.broadcast %select_n3A_367 : i32 to vector<16xi32>
    %add3A_383 = arith.addi %rem3A_369, %add3A_382 : vector<16xi32>
    %select_n3A_384 = arith.select %and3A_381, %add3A_383, %rem3A_369 : vector<16xi1>, vector<16xi32>
    %mul3A_385 = arith.constant 64 : i32
    %mul3A_386 = vector.broadcast %mul3A_385 : i32 to vector<16xi32>
    %mul3A_387 = arith.muli %select_n3A_384, %mul3A_386 : vector<16xi32>
    %jit3A_388 = arith.constant 2 : i32
    %eq3A_389 = arith.constant 0 : i32
    %eq3A_390 = arith.cmpi eq, %jit3A_388, %eq3A_389 : i32
    %jit3A_391 = arith.constant 1 : i32
    %select_n3A_392 = arith.select %eq3A_390, %jit3A_391, %jit3A_388 : i32
    %rem3A_393 = vector.broadcast %select_n3A_392 : i32 to vector<16xi32>
    %rem3A_394 = arith.remsi %add3A_18, %rem3A_393 : vector<16xi32>
    %ne3A_395 = arith.constant 0 : i32
    %ne3A_396 = vector.broadcast %ne3A_395 : i32 to vector<16xi32>
    %ne3A_397 = arith.cmpi ne, %rem3A_394, %ne3A_396 : vector<16xi32>
    %lt3A_398 = arith.constant 0 : i32
    %lt3A_399 = vector.broadcast %lt3A_398 : i32 to vector<16xi32>
    %lt3A_400 = arith.cmpi slt, %rem3A_394, %lt3A_399 : vector<16xi32>
    %lt3A_401 = arith.constant 0 : i32
    %lt3A_402 = arith.cmpi slt, %select_n3A_392, %lt3A_401 : i32
    %ne3A_403 = vector.broadcast %lt3A_402 : i1 to vector<16xi1>
    %ne3A_404 = vector.broadcast %ne3A_403 : vector<16xi1> to vector<16xi1>
    %ne3A_405 = arith.xori %lt3A_400, %ne3A_404 : vector<16xi1>
    %and3A_406 = arith.andi %ne3A_405, %ne3A_397 : vector<16xi1>
    %add3A_407 = vector.broadcast %select_n3A_392 : i32 to vector<16xi32>
    %add3A_408 = arith.addi %rem3A_394, %add3A_407 : vector<16xi32>
    %select_n3A_409 = arith.select %and3A_406, %add3A_408, %rem3A_394 : vector<16xi1>, vector<16xi32>
    %mul3A_410 = arith.constant 64 : i32
    %mul3A_411 = vector.broadcast %mul3A_410 : i32 to vector<16xi32>
    %mul3A_412 = arith.muli %select_n3A_409, %mul3A_411 : vector<16xi32>
    %jit3A_413 = arith.constant 2 : i32
    %eq3A_414 = arith.constant 0 : i32
    %eq3A_415 = arith.cmpi eq, %jit3A_413, %eq3A_414 : i32
    %jit3A_416 = arith.constant 1 : i32
    %select_n3A_417 = arith.select %eq3A_415, %jit3A_416, %jit3A_413 : i32
    %rem3A_418 = vector.broadcast %select_n3A_417 : i32 to vector<16xi32>
    %rem3A_419 = arith.remsi %add3A_21, %rem3A_418 : vector<16xi32>
    %ne3A_420 = arith.constant 0 : i32
    %ne3A_421 = vector.broadcast %ne3A_420 : i32 to vector<16xi32>
    %ne3A_422 = arith.cmpi ne, %rem3A_419, %ne3A_421 : vector<16xi32>
    %lt3A_423 = arith.constant 0 : i32
    %lt3A_424 = vector.broadcast %lt3A_423 : i32 to vector<16xi32>
    %lt3A_425 = arith.cmpi slt, %rem3A_419, %lt3A_424 : vector<16xi32>
    %lt3A_426 = arith.constant 0 : i32
    %lt3A_427 = arith.cmpi slt, %select_n3A_417, %lt3A_426 : i32
    %ne3A_428 = vector.broadcast %lt3A_427 : i1 to vector<16xi1>
    %ne3A_429 = vector.broadcast %ne3A_428 : vector<16xi1> to vector<16xi1>
    %ne3A_430 = arith.xori %lt3A_425, %ne3A_429 : vector<16xi1>
    %and3A_431 = arith.andi %ne3A_430, %ne3A_422 : vector<16xi1>
    %add3A_432 = vector.broadcast %select_n3A_417 : i32 to vector<16xi32>
    %add3A_433 = arith.addi %rem3A_419, %add3A_432 : vector<16xi32>
    %select_n3A_434 = arith.select %and3A_431, %add3A_433, %rem3A_419 : vector<16xi1>, vector<16xi32>
    %mul3A_435 = arith.constant 64 : i32
    %mul3A_436 = vector.broadcast %mul3A_435 : i32 to vector<16xi32>
    %mul3A_437 = arith.muli %select_n3A_434, %mul3A_436 : vector<16xi32>
    %jit3A_438 = arith.constant 2 : i32
    %eq3A_439 = arith.constant 0 : i32
    %eq3A_440 = arith.cmpi eq, %jit3A_438, %eq3A_439 : i32
    %jit3A_441 = arith.constant 1 : i32
    %select_n3A_442 = arith.select %eq3A_440, %jit3A_441, %jit3A_438 : i32
    %rem3A_443 = vector.broadcast %select_n3A_442 : i32 to vector<16xi32>
    %rem3A_444 = arith.remsi %add3A_24, %rem3A_443 : vector<16xi32>
    %ne3A_445 = arith.constant 0 : i32
    %ne3A_446 = vector.broadcast %ne3A_445 : i32 to vector<16xi32>
    %ne3A_447 = arith.cmpi ne, %rem3A_444, %ne3A_446 : vector<16xi32>
    %lt3A_448 = arith.constant 0 : i32
    %lt3A_449 = vector.broadcast %lt3A_448 : i32 to vector<16xi32>
    %lt3A_450 = arith.cmpi slt, %rem3A_444, %lt3A_449 : vector<16xi32>
    %lt3A_451 = arith.constant 0 : i32
    %lt3A_452 = arith.cmpi slt, %select_n3A_442, %lt3A_451 : i32
    %ne3A_453 = vector.broadcast %lt3A_452 : i1 to vector<16xi1>
    %ne3A_454 = vector.broadcast %ne3A_453 : vector<16xi1> to vector<16xi1>
    %ne3A_455 = arith.xori %lt3A_450, %ne3A_454 : vector<16xi1>
    %and3A_456 = arith.andi %ne3A_455, %ne3A_447 : vector<16xi1>
    %add3A_457 = vector.broadcast %select_n3A_442 : i32 to vector<16xi32>
    %add3A_458 = arith.addi %rem3A_444, %add3A_457 : vector<16xi32>
    %select_n3A_459 = arith.select %and3A_456, %add3A_458, %rem3A_444 : vector<16xi1>, vector<16xi32>
    %mul3A_460 = arith.constant 64 : i32
    %mul3A_461 = vector.broadcast %mul3A_460 : i32 to vector<16xi32>
    %mul3A_462 = arith.muli %select_n3A_459, %mul3A_461 : vector<16xi32>
    %add3A_463 = arith.constant 0 : i32
    %add3A_464 = arith.addi %add3A_463, %add3A : i32
    %mul3A_465 = arith.constant 128 : i32
    %mul3A_466 = arith.muli %add3A_464, %mul3A_465 : i32
    %dma_start3A = arith.constant 0 : i32
    %dma_start3A_467 = arith.constant 0 : i32
    %dma_start3A_468 = arith.constant 0 : i32
    %dma_start3A_469 = arith.constant 0 : i32
    %dma_start3A_470 = tpu.memref_slice %arg5[%dma_start3A, %dma_start3A_468, %dma_start3A_469] : memref<2x64x128xf32, #tpu.memory_space<vmem>> -> memref<1x64x128xf32, #tpu.memory_space<vmem>>
    %dma_start3A_471 = tpu.memref_squeeze %dma_start3A_470 : memref<1x64x128xf32, #tpu.memory_space<vmem>> -> memref<64x128xf32, #tpu.memory_space<vmem>>
    %dma_start3A_472 = arith.constant 0 : i32
    %dma_start3A_473 = tpu.memref_slice %arg2[%dma_start3A_472, %mul3A_466] : memref<64x1000000xf32, #tpu.memory_space<hbm>> -> memref<64x128xf32, #tpu.memory_space<hbm>>
    %dma_start3A_474 = tpu.memref_slice %arg7[%dma_start3A_467] : memref<2x!tpu.dma_semaphore, #tpu.memory_space<semaphore_mem>> -> memref<1x!tpu.dma_semaphore, #tpu.memory_space<semaphore_mem>>
    %dma_start3A_475 = tpu.memref_squeeze %dma_start3A_474 : memref<1x!tpu.dma_semaphore, #tpu.memory_space<semaphore_mem>> -> memref<!tpu.dma_semaphore, #tpu.memory_space<semaphore_mem>>
    %dma_start3A_476 = arith.constant 0 : i32
    %dma_start3A_477 = arith.constant 0 : i32
    %dma_start3A_478 = tpu.memref_slice %arg5[%dma_start3A, %dma_start3A_476, %dma_start3A_477] : memref<2x64x128xf32, #tpu.memory_space<vmem>> -> memref<1x64x128xf32, #tpu.memory_space<vmem>>
    %dma_start3A_479 = tpu.memref_squeeze %dma_start3A_478 : memref<1x64x128xf32, #tpu.memory_space<vmem>> -> memref<64x128xf32, #tpu.memory_space<vmem>>
    %dma_start3A_480 = arith.constant 0 : i32
    %dma_start3A_481 = tpu.memref_slice %arg2[%dma_start3A_480, %mul3A_466] : memref<64x1000000xf32, #tpu.memory_space<hbm>> -> memref<64x128xf32, #tpu.memory_space<hbm>>
    tpu.enqueue_dma source(%dma_start3A_481 : memref<64x128xf32, #tpu.memory_space<hbm>>) target(%dma_start3A_479 : memref<64x128xf32, #tpu.memory_space<vmem>>) target_semaphore(%dma_start3A_475 : memref<!tpu.dma_semaphore, #tpu.memory_space<semaphore_mem>>)
    %add3A_482 = arith.constant 32 : i32
    %add3A_483 = arith.addi %add3A_482, %add3A : i32
    %mul3A_484 = arith.constant 128 : i32
    %mul3A_485 = arith.muli %add3A_483, %mul3A_484 : i32
    %dma_start3A_486 = arith.constant 1 : i32
    %dma_start3A_487 = arith.constant 1 : i32
    %dma_start3A_488 = arith.constant 0 : i32
    %dma_start3A_489 = arith.constant 0 : i32
    %dma_start3A_490 = tpu.memref_slice %arg5[%dma_start3A_486, %dma_start3A_488, %dma_start3A_489] : memref<2x64x128xf32, #tpu.memory_space<vmem>> -> memref<1x64x128xf32, #tpu.memory_space<vmem>>
    %dma_start3A_491 = tpu.memref_squeeze %dma_start3A_490 : memref<1x64x128xf32, #tpu.memory_space<vmem>> -> memref<64x128xf32, #tpu.memory_space<vmem>>
    %dma_start3A_492 = arith.constant 0 : i32
    %dma_start3A_493 = tpu.memref_slice %arg2[%dma_start3A_492, %mul3A_485] : memref<64x1000000xf32, #tpu.memory_space<hbm>> -> memref<64x128xf32, #tpu.memory_space<hbm>>
    %dma_start3A_494 = tpu.memref_slice %arg7[%dma_start3A_487] : memref<2x!tpu.dma_semaphore, #tpu.memory_space<semaphore_mem>> -> memref<1x!tpu.dma_semaphore, #tpu.memory_space<semaphore_mem>>
    %dma_start3A_495 = tpu.memref_squeeze %dma_start3A_494 : memref<1x!tpu.dma_semaphore, #tpu.memory_space<semaphore_mem>> -> memref<!tpu.dma_semaphore, #tpu.memory_space<semaphore_mem>>
    %dma_start3A_496 = arith.constant 0 : i32
    %dma_start3A_497 = arith.constant 0 : i32
    %dma_start3A_498 = tpu.memref_slice %arg5[%dma_start3A_486, %dma_start3A_496, %dma_start3A_497] : memref<2x64x128xf32, #tpu.memory_space<vmem>> -> memref<1x64x128xf32, #tpu.memory_space<vmem>>
    %dma_start3A_499 = tpu.memref_squeeze %dma_start3A_498 : memref<1x64x128xf32, #tpu.memory_space<vmem>> -> memref<64x128xf32, #tpu.memory_space<vmem>>
    %dma_start3A_500 = arith.constant 0 : i32
    %dma_start3A_501 = tpu.memref_slice %arg2[%dma_start3A_500, %mul3A_485] : memref<64x1000000xf32, #tpu.memory_space<hbm>> -> memref<64x128xf32, #tpu.memory_space<hbm>>
    tpu.enqueue_dma source(%dma_start3A_501 : memref<64x128xf32, #tpu.memory_space<hbm>>) target(%dma_start3A_499 : memref<64x128xf32, #tpu.memory_space<vmem>>) target_semaphore(%dma_start3A_495 : memref<!tpu.dma_semaphore, #tpu.memory_space<semaphore_mem>>)
    %scan3A = arith.constant 0 : i32
    %scan3A_502 = arith.constant 0 : i32
    %scan3A_503 = arith.constant 122 : i32
    %scan3A_504 = arith.addi %scan3A_502, %scan3A_503 : i32
    %scan3A_505 = arith.constant 1 : i32
    scf.for %scan3A_550 = %scan3A_502 to %scan3A_504 step %scan3A_505  : i32 {
      %mul3A_551 = arith.constant 2 : i32
      %mul3A_552 = arith.muli %mul3A_551, %scan3A_550 : i32
      %add3A_553 = arith.constant 0 : i32
      %add3A_554 = arith.addi %mul3A_552, %add3A_553 : i32
      %dma_wait3A_555 = arith.constant 0 : i32
      %dma_wait3A_556 = arith.constant 0 : i32
      %dma_wait3A_557 = arith.constant 0 : i32
      %dma_wait3A_558 = arith.constant 0 : i32
      %dma_wait3A_559 = tpu.memref_slice %arg5[%dma_wait3A_555, %dma_wait3A_557, %dma_wait3A_558] : memref<2x64x128xf32, #tpu.memory_space<vmem>> -> memref<1x64x128xf32, #tpu.memory_space<vmem>>
      %dma_wait3A_560 = tpu.memref_squeeze %dma_wait3A_559 : memref<1x64x128xf32, #tpu.memory_space<vmem>> -> memref<64x128xf32, #tpu.memory_space<vmem>>
      %dma_wait3A_561 = arith.constant 0 : i32
      %dma_wait3A_562 = arith.constant 0 : i32
      %dma_wait3A_563 = tpu.memref_slice %arg2[%dma_wait3A_561, %dma_wait3A_562] : memref<64x1000000xf32, #tpu.memory_space<hbm>> -> memref<64x128xf32, #tpu.memory_space<hbm>>
      %dma_wait3A_564 = tpu.memref_slice %arg7[%dma_wait3A_556] : memref<2x!tpu.dma_semaphore, #tpu.memory_space<semaphore_mem>> -> memref<1x!tpu.dma_semaphore, #tpu.memory_space<semaphore_mem>>
      %dma_wait3A_565 = tpu.memref_squeeze %dma_wait3A_564 : memref<1x!tpu.dma_semaphore, #tpu.memory_space<semaphore_mem>> -> memref<!tpu.dma_semaphore, #tpu.memory_space<semaphore_mem>>
      %dma_wait3A_566 = arith.constant 0 : i32
      %dma_wait3A_567 = arith.constant 0 : i32
      %dma_wait3A_568 = tpu.memref_slice %arg5[%dma_wait3A_555, %dma_wait3A_566, %dma_wait3A_567] : memref<2x64x128xf32, #tpu.memory_space<vmem>> -> memref<1x64x128xf32, #tpu.memory_space<vmem>>
      %dma_wait3A_569 = tpu.memref_squeeze %dma_wait3A_568 : memref<1x64x128xf32, #tpu.memory_space<vmem>> -> memref<64x128xf32, #tpu.memory_space<vmem>>
      %dma_wait3A_570 = arith.constant 0 : i32
      %dma_wait3A_571 = arith.constant 0 : i32
      %dma_wait3A_572 = tpu.memref_slice %arg2[%dma_wait3A_570, %dma_wait3A_571] : memref<64x1000000xf32, #tpu.memory_space<hbm>> -> memref<64x128xf32, #tpu.memory_space<hbm>>
      tpu.wait_dma2 semaphore(%dma_wait3A_565 : memref<!tpu.dma_semaphore, #tpu.memory_space<semaphore_mem>>) src(%dma_wait3A_572 : memref<64x128xf32, #tpu.memory_space<hbm>>) dst(%dma_wait3A_569 : memref<64x128xf32, #tpu.memory_space<vmem>>)
      %gt3A = arith.constant 0 : i32
      %gt3A_573 = arith.cmpi sgt, %scan3A_550, %gt3A : i32
      %convert_element_type3A_574 = arith.extui %gt3A_573 : i1 to i32
      %cond3A_575 = arith.constant 0 : i32
      %cond3A_576 = arith.cmpi ne, %convert_element_type3A_574, %cond3A_575 : i32
      scf.if %cond3A_576 {
        %dma_wait3A_665 = arith.constant 0 : i32
        %dma_wait3A_666 = arith.constant 0 : i32
        %dma_wait3A_667 = arith.constant 0 : i32
        %dma_wait3A_668 = arith.constant 0 : i32
        %dma_wait3A_669 = tpu.memref_slice %arg6[%dma_wait3A_665, %dma_wait3A_667, %dma_wait3A_668] : memref<2x64x129xf32, #tpu.memory_space<vmem>> -> memref<1x64x128xf32, #tpu.memory_space<vmem>>
        %dma_wait3A_670 = tpu.memref_squeeze %dma_wait3A_669 : memref<1x64x128xf32, #tpu.memory_space<vmem>> -> memref<64x128xf32, #tpu.memory_space<vmem>>
        %dma_wait3A_671 = arith.constant 0 : i32
        %dma_wait3A_672 = arith.constant 0 : i32
        %dma_wait3A_673 = tpu.memref_slice %arg4[%dma_wait3A_671, %dma_wait3A_672] : memref<500000x128xf32, #tpu.memory_space<hbm>> -> memref<64x128xf32, #tpu.memory_space<hbm>>
        %dma_wait3A_674 = tpu.memref_slice %arg8[%dma_wait3A_666] : memref<2x!tpu.dma_semaphore, #tpu.memory_space<semaphore_mem>> -> memref<1x!tpu.dma_semaphore, #tpu.memory_space<semaphore_mem>>
        %dma_wait3A_675 = tpu.memref_squeeze %dma_wait3A_674 : memref<1x!tpu.dma_semaphore, #tpu.memory_space<semaphore_mem>> -> memref<!tpu.dma_semaphore, #tpu.memory_space<semaphore_mem>>
        %dma_wait3A_676 = arith.constant 0 : i32
        %dma_wait3A_677 = arith.constant 0 : i32
        %dma_wait3A_678 = tpu.memref_slice %arg4[%dma_wait3A_676, %dma_wait3A_677] : memref<500000x128xf32, #tpu.memory_space<hbm>> -> memref<64x128xf32, #tpu.memory_space<hbm>>
        %dma_wait3A_679 = arith.constant 0 : i32
        %dma_wait3A_680 = arith.constant 0 : i32
        %dma_wait3A_681 = tpu.memref_slice %arg6[%dma_wait3A_665, %dma_wait3A_679, %dma_wait3A_680] : memref<2x64x129xf32, #tpu.memory_space<vmem>> -> memref<1x64x128xf32, #tpu.memory_space<vmem>>
        %dma_wait3A_682 = tpu.memref_squeeze %dma_wait3A_681 : memref<1x64x128xf32, #tpu.memory_space<vmem>> -> memref<64x128xf32, #tpu.memory_space<vmem>>
        tpu.wait_dma2 semaphore(%dma_wait3A_675 : memref<!tpu.dma_semaphore, #tpu.memory_space<semaphore_mem>>) src(%dma_wait3A_682 : memref<64x128xf32, #tpu.memory_space<vmem>>) dst(%dma_wait3A_678 : memref<64x128xf32, #tpu.memory_space<hbm>>)
      } else {
      }
      %parallel_loop3A = arith.constant 0 : i32
      %parallel_loop3A_577 = arith.constant 64 : i32
      %parallel_loop3A_578 = arith.constant 1 : i32
      %parallel_loop3A_579 = arith.constant 0 : i32
      %parallel_loop3A_580 = arith.constant 0 : i32
      scf.for %parallel_loop3A_665 = %parallel_loop3A to %parallel_loop3A_577 step %parallel_loop3A_578  : i32 {
        %parallel_loop3A_666 = vector.broadcast %parallel_loop3A_665 : i32 to vector<16xi32>
        %parallel_loop3A_667 = arith.addi %mul3A_287, %parallel_loop3A_666 : vector<16xi32>
        %parallel_loop3A_668 = arith.constant 0 : i32
        %parallel_loop3A_669 = arith.constant 0 : i32
        %parallel_loop3A_670 = tpu.memref_slice %arg5[%parallel_loop3A_579, %parallel_loop3A_668, %parallel_loop3A_669] : memref<2x64x128xf32, #tpu.memory_space<vmem>> -> memref<1x64x128xf32, #tpu.memory_space<vmem>>
        %parallel_loop3A_671 = tpu.memref_squeeze %parallel_loop3A_670 : memref<1x64x128xf32, #tpu.memory_space<vmem>> -> memref<64x128xf32, #tpu.memory_space<vmem>>
        %parallel_loop3A_672 = arith.constant 0 : i32
        %parallel_loop3A_673 = tpu.memref_slice %parallel_loop3A_671[%parallel_loop3A_665, %parallel_loop3A_672] : memref<64x128xf32, #tpu.memory_space<vmem>> -> memref<1x128xf32, #tpu.memory_space<vmem>>
        %parallel_loop3A_674 = tpu.memref_squeeze %parallel_loop3A_673 : memref<1x128xf32, #tpu.memory_space<vmem>> -> memref<128xf32, #tpu.memory_space<vmem>>
        %parallel_loop3A_675 = arith.constant 0 : index
        %parallel_loop3A_676 = tpu.vector_load %parallel_loop3A_674[%parallel_loop3A_675] {strides = array<i32>} : memref<128xf32, #tpu.memory_space<vmem>>, vector<16xf32>,
        %parallel_loop3A_677 = arith.constant 0 : i32
        %parallel_loop3A_678 = arith.constant 0 : i32
        %parallel_loop3A_679 = tpu.memref_slice %arg6[%parallel_loop3A_580, %parallel_loop3A_677, %parallel_loop3A_678] : memref<2x64x129xf32, #tpu.memory_space<vmem>> -> memref<1x64x129xf32, #tpu.memory_space<vmem>>
        %parallel_loop3A_680 = tpu.memref_squeeze %parallel_loop3A_679 : memref<1x64x129xf32, #tpu.memory_space<vmem>> -> memref<64x129xf32, #tpu.memory_space<vmem>>
        tpu.vector_store_idx %parallel_loop3A_680[%select_n3A, %parallel_loop3A_667], %parallel_loop3A_676 : memref<64x129xf32, #tpu.memory_space<vmem>>[vector<16xi32>, vector<16xi32>], vector<16xf32>,
        %parallel_loop3A_681 = arith.addi %mul3A_312, %parallel_loop3A_666 : vector<16xi32>
        %parallel_loop3A_682 = arith.constant 0 : i32
        %parallel_loop3A_683 = arith.constant 0 : i32
        %parallel_loop3A_684 = tpu.memref_slice %arg5[%parallel_loop3A_579, %parallel_loop3A_682, %parallel_loop3A_683] : memref<2x64x128xf32, #tpu.memory_space<vmem>> -> memref<1x64x128xf32, #tpu.memory_space<vmem>>
        %parallel_loop3A_685 = tpu.memref_squeeze %parallel_loop3A_684 : memref<1x64x128xf32, #tpu.memory_space<vmem>> -> memref<64x128xf32, #tpu.memory_space<vmem>>
        %parallel_loop3A_686 = arith.constant 0 : i32
        %parallel_loop3A_687 = tpu.memref_slice %parallel_loop3A_685[%parallel_loop3A_665, %parallel_loop3A_686] : memref<64x128xf32, #tpu.memory_space<vmem>> -> memref<1x128xf32, #tpu.memory_space<vmem>>
        %parallel_loop3A_688 = tpu.memref_squeeze %parallel_loop3A_687 : memref<1x128xf32, #tpu.memory_space<vmem>> -> memref<128xf32, #tpu.memory_space<vmem>>
        %parallel_loop3A_689 = arith.constant 16 : index
        %parallel_loop3A_690 = tpu.vector_load %parallel_loop3A_688[%parallel_loop3A_689] {strides = array<i32>} : memref<128xf32, #tpu.memory_space<vmem>>, vector<16xf32>,
        %parallel_loop3A_691 = arith.constant 0 : i32
        %parallel_loop3A_692 = arith.constant 0 : i32
        %parallel_loop3A_693 = tpu.memref_slice %arg6[%parallel_loop3A_580, %parallel_loop3A_691, %parallel_loop3A_692] : memref<2x64x129xf32, #tpu.memory_space<vmem>> -> memref<1x64x129xf32, #tpu.memory_space<vmem>>
        %parallel_loop3A_694 = tpu.memref_squeeze %parallel_loop3A_693 : memref<1x64x129xf32, #tpu.memory_space<vmem>> -> memref<64x129xf32, #tpu.memory_space<vmem>>
        tpu.vector_store_idx %parallel_loop3A_694[%select_n3A_78, %parallel_loop3A_681], %parallel_loop3A_690 : memref<64x129xf32, #tpu.memory_space<vmem>>[vector<16xi32>, vector<16xi32>], vector<16xf32>,
        %parallel_loop3A_695 = arith.addi %mul3A_337, %parallel_loop3A_666 : vector<16xi32>
        %parallel_loop3A_696 = arith.constant 0 : i32
        %parallel_loop3A_697 = arith.constant 0 : i32
        %parallel_loop3A_698 = tpu.memref_slice %arg5[%parallel_loop3A_579, %parallel_loop3A_696, %parallel_loop3A_697] : memref<2x64x128xf32, #tpu.memory_space<vmem>> -> memref<1x64x128xf32, #tpu.memory_space<vmem>>
        %parallel_loop3A_699 = tpu.memref_squeeze %parallel_loop3A_698 : memref<1x64x128xf32, #tpu.memory_space<vmem>> -> memref<64x128xf32, #tpu.memory_space<vmem>>
        %parallel_loop3A_700 = arith.constant 0 : i32
        %parallel_loop3A_701 = tpu.memref_slice %parallel_loop3A_699[%parallel_loop3A_665, %parallel_loop3A_700] : memref<64x128xf32, #tpu.memory_space<vmem>> -> memref<1x128xf32, #tpu.memory_space<vmem>>
        %parallel_loop3A_702 = tpu.memref_squeeze %parallel_loop3A_701 : memref<1x128xf32, #tpu.memory_space<vmem>> -> memref<128xf32, #tpu.memory_space<vmem>>
        %parallel_loop3A_703 = arith.constant 32 : index
        %parallel_loop3A_704 = tpu.vector_load %parallel_loop3A_702[%parallel_loop3A_703] {strides = array<i32>} : memref<128xf32, #tpu.memory_space<vmem>>, vector<16xf32>,
        %parallel_loop3A_705 = arith.constant 0 : i32
        %parallel_loop3A_706 = arith.constant 0 : i32
        %parallel_loop3A_707 = tpu.memref_slice %arg6[%parallel_loop3A_580, %parallel_loop3A_705, %parallel_loop3A_706] : memref<2x64x129xf32, #tpu.memory_space<vmem>> -> memref<1x64x129xf32, #tpu.memory_space<vmem>>
        %parallel_loop3A_708 = tpu.memref_squeeze %parallel_loop3A_707 : memref<1x64x129xf32, #tpu.memory_space<vmem>> -> memref<64x129xf32, #tpu.memory_space<vmem>>
        tpu.vector_store_idx %parallel_loop3A_708[%select_n3A_109, %parallel_loop3A_695], %parallel_loop3A_704 : memref<64x129xf32, #tpu.memory_space<vmem>>[vector<16xi32>, vector<16xi32>], vector<16xf32>,
        %parallel_loop3A_709 = arith.addi %mul3A_362, %parallel_loop3A_666 : vector<16xi32>
        %parallel_loop3A_710 = arith.constant 0 : i32
        %parallel_loop3A_711 = arith.constant 0 : i32
        %parallel_loop3A_712 = tpu.memref_slice %arg5[%parallel_loop3A_579, %parallel_loop3A_710, %parallel_loop3A_711] : memref<2x64x128xf32, #tpu.memory_space<vmem>> -> memref<1x64x128xf32, #tpu.memory_space<vmem>>
        %parallel_loop3A_713 = tpu.memref_squeeze %parallel_loop3A_712 : memref<1x64x128xf32, #tpu.memory_space<vmem>> -> memref<64x128xf32, #tpu.memory_space<vmem>>
        %parallel_loop3A_714 = arith.constant 0 : i32
        %parallel_loop3A_715 = tpu.memref_slice %parallel_loop3A_713[%parallel_loop3A_665, %parallel_loop3A_714] : memref<64x128xf32, #tpu.memory_space<vmem>> -> memref<1x128xf32, #tpu.memory_space<vmem>>
        %parallel_loop3A_716 = tpu.memref_squeeze %parallel_loop3A_715 : memref<1x128xf32, #tpu.memory_space<vmem>> -> memref<128xf32, #tpu.memory_space<vmem>>
        %parallel_loop3A_717 = arith.constant 48 : index
        %parallel_loop3A_718 = tpu.vector_load %parallel_loop3A_716[%parallel_loop3A_717] {strides = array<i32>} : memref<128xf32, #tpu.memory_space<vmem>>, vector<16xf32>,
        %parallel_loop3A_719 = arith.constant 0 : i32
        %parallel_loop3A_720 = arith.constant 0 : i32
        %parallel_loop3A_721 = tpu.memref_slice %arg6[%parallel_loop3A_580, %parallel_loop3A_719, %parallel_loop3A_720] : memref<2x64x129xf32, #tpu.memory_space<vmem>> -> memref<1x64x129xf32, #tpu.memory_space<vmem>>
        %parallel_loop3A_722 = tpu.memref_squeeze %parallel_loop3A_721 : memref<1x64x129xf32, #tpu.memory_space<vmem>> -> memref<64x129xf32, #tpu.memory_space<vmem>>
        tpu.vector_store_idx %parallel_loop3A_722[%select_n3A_140, %parallel_loop3A_709], %parallel_loop3A_718 : memref<64x129xf32, #tpu.memory_space<vmem>>[vector<16xi32>, vector<16xi32>], vector<16xf32>,
        %parallel_loop3A_723 = arith.addi %mul3A_387, %parallel_loop3A_666 : vector<16xi32>
        %parallel_loop3A_724 = arith.constant 0 : i32
        %parallel_loop3A_725 = arith.constant 0 : i32
        %parallel_loop3A_726 = tpu.memref_slice %arg5[%parallel_loop3A_579, %parallel_loop3A_724, %parallel_loop3A_725] : memref<2x64x128xf32, #tpu.memory_space<vmem>> -> memref<1x64x128xf32, #tpu.memory_space<vmem>>
        %parallel_loop3A_727 = tpu.memref_squeeze %parallel_loop3A_726 : memref<1x64x128xf32, #tpu.memory_space<vmem>> -> memref<64x128xf32, #tpu.memory_space<vmem>>
        %parallel_loop3A_728 = arith.constant 0 : i32
        %parallel_loop3A_729 = tpu.memref_slice %parallel_loop3A_727[%parallel_loop3A_665, %parallel_loop3A_728] : memref<64x128xf32, #tpu.memory_space<vmem>> -> memref<1x128xf32, #tpu.memory_space<vmem>>
        %parallel_loop3A_730 = tpu.memref_squeeze %parallel_loop3A_729 : memref<1x128xf32, #tpu.memory_space<vmem>> -> memref<128xf32, #tpu.memory_space<vmem>>
        %parallel_loop3A_731 = arith.constant 64 : index
        %parallel_loop3A_732 = tpu.vector_load %parallel_loop3A_730[%parallel_loop3A_731] {strides = array<i32>} : memref<128xf32, #tpu.memory_space<vmem>>, vector<16xf32>,
        %parallel_loop3A_733 = arith.constant 0 : i32
        %parallel_loop3A_734 = arith.constant 0 : i32
        %parallel_loop3A_735 = tpu.memref_slice %arg6[%parallel_loop3A_580, %parallel_loop3A_733, %parallel_loop3A_734] : memref<2x64x129xf32, #tpu.memory_space<vmem>> -> memref<1x64x129xf32, #tpu.memory_space<vmem>>
        %parallel_loop3A_736 = tpu.memref_squeeze %parallel_loop3A_735 : memref<1x64x129xf32, #tpu.memory_space<vmem>> -> memref<64x129xf32, #tpu.memory_space<vmem>>
        tpu.vector_store_idx %parallel_loop3A_736[%select_n3A_171, %parallel_loop3A_723], %parallel_loop3A_732 : memref<64x129xf32, #tpu.memory_space<vmem>>[vector<16xi32>, vector<16xi32>], vector<16xf32>,
        %parallel_loop3A_737 = arith.addi %mul3A_412, %parallel_loop3A_666 : vector<16xi32>
        %parallel_loop3A_738 = arith.constant 0 : i32
        %parallel_loop3A_739 = arith.constant 0 : i32
        %parallel_loop3A_740 = tpu.memref_slice %arg5[%parallel_loop3A_579, %parallel_loop3A_738, %parallel_loop3A_739] : memref<2x64x128xf32, #tpu.memory_space<vmem>> -> memref<1x64x128xf32, #tpu.memory_space<vmem>>
        %parallel_loop3A_741 = tpu.memref_squeeze %parallel_loop3A_740 : memref<1x64x128xf32, #tpu.memory_space<vmem>> -> memref<64x128xf32, #tpu.memory_space<vmem>>
        %parallel_loop3A_742 = arith.constant 0 : i32
        %parallel_loop3A_743 = tpu.memref_slice %parallel_loop3A_741[%parallel_loop3A_665, %parallel_loop3A_742] : memref<64x128xf32, #tpu.memory_space<vmem>> -> memref<1x128xf32, #tpu.memory_space<vmem>>
        %parallel_loop3A_744 = tpu.memref_squeeze %parallel_loop3A_743 : memref<1x128xf32, #tpu.memory_space<vmem>> -> memref<128xf32, #tpu.memory_space<vmem>>
        %parallel_loop3A_745 = arith.constant 80 : index
        %parallel_loop3A_746 = tpu.vector_load %parallel_loop3A_744[%parallel_loop3A_745] {strides = array<i32>} : memref<128xf32, #tpu.memory_space<vmem>>, vector<16xf32>,
        %parallel_loop3A_747 = arith.constant 0 : i32
        %parallel_loop3A_748 = arith.constant 0 : i32
        %parallel_loop3A_749 = tpu.memref_slice %arg6[%parallel_loop3A_580, %parallel_loop3A_747, %parallel_loop3A_748] : memref<2x64x129xf32, #tpu.memory_space<vmem>> -> memref<1x64x129xf32, #tpu.memory_space<vmem>>
        %parallel_loop3A_750 = tpu.memref_squeeze %parallel_loop3A_749 : memref<1x64x129xf32, #tpu.memory_space<vmem>> -> memref<64x129xf32, #tpu.memory_space<vmem>>
        tpu.vector_store_idx %parallel_loop3A_750[%select_n3A_202, %parallel_loop3A_737], %parallel_loop3A_746 : memref<64x129xf32, #tpu.memory_space<vmem>>[vector<16xi32>, vector<16xi32>], vector<16xf32>,
        %parallel_loop3A_751 = arith.addi %mul3A_437, %parallel_loop3A_666 : vector<16xi32>
        %parallel_loop3A_752 = arith.constant 0 : i32
        %parallel_loop3A_753 = arith.constant 0 : i32
        %parallel_loop3A_754 = tpu.memref_slice %arg5[%parallel_loop3A_579, %parallel_loop3A_752, %parallel_loop3A_753] : memref<2x64x128xf32, #tpu.memory_space<vmem>> -> memref<1x64x128xf32, #tpu.memory_space<vmem>>
        %parallel_loop3A_755 = tpu.memref_squeeze %parallel_loop3A_754 : memref<1x64x128xf32, #tpu.memory_space<vmem>> -> memref<64x128xf32, #tpu.memory_space<vmem>>
        %parallel_loop3A_756 = arith.constant 0 : i32
        %parallel_loop3A_757 = tpu.memref_slice %parallel_loop3A_755[%parallel_loop3A_665, %parallel_loop3A_756] : memref<64x128xf32, #tpu.memory_space<vmem>> -> memref<1x128xf32, #tpu.memory_space<vmem>>
        %parallel_loop3A_758 = tpu.memref_squeeze %parallel_loop3A_757 : memref<1x128xf32, #tpu.memory_space<vmem>> -> memref<128xf32, #tpu.memory_space<vmem>>
        %parallel_loop3A_759 = arith.constant 96 : index
        %parallel_loop3A_760 = tpu.vector_load %parallel_loop3A_758[%parallel_loop3A_759] {strides = array<i32>} : memref<128xf32, #tpu.memory_space<vmem>>, vector<16xf32>,
        %parallel_loop3A_761 = arith.constant 0 : i32
        %parallel_loop3A_762 = arith.constant 0 : i32
        %parallel_loop3A_763 = tpu.memref_slice %arg6[%parallel_loop3A_580, %parallel_loop3A_761, %parallel_loop3A_762] : memref<2x64x129xf32, #tpu.memory_space<vmem>> -> memref<1x64x129xf32, #tpu.memory_space<vmem>>
        %parallel_loop3A_764 = tpu.memref_squeeze %parallel_loop3A_763 : memref<1x64x129xf32, #tpu.memory_space<vmem>> -> memref<64x129xf32, #tpu.memory_space<vmem>>
        tpu.vector_store_idx %parallel_loop3A_764[%select_n3A_233, %parallel_loop3A_751], %parallel_loop3A_760 : memref<64x129xf32, #tpu.memory_space<vmem>>[vector<16xi32>, vector<16xi32>], vector<16xf32>,
        %parallel_loop3A_765 = arith.addi %mul3A_462, %parallel_loop3A_666 : vector<16xi32>
        %parallel_loop3A_766 = arith.constant 0 : i32
        %parallel_loop3A_767 = arith.constant 0 : i32
        %parallel_loop3A_768 = tpu.memref_slice %arg5[%parallel_loop3A_579, %parallel_loop3A_766, %parallel_loop3A_767] : memref<2x64x128xf32, #tpu.memory_space<vmem>> -> memref<1x64x128xf32, #tpu.memory_space<vmem>>
        %parallel_loop3A_769 = tpu.memref_squeeze %parallel_loop3A_768 : memref<1x64x128xf32, #tpu.memory_space<vmem>> -> memref<64x128xf32, #tpu.memory_space<vmem>>
        %parallel_loop3A_770 = arith.constant 0 : i32
        %parallel_loop3A_771 = tpu.memref_slice %parallel_loop3A_769[%parallel_loop3A_665, %parallel_loop3A_770] : memref<64x128xf32, #tpu.memory_space<vmem>> -> memref<1x128xf32, #tpu.memory_space<vmem>>
        %parallel_loop3A_772 = tpu.memref_squeeze %parallel_loop3A_771 : memref<1x128xf32, #tpu.memory_space<vmem>> -> memref<128xf32, #tpu.memory_space<vmem>>
        %parallel_loop3A_773 = arith.constant 112 : index
        %parallel_loop3A_774 = tpu.vector_load %parallel_loop3A_772[%parallel_loop3A_773] {strides = array<i32>} : memref<128xf32, #tpu.memory_space<vmem>>, vector<16xf32>,
        %parallel_loop3A_775 = arith.constant 0 : i32
        %parallel_loop3A_776 = arith.constant 0 : i32
        %parallel_loop3A_777 = tpu.memref_slice %arg6[%parallel_loop3A_580, %parallel_loop3A_775, %parallel_loop3A_776] : memref<2x64x129xf32, #tpu.memory_space<vmem>> -> memref<1x64x129xf32, #tpu.memory_space<vmem>>
        %parallel_loop3A_778 = tpu.memref_squeeze %parallel_loop3A_777 : memref<1x64x129xf32, #tpu.memory_space<vmem>> -> memref<64x129xf32, #tpu.memory_space<vmem>>
        tpu.vector_store_idx %parallel_loop3A_778[%select_n3A_264, %parallel_loop3A_765], %parallel_loop3A_774 : memref<64x129xf32, #tpu.memory_space<vmem>>[vector<16xi32>, vector<16xi32>], vector<16xf32>,
      } {sc.loop_unroll_factor = 4 : i64, sc.parallel_access}
      %mul3A_581 = arith.constant 32 : i32
      %mul3A_582 = arith.muli %add3A_554, %mul3A_581 : i32
      %add3A_583 = arith.addi %mul3A_582, %add3A : i32
      %mul3A_584 = arith.constant 64 : i32
      %mul3A_585 = arith.muli %add3A_583, %mul3A_584 : i32
      %dma_start3A_586 = arith.constant 0 : i32
      %dma_start3A_587 = arith.constant 0 : i32
      %dma_start3A_588 = arith.constant 0 : i32
      %dma_start3A_589 = arith.constant 0 : i32
      %dma_start3A_590 = tpu.memref_slice %arg6[%dma_start3A_586, %dma_start3A_588, %dma_start3A_589] : memref<2x64x129xf32, #tpu.memory_space<vmem>> -> memref<1x64x128xf32, #tpu.memory_space<vmem>>
      %dma_start3A_591 = tpu.memref_squeeze %dma_start3A_590 : memref<1x64x128xf32, #tpu.memory_space<vmem>> -> memref<64x128xf32, #tpu.memory_space<vmem>>
      %dma_start3A_592 = arith.constant 0 : i32
      %dma_start3A_593 = tpu.memref_slice %arg4[%mul3A_585, %dma_start3A_592] : memref<500000x128xf32, #tpu.memory_space<hbm>> -> memref<64x128xf32, #tpu.memory_space<hbm>>
      %dma_start3A_594 = tpu.memref_slice %arg8[%dma_start3A_587] : memref<2x!tpu.dma_semaphore, #tpu.memory_space<semaphore_mem>> -> memref<1x!tpu.dma_semaphore, #tpu.memory_space<semaphore_mem>>
      %dma_start3A_595 = tpu.memref_squeeze %dma_start3A_594 : memref<1x!tpu.dma_semaphore, #tpu.memory_space<semaphore_mem>> -> memref<!tpu.dma_semaphore, #tpu.memory_space<semaphore_mem>>
      %dma_start3A_596 = arith.constant 0 : i32
      %dma_start3A_597 = tpu.memref_slice %arg4[%mul3A_585, %dma_start3A_596] : memref<500000x128xf32, #tpu.memory_space<hbm>> -> memref<64x128xf32, #tpu.memory_space<hbm>>
      %dma_start3A_598 = arith.constant 0 : i32
      %dma_start3A_599 = arith.constant 0 : i32
      %dma_start3A_600 = tpu.memref_slice %arg6[%dma_start3A_586, %dma_start3A_598, %dma_start3A_599] : memref<2x64x129xf32, #tpu.memory_space<vmem>> -> memref<1x64x128xf32, #tpu.memory_space<vmem>>
      %dma_start3A_601 = tpu.memref_squeeze %dma_start3A_600 : memref<1x64x128xf32, #tpu.memory_space<vmem>> -> memref<64x128xf32, #tpu.memory_space<vmem>>
      tpu.enqueue_dma source(%dma_start3A_601 : memref<64x128xf32, #tpu.memory_space<vmem>>) target(%dma_start3A_597 : memref<64x128xf32, #tpu.memory_space<hbm>>) target_semaphore(%dma_start3A_595 : memref<!tpu.dma_semaphore, #tpu.memory_space<semaphore_mem>>)
      %lt3A_602 = arith.constant 121 : i32
      %lt3A_603 = arith.cmpi slt, %scan3A_550, %lt3A_602 : i32
      %convert_element_type3A_604 = arith.extui %lt3A_603 : i1 to i32
      %cond3A_605 = arith.constant 0 : i32
      %cond3A_606 = arith.cmpi ne, %convert_element_type3A_604, %cond3A_605 : i32
      scf.if %cond3A_606 {
        %add3A_665 = arith.constant 2 : i32
        %add3A_666 = arith.addi %add3A_554, %add3A_665 : i32
        %mul3A_667 = arith.constant 32 : i32
        %mul3A_668 = arith.muli %add3A_666, %mul3A_667 : i32
        %add3A_669 = arith.addi %mul3A_668, %add3A : i32
        %mul3A_670 = arith.constant 128 : i32
        %mul3A_671 = arith.muli %add3A_669, %mul3A_670 : i32
        %dma_start3A_672 = arith.constant 0 : i32
        %dma_start3A_673 = arith.constant 0 : i32
        %dma_start3A_674 = arith.constant 0 : i32
        %dma_start3A_675 = arith.constant 0 : i32
        %dma_start3A_676 = tpu.memref_slice %arg5[%dma_start3A_672, %dma_start3A_674, %dma_start3A_675] : memref<2x64x128xf32, #tpu.memory_space<vmem>> -> memref<1x64x128xf32, #tpu.memory_space<vmem>>
        %dma_start3A_677 = tpu.memref_squeeze %dma_start3A_676 : memref<1x64x128xf32, #tpu.memory_space<vmem>> -> memref<64x128xf32, #tpu.memory_space<vmem>>
        %dma_start3A_678 = arith.constant 0 : i32
        %dma_start3A_679 = tpu.memref_slice %arg2[%dma_start3A_678, %mul3A_671] : memref<64x1000000xf32, #tpu.memory_space<hbm>> -> memref<64x128xf32, #tpu.memory_space<hbm>>
        %dma_start3A_680 = tpu.memref_slice %arg7[%dma_start3A_673] : memref<2x!tpu.dma_semaphore, #tpu.memory_space<semaphore_mem>> -> memref<1x!tpu.dma_semaphore, #tpu.memory_space<semaphore_mem>>
        %dma_start3A_681 = tpu.memref_squeeze %dma_start3A_680 : memref<1x!tpu.dma_semaphore, #tpu.memory_space<semaphore_mem>> -> memref<!tpu.dma_semaphore, #tpu.memory_space<semaphore_mem>>
        %dma_start3A_682 = arith.constant 0 : i32
        %dma_start3A_683 = arith.constant 0 : i32
        %dma_start3A_684 = tpu.memref_slice %arg5[%dma_start3A_672, %dma_start3A_682, %dma_start3A_683] : memref<2x64x128xf32, #tpu.memory_space<vmem>> -> memref<1x64x128xf32, #tpu.memory_space<vmem>>
        %dma_start3A_685 = tpu.memref_squeeze %dma_start3A_684 : memref<1x64x128xf32, #tpu.memory_space<vmem>> -> memref<64x128xf32, #tpu.memory_space<vmem>>
        %dma_start3A_686 = arith.constant 0 : i32
        %dma_start3A_687 = tpu.memref_slice %arg2[%dma_start3A_686, %mul3A_671] : memref<64x1000000xf32, #tpu.memory_space<hbm>> -> memref<64x128xf32, #tpu.memory_space<hbm>>
        tpu.enqueue_dma source(%dma_start3A_687 : memref<64x128xf32, #tpu.memory_space<hbm>>) target(%dma_start3A_685 : memref<64x128xf32, #tpu.memory_space<vmem>>) target_semaphore(%dma_start3A_681 : memref<!tpu.dma_semaphore, #tpu.memory_space<semaphore_mem>>)
      } else {
      }
      %mul3A_607 = arith.constant 2 : i32
      %mul3A_608 = arith.muli %mul3A_607, %scan3A_550 : i32
      %add3A_609 = arith.constant 1 : i32
      %add3A_610 = arith.addi %mul3A_608, %add3A_609 : i32
      %dma_wait3A_611 = arith.constant 1 : i32
      %dma_wait3A_612 = arith.constant 1 : i32
      %dma_wait3A_613 = arith.constant 0 : i32
      %dma_wait3A_614 = arith.constant 0 : i32
      %dma_wait3A_615 = tpu.memref_slice %arg5[%dma_wait3A_611, %dma_wait3A_613, %dma_wait3A_614] : memref<2x64x128xf32, #tpu.memory_space<vmem>> -> memref<1x64x128xf32, #tpu.memory_space<vmem>>
      %dma_wait3A_616 = tpu.memref_squeeze %dma_wait3A_615 : memref<1x64x128xf32, #tpu.memory_space<vmem>> -> memref<64x128xf32, #tpu.memory_space<vmem>>
      %dma_wait3A_617 = arith.constant 0 : i32
      %dma_wait3A_618 = arith.constant 0 : i32
      %dma_wait3A_619 = tpu.memref_slice %arg2[%dma_wait3A_617, %dma_wait3A_618] : memref<64x1000000xf32, #tpu.memory_space<hbm>> -> memref<64x128xf32, #tpu.memory_space<hbm>>
      %dma_wait3A_620 = tpu.memref_slice %arg7[%dma_wait3A_612] : memref<2x!tpu.dma_semaphore, #tpu.memory_space<semaphore_mem>> -> memref<1x!tpu.dma_semaphore, #tpu.memory_space<semaphore_mem>>
      %dma_wait3A_621 = tpu.memref_squeeze %dma_wait3A_620 : memref<1x!tpu.dma_semaphore, #tpu.memory_space<semaphore_mem>> -> memref<!tpu.dma_semaphore, #tpu.memory_space<semaphore_mem>>
      %dma_wait3A_622 = arith.constant 0 : i32
      %dma_wait3A_623 = arith.constant 0 : i32
      %dma_wait3A_624 = tpu.memref_slice %arg5[%dma_wait3A_611, %dma_wait3A_622, %dma_wait3A_623] : memref<2x64x128xf32, #tpu.memory_space<vmem>> -> memref<1x64x128xf32, #tpu.memory_space<vmem>>
      %dma_wait3A_625 = tpu.memref_squeeze %dma_wait3A_624 : memref<1x64x128xf32, #tpu.memory_space<vmem>> -> memref<64x128xf32, #tpu.memory_space<vmem>>
      %dma_wait3A_626 = arith.constant 0 : i32
      %dma_wait3A_627 = arith.constant 0 : i32
      %dma_wait3A_628 = tpu.memref_slice %arg2[%dma_wait3A_626, %dma_wait3A_627] : memref<64x1000000xf32, #tpu.memory_space<hbm>> -> memref<64x128xf32, #tpu.memory_space<hbm>>
      tpu.wait_dma2 semaphore(%dma_wait3A_621 : memref<!tpu.dma_semaphore, #tpu.memory_space<semaphore_mem>>) src(%dma_wait3A_628 : memref<64x128xf32, #tpu.memory_space<hbm>>) dst(%dma_wait3A_625 : memref<64x128xf32, #tpu.memory_space<vmem>>)
      %gt3A_629 = arith.constant 0 : i32
      %gt3A_630 = arith.cmpi sgt, %scan3A_550, %gt3A_629 : i32
      %convert_element_type3A_631 = arith.extui %gt3A_630 : i1 to i32
      %cond3A_632 = arith.constant 0 : i32
      %cond3A_633 = arith.cmpi ne, %convert_element_type3A_631, %cond3A_632 : i32
      scf.if %cond3A_633 {
        %dma_wait3A_665 = arith.constant 1 : i32
        %dma_wait3A_666 = arith.constant 1 : i32
        %dma_wait3A_667 = arith.constant 0 : i32
        %dma_wait3A_668 = arith.constant 0 : i32
        %dma_wait3A_669 = tpu.memref_slice %arg6[%dma_wait3A_665, %dma_wait3A_667, %dma_wait3A_668] : memref<2x64x129xf32, #tpu.memory_space<vmem>> -> memref<1x64x128xf32, #tpu.memory_space<vmem>>
        %dma_wait3A_670 = tpu.memref_squeeze %dma_wait3A_669 : memref<1x64x128xf32, #tpu.memory_space<vmem>> -> memref<64x128xf32, #tpu.memory_space<vmem>>
        %dma_wait3A_671 = arith.constant 0 : i32
        %dma_wait3A_672 = arith.constant 0 : i32
        %dma_wait3A_673 = tpu.memref_slice %arg4[%dma_wait3A_671, %dma_wait3A_672] : memref<500000x128xf32, #tpu.memory_space<hbm>> -> memref<64x128xf32, #tpu.memory_space<hbm>>
        %dma_wait3A_674 = tpu.memref_slice %arg8[%dma_wait3A_666] : memref<2x!tpu.dma_semaphore, #tpu.memory_space<semaphore_mem>> -> memref<1x!tpu.dma_semaphore, #tpu.memory_space<semaphore_mem>>
        %dma_wait3A_675 = tpu.memref_squeeze %dma_wait3A_674 : memref<1x!tpu.dma_semaphore, #tpu.memory_space<semaphore_mem>> -> memref<!tpu.dma_semaphore, #tpu.memory_space<semaphore_mem>>
        %dma_wait3A_676 = arith.constant 0 : i32
        %dma_wait3A_677 = arith.constant 0 : i32
        %dma_wait3A_678 = tpu.memref_slice %arg4[%dma_wait3A_676, %dma_wait3A_677] : memref<500000x128xf32, #tpu.memory_space<hbm>> -> memref<64x128xf32, #tpu.memory_space<hbm>>
        %dma_wait3A_679 = arith.constant 0 : i32
        %dma_wait3A_680 = arith.constant 0 : i32
        %dma_wait3A_681 = tpu.memref_slice %arg6[%dma_wait3A_665, %dma_wait3A_679, %dma_wait3A_680] : memref<2x64x129xf32, #tpu.memory_space<vmem>> -> memref<1x64x128xf32, #tpu.memory_space<vmem>>
        %dma_wait3A_682 = tpu.memref_squeeze %dma_wait3A_681 : memref<1x64x128xf32, #tpu.memory_space<vmem>> -> memref<64x128xf32, #tpu.memory_space<vmem>>
        tpu.wait_dma2 semaphore(%dma_wait3A_675 : memref<!tpu.dma_semaphore, #tpu.memory_space<semaphore_mem>>) src(%dma_wait3A_682 : memref<64x128xf32, #tpu.memory_space<vmem>>) dst(%dma_wait3A_678 : memref<64x128xf32, #tpu.memory_space<hbm>>)
      } else {
      }
      %parallel_loop3A_634 = arith.constant 0 : i32
      %parallel_loop3A_635 = arith.constant 64 : i32
      %parallel_loop3A_636 = arith.constant 1 : i32
      %parallel_loop3A_637 = arith.constant 1 : i32
      %parallel_loop3A_638 = arith.constant 1 : i32
      scf.for %parallel_loop3A_665 = %parallel_loop3A_634 to %parallel_loop3A_635 step %parallel_loop3A_636  : i32 {
        %parallel_loop3A_666 = vector.broadcast %parallel_loop3A_665 : i32 to vector<16xi32>
        %parallel_loop3A_667 = arith.addi %mul3A_287, %parallel_loop3A_666 : vector<16xi32>
        %parallel_loop3A_668 = arith.constant 0 : i32
        %parallel_loop3A_669 = arith.constant 0 : i32
        %parallel_loop3A_670 = tpu.memref_slice %arg5[%parallel_loop3A_637, %parallel_loop3A_668, %parallel_loop3A_669] : memref<2x64x128xf32, #tpu.memory_space<vmem>> -> memref<1x64x128xf32, #tpu.memory_space<vmem>>
        %parallel_loop3A_671 = tpu.memref_squeeze %parallel_loop3A_670 : memref<1x64x128xf32, #tpu.memory_space<vmem>> -> memref<64x128xf32, #tpu.memory_space<vmem>>
        %parallel_loop3A_672 = arith.constant 0 : i32
        %parallel_loop3A_673 = tpu.memref_slice %parallel_loop3A_671[%parallel_loop3A_665, %parallel_loop3A_672] : memref<64x128xf32, #tpu.memory_space<vmem>> -> memref<1x128xf32, #tpu.memory_space<vmem>>
        %parallel_loop3A_674 = tpu.memref_squeeze %parallel_loop3A_673 : memref<1x128xf32, #tpu.memory_space<vmem>> -> memref<128xf32, #tpu.memory_space<vmem>>
        %parallel_loop3A_675 = arith.constant 0 : index
        %parallel_loop3A_676 = tpu.vector_load %parallel_loop3A_674[%parallel_loop3A_675] {strides = array<i32>} : memref<128xf32, #tpu.memory_space<vmem>>, vector<16xf32>,
        %parallel_loop3A_677 = arith.constant 0 : i32
        %parallel_loop3A_678 = arith.constant 0 : i32
        %parallel_loop3A_679 = tpu.memref_slice %arg6[%parallel_loop3A_638, %parallel_loop3A_677, %parallel_loop3A_678] : memref<2x64x129xf32, #tpu.memory_space<vmem>> -> memref<1x64x129xf32, #tpu.memory_space<vmem>>
        %parallel_loop3A_680 = tpu.memref_squeeze %parallel_loop3A_679 : memref<1x64x129xf32, #tpu.memory_space<vmem>> -> memref<64x129xf32, #tpu.memory_space<vmem>>
        tpu.vector_store_idx %parallel_loop3A_680[%select_n3A, %parallel_loop3A_667], %parallel_loop3A_676 : memref<64x129xf32, #tpu.memory_space<vmem>>[vector<16xi32>, vector<16xi32>], vector<16xf32>,
        %parallel_loop3A_681 = arith.addi %mul3A_312, %parallel_loop3A_666 : vector<16xi32>
        %parallel_loop3A_682 = arith.constant 0 : i32
        %parallel_loop3A_683 = arith.constant 0 : i32
        %parallel_loop3A_684 = tpu.memref_slice %arg5[%parallel_loop3A_637, %parallel_loop3A_682, %parallel_loop3A_683] : memref<2x64x128xf32, #tpu.memory_space<vmem>> -> memref<1x64x128xf32, #tpu.memory_space<vmem>>
        %parallel_loop3A_685 = tpu.memref_squeeze %parallel_loop3A_684 : memref<1x64x128xf32, #tpu.memory_space<vmem>> -> memref<64x128xf32, #tpu.memory_space<vmem>>
        %parallel_loop3A_686 = arith.constant 0 : i32
        %parallel_loop3A_687 = tpu.memref_slice %parallel_loop3A_685[%parallel_loop3A_665, %parallel_loop3A_686] : memref<64x128xf32, #tpu.memory_space<vmem>> -> memref<1x128xf32, #tpu.memory_space<vmem>>
        %parallel_loop3A_688 = tpu.memref_squeeze %parallel_loop3A_687 : memref<1x128xf32, #tpu.memory_space<vmem>> -> memref<128xf32, #tpu.memory_space<vmem>>
        %parallel_loop3A_689 = arith.constant 16 : index
        %parallel_loop3A_690 = tpu.vector_load %parallel_loop3A_688[%parallel_loop3A_689] {strides = array<i32>} : memref<128xf32, #tpu.memory_space<vmem>>, vector<16xf32>,
        %parallel_loop3A_691 = arith.constant 0 : i32
        %parallel_loop3A_692 = arith.constant 0 : i32
        %parallel_loop3A_693 = tpu.memref_slice %arg6[%parallel_loop3A_638, %parallel_loop3A_691, %parallel_loop3A_692] : memref<2x64x129xf32, #tpu.memory_space<vmem>> -> memref<1x64x129xf32, #tpu.memory_space<vmem>>
        %parallel_loop3A_694 = tpu.memref_squeeze %parallel_loop3A_693 : memref<1x64x129xf32, #tpu.memory_space<vmem>> -> memref<64x129xf32, #tpu.memory_space<vmem>>
        tpu.vector_store_idx %parallel_loop3A_694[%select_n3A_78, %parallel_loop3A_681], %parallel_loop3A_690 : memref<64x129xf32, #tpu.memory_space<vmem>>[vector<16xi32>, vector<16xi32>], vector<16xf32>,
        %parallel_loop3A_695 = arith.addi %mul3A_337, %parallel_loop3A_666 : vector<16xi32>
        %parallel_loop3A_696 = arith.constant 0 : i32
        %parallel_loop3A_697 = arith.constant 0 : i32
        %parallel_loop3A_698 = tpu.memref_slice %arg5[%parallel_loop3A_637, %parallel_loop3A_696, %parallel_loop3A_697] : memref<2x64x128xf32, #tpu.memory_space<vmem>> -> memref<1x64x128xf32, #tpu.memory_space<vmem>>
        %parallel_loop3A_699 = tpu.memref_squeeze %parallel_loop3A_698 : memref<1x64x128xf32, #tpu.memory_space<vmem>> -> memref<64x128xf32, #tpu.memory_space<vmem>>
        %parallel_loop3A_700 = arith.constant 0 : i32
        %parallel_loop3A_701 = tpu.memref_slice %parallel_loop3A_699[%parallel_loop3A_665, %parallel_loop3A_700] : memref<64x128xf32, #tpu.memory_space<vmem>> -> memref<1x128xf32, #tpu.memory_space<vmem>>
        %parallel_loop3A_702 = tpu.memref_squeeze %parallel_loop3A_701 : memref<1x128xf32, #tpu.memory_space<vmem>> -> memref<128xf32, #tpu.memory_space<vmem>>
        %parallel_loop3A_703 = arith.constant 32 : index
        %parallel_loop3A_704 = tpu.vector_load %parallel_loop3A_702[%parallel_loop3A_703] {strides = array<i32>} : memref<128xf32, #tpu.memory_space<vmem>>, vector<16xf32>,
        %parallel_loop3A_705 = arith.constant 0 : i32
        %parallel_loop3A_706 = arith.constant 0 : i32
        %parallel_loop3A_707 = tpu.memref_slice %arg6[%parallel_loop3A_638, %parallel_loop3A_705, %parallel_loop3A_706] : memref<2x64x129xf32, #tpu.memory_space<vmem>> -> memref<1x64x129xf32, #tpu.memory_space<vmem>>
        %parallel_loop3A_708 = tpu.memref_squeeze %parallel_loop3A_707 : memref<1x64x129xf32, #tpu.memory_space<vmem>> -> memref<64x129xf32, #tpu.memory_space<vmem>>
        tpu.vector_store_idx %parallel_loop3A_708[%select_n3A_109, %parallel_loop3A_695], %parallel_loop3A_704 : memref<64x129xf32, #tpu.memory_space<vmem>>[vector<16xi32>, vector<16xi32>], vector<16xf32>,
        %parallel_loop3A_709 = arith.addi %mul3A_362, %parallel_loop3A_666 : vector<16xi32>
        %parallel_loop3A_710 = arith.constant 0 : i32
        %parallel_loop3A_711 = arith.constant 0 : i32
        %parallel_loop3A_712 = tpu.memref_slice %arg5[%parallel_loop3A_637, %parallel_loop3A_710, %parallel_loop3A_711] : memref<2x64x128xf32, #tpu.memory_space<vmem>> -> memref<1x64x128xf32, #tpu.memory_space<vmem>>
        %parallel_loop3A_713 = tpu.memref_squeeze %parallel_loop3A_712 : memref<1x64x128xf32, #tpu.memory_space<vmem>> -> memref<64x128xf32, #tpu.memory_space<vmem>>
        %parallel_loop3A_714 = arith.constant 0 : i32
        %parallel_loop3A_715 = tpu.memref_slice %parallel_loop3A_713[%parallel_loop3A_665, %parallel_loop3A_714] : memref<64x128xf32, #tpu.memory_space<vmem>> -> memref<1x128xf32, #tpu.memory_space<vmem>>
        %parallel_loop3A_716 = tpu.memref_squeeze %parallel_loop3A_715 : memref<1x128xf32, #tpu.memory_space<vmem>> -> memref<128xf32, #tpu.memory_space<vmem>>
        %parallel_loop3A_717 = arith.constant 48 : index
        %parallel_loop3A_718 = tpu.vector_load %parallel_loop3A_716[%parallel_loop3A_717] {strides = array<i32>} : memref<128xf32, #tpu.memory_space<vmem>>, vector<16xf32>,
        %parallel_loop3A_719 = arith.constant 0 : i32
        %parallel_loop3A_720 = arith.constant 0 : i32
        %parallel_loop3A_721 = tpu.memref_slice %arg6[%parallel_loop3A_638, %parallel_loop3A_719, %parallel_loop3A_720] : memref<2x64x129xf32, #tpu.memory_space<vmem>> -> memref<1x64x129xf32, #tpu.memory_space<vmem>>
        %parallel_loop3A_722 = tpu.memref_squeeze %parallel_loop3A_721 : memref<1x64x129xf32, #tpu.memory_space<vmem>> -> memref<64x129xf32, #tpu.memory_space<vmem>>
        tpu.vector_store_idx %parallel_loop3A_722[%select_n3A_140, %parallel_loop3A_709], %parallel_loop3A_718 : memref<64x129xf32, #tpu.memory_space<vmem>>[vector<16xi32>, vector<16xi32>], vector<16xf32>,
        %parallel_loop3A_723 = arith.addi %mul3A_387, %parallel_loop3A_666 : vector<16xi32>
        %parallel_loop3A_724 = arith.constant 0 : i32
        %parallel_loop3A_725 = arith.constant 0 : i32
        %parallel_loop3A_726 = tpu.memref_slice %arg5[%parallel_loop3A_637, %parallel_loop3A_724, %parallel_loop3A_725] : memref<2x64x128xf32, #tpu.memory_space<vmem>> -> memref<1x64x128xf32, #tpu.memory_space<vmem>>
        %parallel_loop3A_727 = tpu.memref_squeeze %parallel_loop3A_726 : memref<1x64x128xf32, #tpu.memory_space<vmem>> -> memref<64x128xf32, #tpu.memory_space<vmem>>
        %parallel_loop3A_728 = arith.constant 0 : i32
        %parallel_loop3A_729 = tpu.memref_slice %parallel_loop3A_727[%parallel_loop3A_665, %parallel_loop3A_728] : memref<64x128xf32, #tpu.memory_space<vmem>> -> memref<1x128xf32, #tpu.memory_space<vmem>>
        %parallel_loop3A_730 = tpu.memref_squeeze %parallel_loop3A_729 : memref<1x128xf32, #tpu.memory_space<vmem>> -> memref<128xf32, #tpu.memory_space<vmem>>
        %parallel_loop3A_731 = arith.constant 64 : index
        %parallel_loop3A_732 = tpu.vector_load %parallel_loop3A_730[%parallel_loop3A_731] {strides = array<i32>} : memref<128xf32, #tpu.memory_space<vmem>>, vector<16xf32>,
        %parallel_loop3A_733 = arith.constant 0 : i32
        %parallel_loop3A_734 = arith.constant 0 : i32
        %parallel_loop3A_735 = tpu.memref_slice %arg6[%parallel_loop3A_638, %parallel_loop3A_733, %parallel_loop3A_734] : memref<2x64x129xf32, #tpu.memory_space<vmem>> -> memref<1x64x129xf32, #tpu.memory_space<vmem>>
        %parallel_loop3A_736 = tpu.memref_squeeze %parallel_loop3A_735 : memref<1x64x129xf32, #tpu.memory_space<vmem>> -> memref<64x129xf32, #tpu.memory_space<vmem>>
        tpu.vector_store_idx %parallel_loop3A_736[%select_n3A_171, %parallel_loop3A_723], %parallel_loop3A_732 : memref<64x129xf32, #tpu.memory_space<vmem>>[vector<16xi32>, vector<16xi32>], vector<16xf32>,
        %parallel_loop3A_737 = arith.addi %mul3A_412, %parallel_loop3A_666 : vector<16xi32>
        %parallel_loop3A_738 = arith.constant 0 : i32
        %parallel_loop3A_739 = arith.constant 0 : i32
        %parallel_loop3A_740 = tpu.memref_slice %arg5[%parallel_loop3A_637, %parallel_loop3A_738, %parallel_loop3A_739] : memref<2x64x128xf32, #tpu.memory_space<vmem>> -> memref<1x64x128xf32, #tpu.memory_space<vmem>>
        %parallel_loop3A_741 = tpu.memref_squeeze %parallel_loop3A_740 : memref<1x64x128xf32, #tpu.memory_space<vmem>> -> memref<64x128xf32, #tpu.memory_space<vmem>>
        %parallel_loop3A_742 = arith.constant 0 : i32
        %parallel_loop3A_743 = tpu.memref_slice %parallel_loop3A_741[%parallel_loop3A_665, %parallel_loop3A_742] : memref<64x128xf32, #tpu.memory_space<vmem>> -> memref<1x128xf32, #tpu.memory_space<vmem>>
        %parallel_loop3A_744 = tpu.memref_squeeze %parallel_loop3A_743 : memref<1x128xf32, #tpu.memory_space<vmem>> -> memref<128xf32, #tpu.memory_space<vmem>>
        %parallel_loop3A_745 = arith.constant 80 : index
        %parallel_loop3A_746 = tpu.vector_load %parallel_loop3A_744[%parallel_loop3A_745] {strides = array<i32>} : memref<128xf32, #tpu.memory_space<vmem>>, vector<16xf32>,
        %parallel_loop3A_747 = arith.constant 0 : i32
        %parallel_loop3A_748 = arith.constant 0 : i32
        %parallel_loop3A_749 = tpu.memref_slice %arg6[%parallel_loop3A_638, %parallel_loop3A_747, %parallel_loop3A_748] : memref<2x64x129xf32, #tpu.memory_space<vmem>> -> memref<1x64x129xf32, #tpu.memory_space<vmem>>
        %parallel_loop3A_750 = tpu.memref_squeeze %parallel_loop3A_749 : memref<1x64x129xf32, #tpu.memory_space<vmem>> -> memref<64x129xf32, #tpu.memory_space<vmem>>
        tpu.vector_store_idx %parallel_loop3A_750[%select_n3A_202, %parallel_loop3A_737], %parallel_loop3A_746 : memref<64x129xf32, #tpu.memory_space<vmem>>[vector<16xi32>, vector<16xi32>], vector<16xf32>,
        %parallel_loop3A_751 = arith.addi %mul3A_437, %parallel_loop3A_666 : vector<16xi32>
        %parallel_loop3A_752 = arith.constant 0 : i32
        %parallel_loop3A_753 = arith.constant 0 : i32
        %parallel_loop3A_754 = tpu.memref_slice %arg5[%parallel_loop3A_637, %parallel_loop3A_752, %parallel_loop3A_753] : memref<2x64x128xf32, #tpu.memory_space<vmem>> -> memref<1x64x128xf32, #tpu.memory_space<vmem>>
        %parallel_loop3A_755 = tpu.memref_squeeze %parallel_loop3A_754 : memref<1x64x128xf32, #tpu.memory_space<vmem>> -> memref<64x128xf32, #tpu.memory_space<vmem>>
        %parallel_loop3A_756 = arith.constant 0 : i32
        %parallel_loop3A_757 = tpu.memref_slice %parallel_loop3A_755[%parallel_loop3A_665, %parallel_loop3A_756] : memref<64x128xf32, #tpu.memory_space<vmem>> -> memref<1x128xf32, #tpu.memory_space<vmem>>
        %parallel_loop3A_758 = tpu.memref_squeeze %parallel_loop3A_757 : memref<1x128xf32, #tpu.memory_space<vmem>> -> memref<128xf32, #tpu.memory_space<vmem>>
        %parallel_loop3A_759 = arith.constant 96 : index
        %parallel_loop3A_760 = tpu.vector_load %parallel_loop3A_758[%parallel_loop3A_759] {strides = array<i32>} : memref<128xf32, #tpu.memory_space<vmem>>, vector<16xf32>,
        %parallel_loop3A_761 = arith.constant 0 : i32
        %parallel_loop3A_762 = arith.constant 0 : i32
        %parallel_loop3A_763 = tpu.memref_slice %arg6[%parallel_loop3A_638, %parallel_loop3A_761, %parallel_loop3A_762] : memref<2x64x129xf32, #tpu.memory_space<vmem>> -> memref<1x64x129xf32, #tpu.memory_space<vmem>>
        %parallel_loop3A_764 = tpu.memref_squeeze %parallel_loop3A_763 : memref<1x64x129xf32, #tpu.memory_space<vmem>> -> memref<64x129xf32, #tpu.memory_space<vmem>>
        tpu.vector_store_idx %parallel_loop3A_764[%select_n3A_233, %parallel_loop3A_751], %parallel_loop3A_760 : memref<64x129xf32, #tpu.memory_space<vmem>>[vector<16xi32>, vector<16xi32>], vector<16xf32>,
        %parallel_loop3A_765 = arith.addi %mul3A_462, %parallel_loop3A_666 : vector<16xi32>
        %parallel_loop3A_766 = arith.constant 0 : i32
        %parallel_loop3A_767 = arith.constant 0 : i32
        %parallel_loop3A_768 = tpu.memref_slice %arg5[%parallel_loop3A_637, %parallel_loop3A_766, %parallel_loop3A_767] : memref<2x64x128xf32, #tpu.memory_space<vmem>> -> memref<1x64x128xf32, #tpu.memory_space<vmem>>
        %parallel_loop3A_769 = tpu.memref_squeeze %parallel_loop3A_768 : memref<1x64x128xf32, #tpu.memory_space<vmem>> -> memref<64x128xf32, #tpu.memory_space<vmem>>
        %parallel_loop3A_770 = arith.constant 0 : i32
        %parallel_loop3A_771 = tpu.memref_slice %parallel_loop3A_769[%parallel_loop3A_665, %parallel_loop3A_770] : memref<64x128xf32, #tpu.memory_space<vmem>> -> memref<1x128xf32, #tpu.memory_space<vmem>>
        %parallel_loop3A_772 = tpu.memref_squeeze %parallel_loop3A_771 : memref<1x128xf32, #tpu.memory_space<vmem>> -> memref<128xf32, #tpu.memory_space<vmem>>
        %parallel_loop3A_773 = arith.constant 112 : index
        %parallel_loop3A_774 = tpu.vector_load %parallel_loop3A_772[%parallel_loop3A_773] {strides = array<i32>} : memref<128xf32, #tpu.memory_space<vmem>>, vector<16xf32>,
        %parallel_loop3A_775 = arith.constant 0 : i32
        %parallel_loop3A_776 = arith.constant 0 : i32
        %parallel_loop3A_777 = tpu.memref_slice %arg6[%parallel_loop3A_638, %parallel_loop3A_775, %parallel_loop3A_776] : memref<2x64x129xf32, #tpu.memory_space<vmem>> -> memref<1x64x129xf32, #tpu.memory_space<vmem>>
        %parallel_loop3A_778 = tpu.memref_squeeze %parallel_loop3A_777 : memref<1x64x129xf32, #tpu.memory_space<vmem>> -> memref<64x129xf32, #tpu.memory_space<vmem>>
        tpu.vector_store_idx %parallel_loop3A_778[%select_n3A_264, %parallel_loop3A_765], %parallel_loop3A_774 : memref<64x129xf32, #tpu.memory_space<vmem>>[vector<16xi32>, vector<16xi32>], vector<16xf32>,
      } {sc.loop_unroll_factor = 4 : i64, sc.parallel_access}
      %mul3A_639 = arith.constant 32 : i32
      %mul3A_640 = arith.muli %add3A_610, %mul3A_639 : i32
      %add3A_641 = arith.addi %mul3A_640, %add3A : i32
      %mul3A_642 = arith.constant 64 : i32
      %mul3A_643 = arith.muli %add3A_641, %mul3A_642 : i32
      %dma_start3A_644 = arith.constant 1 : i32
      %dma_start3A_645 = arith.constant 1 : i32
      %dma_start3A_646 = arith.constant 0 : i32
      %dma_start3A_647 = arith.constant 0 : i32
      %dma_start3A_648 = tpu.memref_slice %arg6[%dma_start3A_644, %dma_start3A_646, %dma_start3A_647] : memref<2x64x129xf32, #tpu.memory_space<vmem>> -> memref<1x64x128xf32, #tpu.memory_space<vmem>>
      %dma_start3A_649 = tpu.memref_squeeze %dma_start3A_648 : memref<1x64x128xf32, #tpu.memory_space<vmem>> -> memref<64x128xf32, #tpu.memory_space<vmem>>
      %dma_start3A_650 = arith.constant 0 : i32
      %dma_start3A_651 = tpu.memref_slice %arg4[%mul3A_643, %dma_start3A_650] : memref<500000x128xf32, #tpu.memory_space<hbm>> -> memref<64x128xf32, #tpu.memory_space<hbm>>
      %dma_start3A_652 = tpu.memref_slice %arg8[%dma_start3A_645] : memref<2x!tpu.dma_semaphore, #tpu.memory_space<semaphore_mem>> -> memref<1x!tpu.dma_semaphore, #tpu.memory_space<semaphore_mem>>
      %dma_start3A_653 = tpu.memref_squeeze %dma_start3A_652 : memref<1x!tpu.dma_semaphore, #tpu.memory_space<semaphore_mem>> -> memref<!tpu.dma_semaphore, #tpu.memory_space<semaphore_mem>>
      %dma_start3A_654 = arith.constant 0 : i32
      %dma_start3A_655 = tpu.memref_slice %arg4[%mul3A_643, %dma_start3A_654] : memref<500000x128xf32, #tpu.memory_space<hbm>> -> memref<64x128xf32, #tpu.memory_space<hbm>>
      %dma_start3A_656 = arith.constant 0 : i32
      %dma_start3A_657 = arith.constant 0 : i32
      %dma_start3A_658 = tpu.memref_slice %arg6[%dma_start3A_644, %dma_start3A_656, %dma_start3A_657] : memref<2x64x129xf32, #tpu.memory_space<vmem>> -> memref<1x64x128xf32, #tpu.memory_space<vmem>>
      %dma_start3A_659 = tpu.memref_squeeze %dma_start3A_658 : memref<1x64x128xf32, #tpu.memory_space<vmem>> -> memref<64x128xf32, #tpu.memory_space<vmem>>
      tpu.enqueue_dma source(%dma_start3A_659 : memref<64x128xf32, #tpu.memory_space<vmem>>) target(%dma_start3A_655 : memref<64x128xf32, #tpu.memory_space<hbm>>) target_semaphore(%dma_start3A_653 : memref<!tpu.dma_semaphore, #tpu.memory_space<semaphore_mem>>)
      %lt3A_660 = arith.constant 121 : i32
      %lt3A_661 = arith.cmpi slt, %scan3A_550, %lt3A_660 : i32
      %convert_element_type3A_662 = arith.extui %lt3A_661 : i1 to i32
      %cond3A_663 = arith.constant 0 : i32
      %cond3A_664 = arith.cmpi ne, %convert_element_type3A_662, %cond3A_663 : i32
      scf.if %cond3A_664 {
        %add3A_665 = arith.constant 2 : i32
        %add3A_666 = arith.addi %add3A_610, %add3A_665 : i32
        %mul3A_667 = arith.constant 32 : i32
        %mul3A_668 = arith.muli %add3A_666, %mul3A_667 : i32
        %add3A_669 = arith.addi %mul3A_668, %add3A : i32
        %mul3A_670 = arith.constant 128 : i32
        %mul3A_671 = arith.muli %add3A_669, %mul3A_670 : i32
        %dma_start3A_672 = arith.constant 1 : i32
        %dma_start3A_673 = arith.constant 1 : i32
        %dma_start3A_674 = arith.constant 0 : i32
        %dma_start3A_675 = arith.constant 0 : i32
        %dma_start3A_676 = tpu.memref_slice %arg5[%dma_start3A_672, %dma_start3A_674, %dma_start3A_675] : memref<2x64x128xf32, #tpu.memory_space<vmem>> -> memref<1x64x128xf32, #tpu.memory_space<vmem>>
        %dma_start3A_677 = tpu.memref_squeeze %dma_start3A_676 : memref<1x64x128xf32, #tpu.memory_space<vmem>> -> memref<64x128xf32, #tpu.memory_space<vmem>>
        %dma_start3A_678 = arith.constant 0 : i32
        %dma_start3A_679 = tpu.memref_slice %arg2[%dma_start3A_678, %mul3A_671] : memref<64x1000000xf32, #tpu.memory_space<hbm>> -> memref<64x128xf32, #tpu.memory_space<hbm>>
        %dma_start3A_680 = tpu.memref_slice %arg7[%dma_start3A_673] : memref<2x!tpu.dma_semaphore, #tpu.memory_space<semaphore_mem>> -> memref<1x!tpu.dma_semaphore, #tpu.memory_space<semaphore_mem>>
        %dma_start3A_681 = tpu.memref_squeeze %dma_start3A_680 : memref<1x!tpu.dma_semaphore, #tpu.memory_space<semaphore_mem>> -> memref<!tpu.dma_semaphore, #tpu.memory_space<semaphore_mem>>
        %dma_start3A_682 = arith.constant 0 : i32
        %dma_start3A_683 = arith.constant 0 : i32
        %dma_start3A_684 = tpu.memref_slice %arg5[%dma_start3A_672, %dma_start3A_682, %dma_start3A_683] : memref<2x64x128xf32, #tpu.memory_space<vmem>> -> memref<1x64x128xf32, #tpu.memory_space<vmem>>
        %dma_start3A_685 = tpu.memref_squeeze %dma_start3A_684 : memref<1x64x128xf32, #tpu.memory_space<vmem>> -> memref<64x128xf32, #tpu.memory_space<vmem>>
        %dma_start3A_686 = arith.constant 0 : i32
        %dma_start3A_687 = tpu.memref_slice %arg2[%dma_start3A_686, %mul3A_671] : memref<64x1000000xf32, #tpu.memory_space<hbm>> -> memref<64x128xf32, #tpu.memory_space<hbm>>
        tpu.enqueue_dma source(%dma_start3A_687 : memref<64x128xf32, #tpu.memory_space<hbm>>) target(%dma_start3A_685 : memref<64x128xf32, #tpu.memory_space<vmem>>) target_semaphore(%dma_start3A_681 : memref<!tpu.dma_semaphore, #tpu.memory_space<semaphore_mem>>)
      } else {
      }
    }
    %scan3A_506 = arith.constant 122 : i32
    %dma_wait3A = arith.constant 0 : i32
    %dma_wait3A_507 = arith.constant 0 : i32
    %dma_wait3A_508 = arith.constant 0 : i32
    %dma_wait3A_509 = arith.constant 0 : i32
    %dma_wait3A_510 = tpu.memref_slice %arg6[%dma_wait3A, %dma_wait3A_508, %dma_wait3A_509] : memref<2x64x129xf32, #tpu.memory_space<vmem>> -> memref<1x64x128xf32, #tpu.memory_space<vmem>>
    %dma_wait3A_511 = tpu.memref_squeeze %dma_wait3A_510 : memref<1x64x128xf32, #tpu.memory_space<vmem>> -> memref<64x128xf32, #tpu.memory_space<vmem>>
    %dma_wait3A_512 = arith.constant 0 : i32
    %dma_wait3A_513 = arith.constant 0 : i32
    %dma_wait3A_514 = tpu.memref_slice %arg4[%dma_wait3A_512, %dma_wait3A_513] : memref<500000x128xf32, #tpu.memory_space<hbm>> -> memref<64x128xf32, #tpu.memory_space<hbm>>
    %dma_wait3A_515 = tpu.memref_slice %arg8[%dma_wait3A_507] : memref<2x!tpu.dma_semaphore, #tpu.memory_space<semaphore_mem>> -> memref<1x!tpu.dma_semaphore, #tpu.memory_space<semaphore_mem>>
    %dma_wait3A_516 = tpu.memref_squeeze %dma_wait3A_515 : memref<1x!tpu.dma_semaphore, #tpu.memory_space<semaphore_mem>> -> memref<!tpu.dma_semaphore, #tpu.memory_space<semaphore_mem>>
    %dma_wait3A_517 = arith.constant 0 : i32
    %dma_wait3A_518 = arith.constant 0 : i32
    %dma_wait3A_519 = tpu.memref_slice %arg4[%dma_wait3A_517, %dma_wait3A_518] : memref<500000x128xf32, #tpu.memory_space<hbm>> -> memref<64x128xf32, #tpu.memory_space<hbm>>
    %dma_wait3A_520 = arith.constant 0 : i32
    %dma_wait3A_521 = arith.constant 0 : i32
    %dma_wait3A_522 = tpu.memref_slice %arg6[%dma_wait3A, %dma_wait3A_520, %dma_wait3A_521] : memref<2x64x129xf32, #tpu.memory_space<vmem>> -> memref<1x64x128xf32, #tpu.memory_space<vmem>>
    %dma_wait3A_523 = tpu.memref_squeeze %dma_wait3A_522 : memref<1x64x128xf32, #tpu.memory_space<vmem>> -> memref<64x128xf32, #tpu.memory_space<vmem>>
    tpu.wait_dma2 semaphore(%dma_wait3A_516 : memref<!tpu.dma_semaphore, #tpu.memory_space<semaphore_mem>>) src(%dma_wait3A_523 : memref<64x128xf32, #tpu.memory_space<vmem>>) dst(%dma_wait3A_519 : memref<64x128xf32, #tpu.memory_space<hbm>>)
    %dma_wait3A_524 = arith.constant 1 : i32
    %dma_wait3A_525 = arith.constant 1 : i32
    %dma_wait3A_526 = arith.constant 0 : i32
    %dma_wait3A_527 = arith.constant 0 : i32
    %dma_wait3A_528 = tpu.memref_slice %arg6[%dma_wait3A_524, %dma_wait3A_526, %dma_wait3A_527] : memref<2x64x129xf32, #tpu.memory_space<vmem>> -> memref<1x64x128xf32, #tpu.memory_space<vmem>>
    %dma_wait3A_529 = tpu.memref_squeeze %dma_wait3A_528 : memref<1x64x128xf32, #tpu.memory_space<vmem>> -> memref<64x128xf32, #tpu.memory_space<vmem>>
    %dma_wait3A_530 = arith.constant 0 : i32
    %dma_wait3A_531 = arith.constant 0 : i32
    %dma_wait3A_532 = tpu.memref_slice %arg4[%dma_wait3A_530, %dma_wait3A_531] : memref<500000x128xf32, #tpu.memory_space<hbm>> -> memref<64x128xf32, #tpu.memory_space<hbm>>
    %dma_wait3A_533 = tpu.memref_slice %arg8[%dma_wait3A_525] : memref<2x!tpu.dma_semaphore, #tpu.memory_space<semaphore_mem>> -> memref<1x!tpu.dma_semaphore, #tpu.memory_space<semaphore_mem>>
    %dma_wait3A_534 = tpu.memref_squeeze %dma_wait3A_533 : memref<1x!tpu.dma_semaphore, #tpu.memory_space<semaphore_mem>> -> memref<!tpu.dma_semaphore, #tpu.memory_space<semaphore_mem>>
    %dma_wait3A_535 = arith.constant 0 : i32
    %dma_wait3A_536 = arith.constant 0 : i32
    %dma_wait3A_537 = tpu.memref_slice %arg4[%dma_wait3A_535, %dma_wait3A_536] : memref<500000x128xf32, #tpu.memory_space<hbm>> -> memref<64x128xf32, #tpu.memory_space<hbm>>
    %dma_wait3A_538 = arith.constant 0 : i32
    %dma_wait3A_539 = arith.constant 0 : i32
    %dma_wait3A_540 = tpu.memref_slice %arg6[%dma_wait3A_524, %dma_wait3A_538, %dma_wait3A_539] : memref<2x64x129xf32, #tpu.memory_space<vmem>> -> memref<1x64x128xf32, #tpu.memory_space<vmem>>
    %dma_wait3A_541 = tpu.memref_squeeze %dma_wait3A_540 : memref<1x64x128xf32, #tpu.memory_space<vmem>> -> memref<64x128xf32, #tpu.memory_space<vmem>>
    tpu.wait_dma2 semaphore(%dma_wait3A_534 : memref<!tpu.dma_semaphore, #tpu.memory_space<semaphore_mem>>) src(%dma_wait3A_541 : memref<64x128xf32, #tpu.memory_space<vmem>>) dst(%dma_wait3A_537 : memref<64x128xf32, #tpu.memory_space<hbm>>)
    %lt3A_542 = arith.constant 4 : i32
    %lt3A_543 = arith.cmpi slt, %add3A, %lt3A_542 : i32
    %convert_element_type3A = arith.extui %lt3A_543 : i1 to i32
    %cond3A = arith.constant 0 : i32
    %cond3A_544 = arith.cmpi ne, %convert_element_type3A, %cond3A : i32
    scf.if %cond3A_544 {
      %add3A_550 = arith.constant 7808 : i32
      %add3A_551 = arith.addi %add3A_550, %add3A : i32
      %mul3A_552 = arith.constant 128 : i32
      %mul3A_553 = arith.muli %add3A_551, %mul3A_552 : i32
      %run_scoped3A = arith.constant 0 : i32
      "tpu.region"() ({
        %run_scoped3A_561 = tpu.sem_alloc : memref<!tpu.dma_semaphore, #tpu.memory_space<semaphore_mem>>
        %dma_start3A_562 = arith.constant 0 : i32
        %dma_start3A_563 = arith.constant 0 : i32
        %dma_start3A_564 = tpu.memref_slice %arg5[%run_scoped3A, %dma_start3A_562, %dma_start3A_563] : memref<2x64x128xf32, #tpu.memory_space<vmem>> -> memref<1x64x128xf32, #tpu.memory_space<vmem>>
        %dma_start3A_565 = tpu.memref_squeeze %dma_start3A_564 : memref<1x64x128xf32, #tpu.memory_space<vmem>> -> memref<64x128xf32, #tpu.memory_space<vmem>>
        %dma_start3A_566 = arith.constant 0 : i32
        %dma_start3A_567 = tpu.memref_slice %arg2[%dma_start3A_566, %mul3A_553] : memref<64x1000000xf32, #tpu.memory_space<hbm>> -> memref<64x128xf32, #tpu.memory_space<hbm>>
        %dma_start3A_568 = arith.constant 0 : i32
        %dma_start3A_569 = arith.constant 0 : i32
        %dma_start3A_570 = tpu.memref_slice %arg5[%run_scoped3A, %dma_start3A_568, %dma_start3A_569] : memref<2x64x128xf32, #tpu.memory_space<vmem>> -> memref<1x64x128xf32, #tpu.memory_space<vmem>>
        %dma_start3A_571 = tpu.memref_squeeze %dma_start3A_570 : memref<1x64x128xf32, #tpu.memory_space<vmem>> -> memref<64x128xf32, #tpu.memory_space<vmem>>
        %dma_start3A_572 = arith.constant 0 : i32
        %dma_start3A_573 = tpu.memref_slice %arg2[%dma_start3A_572, %mul3A_553] : memref<64x1000000xf32, #tpu.memory_space<hbm>> -> memref<64x128xf32, #tpu.memory_space<hbm>>
        tpu.enqueue_dma source(%dma_start3A_573 : memref<64x128xf32, #tpu.memory_space<hbm>>) target(%dma_start3A_571 : memref<64x128xf32, #tpu.memory_space<vmem>>) target_semaphore(%run_scoped3A_561 : memref<!tpu.dma_semaphore, #tpu.memory_space<semaphore_mem>>)
        %dma_wait3A_574 = arith.constant 0 : i32
        %dma_wait3A_575 = arith.constant 0 : i32
        %dma_wait3A_576 = tpu.memref_slice %arg5[%run_scoped3A, %dma_wait3A_574, %dma_wait3A_575] : memref<2x64x128xf32, #tpu.memory_space<vmem>> -> memref<1x64x128xf32, #tpu.memory_space<vmem>>
        %dma_wait3A_577 = tpu.memref_squeeze %dma_wait3A_576 : memref<1x64x128xf32, #tpu.memory_space<vmem>> -> memref<64x128xf32, #tpu.memory_space<vmem>>
        %dma_wait3A_578 = arith.constant 0 : i32
        %dma_wait3A_579 = tpu.memref_slice %arg2[%dma_wait3A_578, %mul3A_553] : memref<64x1000000xf32, #tpu.memory_space<hbm>> -> memref<64x128xf32, #tpu.memory_space<hbm>>
        %dma_wait3A_580 = arith.constant 0 : i32
        %dma_wait3A_581 = arith.constant 0 : i32
        %dma_wait3A_582 = tpu.memref_slice %arg5[%run_scoped3A, %dma_wait3A_580, %dma_wait3A_581] : memref<2x64x128xf32, #tpu.memory_space<vmem>> -> memref<1x64x128xf32, #tpu.memory_space<vmem>>
        %dma_wait3A_583 = tpu.memref_squeeze %dma_wait3A_582 : memref<1x64x128xf32, #tpu.memory_space<vmem>> -> memref<64x128xf32, #tpu.memory_space<vmem>>
        %dma_wait3A_584 = arith.constant 0 : i32
        %dma_wait3A_585 = tpu.memref_slice %arg2[%dma_wait3A_584, %mul3A_553] : memref<64x1000000xf32, #tpu.memory_space<hbm>> -> memref<64x128xf32, #tpu.memory_space<hbm>>
        tpu.wait_dma2 semaphore(%run_scoped3A_561 : memref<!tpu.dma_semaphore, #tpu.memory_space<semaphore_mem>>) src(%dma_wait3A_585 : memref<64x128xf32, #tpu.memory_space<hbm>>) dst(%dma_wait3A_583 : memref<64x128xf32, #tpu.memory_space<vmem>>)
        tpu.yield
      }) : () -> ()
      %parallel_loop3A = arith.constant 0 : i32
      %parallel_loop3A_554 = arith.constant 64 : i32
      %parallel_loop3A_555 = arith.constant 1 : i32
      %parallel_loop3A_556 = arith.constant 0 : i32
      %parallel_loop3A_557 = arith.constant 0 : i32
      scf.for %parallel_loop3A_561 = %parallel_loop3A to %parallel_loop3A_554 step %parallel_loop3A_555  : i32 {
        %parallel_loop3A_562 = vector.broadcast %parallel_loop3A_561 : i32 to vector<16xi32>
        %parallel_loop3A_563 = arith.addi %mul3A_287, %parallel_loop3A_562 : vector<16xi32>
        %parallel_loop3A_564 = arith.constant 0 : i32
        %parallel_loop3A_565 = arith.constant 0 : i32
        %parallel_loop3A_566 = tpu.memref_slice %arg5[%parallel_loop3A_556, %parallel_loop3A_564, %parallel_loop3A_565] : memref<2x64x128xf32, #tpu.memory_space<vmem>> -> memref<1x64x128xf32, #tpu.memory_space<vmem>>
        %parallel_loop3A_567 = tpu.memref_squeeze %parallel_loop3A_566 : memref<1x64x128xf32, #tpu.memory_space<vmem>> -> memref<64x128xf32, #tpu.memory_space<vmem>>
        %parallel_loop3A_568 = arith.constant 0 : i32
        %parallel_loop3A_569 = tpu.memref_slice %parallel_loop3A_567[%parallel_loop3A_561, %parallel_loop3A_568] : memref<64x128xf32, #tpu.memory_space<vmem>> -> memref<1x128xf32, #tpu.memory_space<vmem>>
        %parallel_loop3A_570 = tpu.memref_squeeze %parallel_loop3A_569 : memref<1x128xf32, #tpu.memory_space<vmem>> -> memref<128xf32, #tpu.memory_space<vmem>>
        %parallel_loop3A_571 = arith.constant 0 : index
        %parallel_loop3A_572 = tpu.vector_load %parallel_loop3A_570[%parallel_loop3A_571] {strides = array<i32>} : memref<128xf32, #tpu.memory_space<vmem>>, vector<16xf32>,
        %parallel_loop3A_573 = arith.constant 0 : i32
        %parallel_loop3A_574 = arith.constant 0 : i32
        %parallel_loop3A_575 = tpu.memref_slice %arg6[%parallel_loop3A_557, %parallel_loop3A_573, %parallel_loop3A_574] : memref<2x64x129xf32, #tpu.memory_space<vmem>> -> memref<1x64x129xf32, #tpu.memory_space<vmem>>
        %parallel_loop3A_576 = tpu.memref_squeeze %parallel_loop3A_575 : memref<1x64x129xf32, #tpu.memory_space<vmem>> -> memref<64x129xf32, #tpu.memory_space<vmem>>
        tpu.vector_store_idx %parallel_loop3A_576[%select_n3A, %parallel_loop3A_563], %parallel_loop3A_572 : memref<64x129xf32, #tpu.memory_space<vmem>>[vector<16xi32>, vector<16xi32>], vector<16xf32>,
        %parallel_loop3A_577 = arith.addi %mul3A_312, %parallel_loop3A_562 : vector<16xi32>
        %parallel_loop3A_578 = arith.constant 0 : i32
        %parallel_loop3A_579 = arith.constant 0 : i32
        %parallel_loop3A_580 = tpu.memref_slice %arg5[%parallel_loop3A_556, %parallel_loop3A_578, %parallel_loop3A_579] : memref<2x64x128xf32, #tpu.memory_space<vmem>> -> memref<1x64x128xf32, #tpu.memory_space<vmem>>
        %parallel_loop3A_581 = tpu.memref_squeeze %parallel_loop3A_580 : memref<1x64x128xf32, #tpu.memory_space<vmem>> -> memref<64x128xf32, #tpu.memory_space<vmem>>
        %parallel_loop3A_582 = arith.constant 0 : i32
        %parallel_loop3A_583 = tpu.memref_slice %parallel_loop3A_581[%parallel_loop3A_561, %parallel_loop3A_582] : memref<64x128xf32, #tpu.memory_space<vmem>> -> memref<1x128xf32, #tpu.memory_space<vmem>>
        %parallel_loop3A_584 = tpu.memref_squeeze %parallel_loop3A_583 : memref<1x128xf32, #tpu.memory_space<vmem>> -> memref<128xf32, #tpu.memory_space<vmem>>
        %parallel_loop3A_585 = arith.constant 16 : index
        %parallel_loop3A_586 = tpu.vector_load %parallel_loop3A_584[%parallel_loop3A_585] {strides = array<i32>} : memref<128xf32, #tpu.memory_space<vmem>>, vector<16xf32>,
        %parallel_loop3A_587 = arith.constant 0 : i32
        %parallel_loop3A_588 = arith.constant 0 : i32
        %parallel_loop3A_589 = tpu.memref_slice %arg6[%parallel_loop3A_557, %parallel_loop3A_587, %parallel_loop3A_588] : memref<2x64x129xf32, #tpu.memory_space<vmem>> -> memref<1x64x129xf32, #tpu.memory_space<vmem>>
        %parallel_loop3A_590 = tpu.memref_squeeze %parallel_loop3A_589 : memref<1x64x129xf32, #tpu.memory_space<vmem>> -> memref<64x129xf32, #tpu.memory_space<vmem>>
        tpu.vector_store_idx %parallel_loop3A_590[%select_n3A_78, %parallel_loop3A_577], %parallel_loop3A_586 : memref<64x129xf32, #tpu.memory_space<vmem>>[vector<16xi32>, vector<16xi32>], vector<16xf32>,
        %parallel_loop3A_591 = arith.addi %mul3A_337, %parallel_loop3A_562 : vector<16xi32>
        %parallel_loop3A_592 = arith.constant 0 : i32
        %parallel_loop3A_593 = arith.constant 0 : i32
        %parallel_loop3A_594 = tpu.memref_slice %arg5[%parallel_loop3A_556, %parallel_loop3A_592, %parallel_loop3A_593] : memref<2x64x128xf32, #tpu.memory_space<vmem>> -> memref<1x64x128xf32, #tpu.memory_space<vmem>>
        %parallel_loop3A_595 = tpu.memref_squeeze %parallel_loop3A_594 : memref<1x64x128xf32, #tpu.memory_space<vmem>> -> memref<64x128xf32, #tpu.memory_space<vmem>>
        %parallel_loop3A_596 = arith.constant 0 : i32
        %parallel_loop3A_597 = tpu.memref_slice %parallel_loop3A_595[%parallel_loop3A_561, %parallel_loop3A_596] : memref<64x128xf32, #tpu.memory_space<vmem>> -> memref<1x128xf32, #tpu.memory_space<vmem>>
        %parallel_loop3A_598 = tpu.memref_squeeze %parallel_loop3A_597 : memref<1x128xf32, #tpu.memory_space<vmem>> -> memref<128xf32, #tpu.memory_space<vmem>>
        %parallel_loop3A_599 = arith.constant 32 : index
        %parallel_loop3A_600 = tpu.vector_load %parallel_loop3A_598[%parallel_loop3A_599] {strides = array<i32>} : memref<128xf32, #tpu.memory_space<vmem>>, vector<16xf32>,
        %parallel_loop3A_601 = arith.constant 0 : i32
        %parallel_loop3A_602 = arith.constant 0 : i32
        %parallel_loop3A_603 = tpu.memref_slice %arg6[%parallel_loop3A_557, %parallel_loop3A_601, %parallel_loop3A_602] : memref<2x64x129xf32, #tpu.memory_space<vmem>> -> memref<1x64x129xf32, #tpu.memory_space<vmem>>
        %parallel_loop3A_604 = tpu.memref_squeeze %parallel_loop3A_603 : memref<1x64x129xf32, #tpu.memory_space<vmem>> -> memref<64x129xf32, #tpu.memory_space<vmem>>
        tpu.vector_store_idx %parallel_loop3A_604[%select_n3A_109, %parallel_loop3A_591], %parallel_loop3A_600 : memref<64x129xf32, #tpu.memory_space<vmem>>[vector<16xi32>, vector<16xi32>], vector<16xf32>,
        %parallel_loop3A_605 = arith.addi %mul3A_362, %parallel_loop3A_562 : vector<16xi32>
        %parallel_loop3A_606 = arith.constant 0 : i32
        %parallel_loop3A_607 = arith.constant 0 : i32
        %parallel_loop3A_608 = tpu.memref_slice %arg5[%parallel_loop3A_556, %parallel_loop3A_606, %parallel_loop3A_607] : memref<2x64x128xf32, #tpu.memory_space<vmem>> -> memref<1x64x128xf32, #tpu.memory_space<vmem>>
        %parallel_loop3A_609 = tpu.memref_squeeze %parallel_loop3A_608 : memref<1x64x128xf32, #tpu.memory_space<vmem>> -> memref<64x128xf32, #tpu.memory_space<vmem>>
        %parallel_loop3A_610 = arith.constant 0 : i32
        %parallel_loop3A_611 = tpu.memref_slice %parallel_loop3A_609[%parallel_loop3A_561, %parallel_loop3A_610] : memref<64x128xf32, #tpu.memory_space<vmem>> -> memref<1x128xf32, #tpu.memory_space<vmem>>
        %parallel_loop3A_612 = tpu.memref_squeeze %parallel_loop3A_611 : memref<1x128xf32, #tpu.memory_space<vmem>> -> memref<128xf32, #tpu.memory_space<vmem>>
        %parallel_loop3A_613 = arith.constant 48 : index
        %parallel_loop3A_614 = tpu.vector_load %parallel_loop3A_612[%parallel_loop3A_613] {strides = array<i32>} : memref<128xf32, #tpu.memory_space<vmem>>, vector<16xf32>,
        %parallel_loop3A_615 = arith.constant 0 : i32
        %parallel_loop3A_616 = arith.constant 0 : i32
        %parallel_loop3A_617 = tpu.memref_slice %arg6[%parallel_loop3A_557, %parallel_loop3A_615, %parallel_loop3A_616] : memref<2x64x129xf32, #tpu.memory_space<vmem>> -> memref<1x64x129xf32, #tpu.memory_space<vmem>>
        %parallel_loop3A_618 = tpu.memref_squeeze %parallel_loop3A_617 : memref<1x64x129xf32, #tpu.memory_space<vmem>> -> memref<64x129xf32, #tpu.memory_space<vmem>>
        tpu.vector_store_idx %parallel_loop3A_618[%select_n3A_140, %parallel_loop3A_605], %parallel_loop3A_614 : memref<64x129xf32, #tpu.memory_space<vmem>>[vector<16xi32>, vector<16xi32>], vector<16xf32>,
        %parallel_loop3A_619 = arith.addi %mul3A_387, %parallel_loop3A_562 : vector<16xi32>
        %parallel_loop3A_620 = arith.constant 0 : i32
        %parallel_loop3A_621 = arith.constant 0 : i32
        %parallel_loop3A_622 = tpu.memref_slice %arg5[%parallel_loop3A_556, %parallel_loop3A_620, %parallel_loop3A_621] : memref<2x64x128xf32, #tpu.memory_space<vmem>> -> memref<1x64x128xf32, #tpu.memory_space<vmem>>
        %parallel_loop3A_623 = tpu.memref_squeeze %parallel_loop3A_622 : memref<1x64x128xf32, #tpu.memory_space<vmem>> -> memref<64x128xf32, #tpu.memory_space<vmem>>
        %parallel_loop3A_624 = arith.constant 0 : i32
        %parallel_loop3A_625 = tpu.memref_slice %parallel_loop3A_623[%parallel_loop3A_561, %parallel_loop3A_624] : memref<64x128xf32, #tpu.memory_space<vmem>> -> memref<1x128xf32, #tpu.memory_space<vmem>>
        %parallel_loop3A_626 = tpu.memref_squeeze %parallel_loop3A_625 : memref<1x128xf32, #tpu.memory_space<vmem>> -> memref<128xf32, #tpu.memory_space<vmem>>
        %parallel_loop3A_627 = arith.constant 64 : index
        %parallel_loop3A_628 = tpu.vector_load %parallel_loop3A_626[%parallel_loop3A_627] {strides = array<i32>} : memref<128xf32, #tpu.memory_space<vmem>>, vector<16xf32>,
        %parallel_loop3A_629 = arith.constant 0 : i32
        %parallel_loop3A_630 = arith.constant 0 : i32
        %parallel_loop3A_631 = tpu.memref_slice %arg6[%parallel_loop3A_557, %parallel_loop3A_629, %parallel_loop3A_630] : memref<2x64x129xf32, #tpu.memory_space<vmem>> -> memref<1x64x129xf32, #tpu.memory_space<vmem>>
        %parallel_loop3A_632 = tpu.memref_squeeze %parallel_loop3A_631 : memref<1x64x129xf32, #tpu.memory_space<vmem>> -> memref<64x129xf32, #tpu.memory_space<vmem>>
        tpu.vector_store_idx %parallel_loop3A_632[%select_n3A_171, %parallel_loop3A_619], %parallel_loop3A_628 : memref<64x129xf32, #tpu.memory_space<vmem>>[vector<16xi32>, vector<16xi32>], vector<16xf32>,
        %parallel_loop3A_633 = arith.addi %mul3A_412, %parallel_loop3A_562 : vector<16xi32>
        %parallel_loop3A_634 = arith.constant 0 : i32
        %parallel_loop3A_635 = arith.constant 0 : i32
        %parallel_loop3A_636 = tpu.memref_slice %arg5[%parallel_loop3A_556, %parallel_loop3A_634, %parallel_loop3A_635] : memref<2x64x128xf32, #tpu.memory_space<vmem>> -> memref<1x64x128xf32, #tpu.memory_space<vmem>>
        %parallel_loop3A_637 = tpu.memref_squeeze %parallel_loop3A_636 : memref<1x64x128xf32, #tpu.memory_space<vmem>> -> memref<64x128xf32, #tpu.memory_space<vmem>>
        %parallel_loop3A_638 = arith.constant 0 : i32
        %parallel_loop3A_639 = tpu.memref_slice %parallel_loop3A_637[%parallel_loop3A_561, %parallel_loop3A_638] : memref<64x128xf32, #tpu.memory_space<vmem>> -> memref<1x128xf32, #tpu.memory_space<vmem>>
        %parallel_loop3A_640 = tpu.memref_squeeze %parallel_loop3A_639 : memref<1x128xf32, #tpu.memory_space<vmem>> -> memref<128xf32, #tpu.memory_space<vmem>>
        %parallel_loop3A_641 = arith.constant 80 : index
        %parallel_loop3A_642 = tpu.vector_load %parallel_loop3A_640[%parallel_loop3A_641] {strides = array<i32>} : memref<128xf32, #tpu.memory_space<vmem>>, vector<16xf32>,
        %parallel_loop3A_643 = arith.constant 0 : i32
        %parallel_loop3A_644 = arith.constant 0 : i32
        %parallel_loop3A_645 = tpu.memref_slice %arg6[%parallel_loop3A_557, %parallel_loop3A_643, %parallel_loop3A_644] : memref<2x64x129xf32, #tpu.memory_space<vmem>> -> memref<1x64x129xf32, #tpu.memory_space<vmem>>
        %parallel_loop3A_646 = tpu.memref_squeeze %parallel_loop3A_645 : memref<1x64x129xf32, #tpu.memory_space<vmem>> -> memref<64x129xf32, #tpu.memory_space<vmem>>
        tpu.vector_store_idx %parallel_loop3A_646[%select_n3A_202, %parallel_loop3A_633], %parallel_loop3A_642 : memref<64x129xf32, #tpu.memory_space<vmem>>[vector<16xi32>, vector<16xi32>], vector<16xf32>,
        %parallel_loop3A_647 = arith.addi %mul3A_437, %parallel_loop3A_562 : vector<16xi32>
        %parallel_loop3A_648 = arith.constant 0 : i32
        %parallel_loop3A_649 = arith.constant 0 : i32
        %parallel_loop3A_650 = tpu.memref_slice %arg5[%parallel_loop3A_556, %parallel_loop3A_648, %parallel_loop3A_649] : memref<2x64x128xf32, #tpu.memory_space<vmem>> -> memref<1x64x128xf32, #tpu.memory_space<vmem>>
        %parallel_loop3A_651 = tpu.memref_squeeze %parallel_loop3A_650 : memref<1x64x128xf32, #tpu.memory_space<vmem>> -> memref<64x128xf32, #tpu.memory_space<vmem>>
        %parallel_loop3A_652 = arith.constant 0 : i32
        %parallel_loop3A_653 = tpu.memref_slice %parallel_loop3A_651[%parallel_loop3A_561, %parallel_loop3A_652] : memref<64x128xf32, #tpu.memory_space<vmem>> -> memref<1x128xf32, #tpu.memory_space<vmem>>
        %parallel_loop3A_654 = tpu.memref_squeeze %parallel_loop3A_653 : memref<1x128xf32, #tpu.memory_space<vmem>> -> memref<128xf32, #tpu.memory_space<vmem>>
        %parallel_loop3A_655 = arith.constant 96 : index
        %parallel_loop3A_656 = tpu.vector_load %parallel_loop3A_654[%parallel_loop3A_655] {strides = array<i32>} : memref<128xf32, #tpu.memory_space<vmem>>, vector<16xf32>,
        %parallel_loop3A_657 = arith.constant 0 : i32
        %parallel_loop3A_658 = arith.constant 0 : i32
        %parallel_loop3A_659 = tpu.memref_slice %arg6[%parallel_loop3A_557, %parallel_loop3A_657, %parallel_loop3A_658] : memref<2x64x129xf32, #tpu.memory_space<vmem>> -> memref<1x64x129xf32, #tpu.memory_space<vmem>>
        %parallel_loop3A_660 = tpu.memref_squeeze %parallel_loop3A_659 : memref<1x64x129xf32, #tpu.memory_space<vmem>> -> memref<64x129xf32, #tpu.memory_space<vmem>>
        tpu.vector_store_idx %parallel_loop3A_660[%select_n3A_233, %parallel_loop3A_647], %parallel_loop3A_656 : memref<64x129xf32, #tpu.memory_space<vmem>>[vector<16xi32>, vector<16xi32>], vector<16xf32>,
        %parallel_loop3A_661 = arith.addi %mul3A_462, %parallel_loop3A_562 : vector<16xi32>
        %parallel_loop3A_662 = arith.constant 0 : i32
        %parallel_loop3A_663 = arith.constant 0 : i32
        %parallel_loop3A_664 = tpu.memref_slice %arg5[%parallel_loop3A_556, %parallel_loop3A_662, %parallel_loop3A_663] : memref<2x64x128xf32, #tpu.memory_space<vmem>> -> memref<1x64x128xf32, #tpu.memory_space<vmem>>
        %parallel_loop3A_665 = tpu.memref_squeeze %parallel_loop3A_664 : memref<1x64x128xf32, #tpu.memory_space<vmem>> -> memref<64x128xf32, #tpu.memory_space<vmem>>
        %parallel_loop3A_666 = arith.constant 0 : i32
        %parallel_loop3A_667 = tpu.memref_slice %parallel_loop3A_665[%parallel_loop3A_561, %parallel_loop3A_666] : memref<64x128xf32, #tpu.memory_space<vmem>> -> memref<1x128xf32, #tpu.memory_space<vmem>>
        %parallel_loop3A_668 = tpu.memref_squeeze %parallel_loop3A_667 : memref<1x128xf32, #tpu.memory_space<vmem>> -> memref<128xf32, #tpu.memory_space<vmem>>
        %parallel_loop3A_669 = arith.constant 112 : index
        %parallel_loop3A_670 = tpu.vector_load %parallel_loop3A_668[%parallel_loop3A_669] {strides = array<i32>} : memref<128xf32, #tpu.memory_space<vmem>>, vector<16xf32>,
        %parallel_loop3A_671 = arith.constant 0 : i32
        %parallel_loop3A_672 = arith.constant 0 : i32
        %parallel_loop3A_673 = tpu.memref_slice %arg6[%parallel_loop3A_557, %parallel_loop3A_671, %parallel_loop3A_672] : memref<2x64x129xf32, #tpu.memory_space<vmem>> -> memref<1x64x129xf32, #tpu.memory_space<vmem>>
        %parallel_loop3A_674 = tpu.memref_squeeze %parallel_loop3A_673 : memref<1x64x129xf32, #tpu.memory_space<vmem>> -> memref<64x129xf32, #tpu.memory_space<vmem>>
        tpu.vector_store_idx %parallel_loop3A_674[%select_n3A_264, %parallel_loop3A_661], %parallel_loop3A_670 : memref<64x129xf32, #tpu.memory_space<vmem>>[vector<16xi32>, vector<16xi32>], vector<16xf32>,
      } {sc.loop_unroll_factor = 4 : i64, sc.parallel_access}
      %mul3A_558 = arith.constant 64 : i32
      %mul3A_559 = arith.muli %add3A_551, %mul3A_558 : i32
      %run_scoped3A_560 = arith.constant 0 : i32
      "tpu.region"() ({
        %run_scoped3A_561 = tpu.sem_alloc : memref<!tpu.dma_semaphore, #tpu.memory_space<semaphore_mem>>
        %dma_start3A_562 = arith.constant 0 : i32
        %dma_start3A_563 = arith.constant 0 : i32
        %dma_start3A_564 = tpu.memref_slice %arg6[%run_scoped3A_560, %dma_start3A_562, %dma_start3A_563] : memref<2x64x129xf32, #tpu.memory_space<vmem>> -> memref<1x64x128xf32, #tpu.memory_space<vmem>>
        %dma_start3A_565 = tpu.memref_squeeze %dma_start3A_564 : memref<1x64x128xf32, #tpu.memory_space<vmem>> -> memref<64x128xf32, #tpu.memory_space<vmem>>
        %dma_start3A_566 = arith.constant 0 : i32
        %dma_start3A_567 = tpu.memref_slice %arg4[%mul3A_559, %dma_start3A_566] : memref<500000x128xf32, #tpu.memory_space<hbm>> -> memref<64x128xf32, #tpu.memory_space<hbm>>
        %dma_start3A_568 = arith.constant 0 : i32
        %dma_start3A_569 = tpu.memref_slice %arg4[%mul3A_559, %dma_start3A_568] : memref<500000x128xf32, #tpu.memory_space<hbm>> -> memref<64x128xf32, #tpu.memory_space<hbm>>
        %dma_start3A_570 = arith.constant 0 : i32
        %dma_start3A_571 = arith.constant 0 : i32
        %dma_start3A_572 = tpu.memref_slice %arg6[%run_scoped3A_560, %dma_start3A_570, %dma_start3A_571] : memref<2x64x129xf32, #tpu.memory_space<vmem>> -> memref<1x64x128xf32, #tpu.memory_space<vmem>>
        %dma_start3A_573 = tpu.memref_squeeze %dma_start3A_572 : memref<1x64x128xf32, #tpu.memory_space<vmem>> -> memref<64x128xf32, #tpu.memory_space<vmem>>
        tpu.enqueue_dma source(%dma_start3A_573 : memref<64x128xf32, #tpu.memory_space<vmem>>) target(%dma_start3A_569 : memref<64x128xf32, #tpu.memory_space<hbm>>) target_semaphore(%run_scoped3A_561 : memref<!tpu.dma_semaphore, #tpu.memory_space<semaphore_mem>>)
        %dma_wait3A_574 = arith.constant 0 : i32
        %dma_wait3A_575 = arith.constant 0 : i32
        %dma_wait3A_576 = tpu.memref_slice %arg6[%run_scoped3A_560, %dma_wait3A_574, %dma_wait3A_575] : memref<2x64x129xf32, #tpu.memory_space<vmem>> -> memref<1x64x128xf32, #tpu.memory_space<vmem>>
        %dma_wait3A_577 = tpu.memref_squeeze %dma_wait3A_576 : memref<1x64x128xf32, #tpu.memory_space<vmem>> -> memref<64x128xf32, #tpu.memory_space<vmem>>
        %dma_wait3A_578 = arith.constant 0 : i32
        %dma_wait3A_579 = tpu.memref_slice %arg4[%mul3A_559, %dma_wait3A_578] : memref<500000x128xf32, #tpu.memory_space<hbm>> -> memref<64x128xf32, #tpu.memory_space<hbm>>
        %dma_wait3A_580 = arith.constant 0 : i32
        %dma_wait3A_581 = tpu.memref_slice %arg4[%mul3A_559, %dma_wait3A_580] : memref<500000x128xf32, #tpu.memory_space<hbm>> -> memref<64x128xf32, #tpu.memory_space<hbm>>
        %dma_wait3A_582 = arith.constant 0 : i32
        %dma_wait3A_583 = arith.constant 0 : i32
        %dma_wait3A_584 = tpu.memref_slice %arg6[%run_scoped3A_560, %dma_wait3A_582, %dma_wait3A_583] : memref<2x64x129xf32, #tpu.memory_space<vmem>> -> memref<1x64x128xf32, #tpu.memory_space<vmem>>
        %dma_wait3A_585 = tpu.memref_squeeze %dma_wait3A_584 : memref<1x64x128xf32, #tpu.memory_space<vmem>> -> memref<64x128xf32, #tpu.memory_space<vmem>>
        tpu.wait_dma2 semaphore(%run_scoped3A_561 : memref<!tpu.dma_semaphore, #tpu.memory_space<semaphore_mem>>) src(%dma_wait3A_585 : memref<64x128xf32, #tpu.memory_space<vmem>>) dst(%dma_wait3A_581 : memref<64x128xf32, #tpu.memory_space<hbm>>)
        tpu.yield
      }) : () -> ()
    } else {
    }
    %eq3A_545 = arith.constant 4 : i32
    %eq3A_546 = arith.cmpi eq, %add3A, %eq3A_545 : i32
    %convert_element_type3A_547 = arith.extui %eq3A_546 : i1 to i32
    %cond3A_548 = arith.constant 0 : i32
    %cond3A_549 = arith.cmpi ne, %convert_element_type3A_547, %cond3A_548 : i32
    scf.if %cond3A_549 {
      %run_scoped3A = arith.constant 0 : i32
      "tpu.region"() ({
        %run_scoped3A_555 = tpu.sem_alloc : memref<!tpu.dma_semaphore, #tpu.memory_space<semaphore_mem>>
        %dma_start3A_556 = arith.constant 0 : i32
        %dma_start3A_557 = arith.constant 0 : i32
        %dma_start3A_558 = tpu.memref_slice %arg5[%run_scoped3A, %dma_start3A_556, %dma_start3A_557] : memref<2x64x128xf32, #tpu.memory_space<vmem>> -> memref<1x64x128xf32, #tpu.memory_space<vmem>>
        %dma_start3A_559 = tpu.memref_squeeze %dma_start3A_558 : memref<1x64x128xf32, #tpu.memory_space<vmem>> -> memref<64x128xf32, #tpu.memory_space<vmem>>
        %dma_start3A_560 = arith.constant 0 : i32
        %dma_start3A_561 = arith.constant 0 : i32
        %dma_start3A_562 = tpu.memref_slice %arg5[%run_scoped3A, %dma_start3A_560, %dma_start3A_561] : memref<2x64x128xf32, #tpu.memory_space<vmem>> -> memref<1x64x128xf32, #tpu.memory_space<vmem>>
        %dma_start3A_563 = tpu.memref_squeeze %dma_start3A_562 : memref<1x64x128xf32, #tpu.memory_space<vmem>> -> memref<64x128xf32, #tpu.memory_space<vmem>>
        tpu.enqueue_dma source(%arg3 : memref<64x128xf32, #tpu.memory_space<hbm>>) target(%dma_start3A_563 : memref<64x128xf32, #tpu.memory_space<vmem>>) target_semaphore(%run_scoped3A_555 : memref<!tpu.dma_semaphore, #tpu.memory_space<semaphore_mem>>)
        %dma_wait3A_564 = arith.constant 0 : i32
        %dma_wait3A_565 = arith.constant 0 : i32
        %dma_wait3A_566 = tpu.memref_slice %arg5[%run_scoped3A, %dma_wait3A_564, %dma_wait3A_565] : memref<2x64x128xf32, #tpu.memory_space<vmem>> -> memref<1x64x128xf32, #tpu.memory_space<vmem>>
        %dma_wait3A_567 = tpu.memref_squeeze %dma_wait3A_566 : memref<1x64x128xf32, #tpu.memory_space<vmem>> -> memref<64x128xf32, #tpu.memory_space<vmem>>
        %dma_wait3A_568 = arith.constant 0 : i32
        %dma_wait3A_569 = arith.constant 0 : i32
        %dma_wait3A_570 = tpu.memref_slice %arg5[%run_scoped3A, %dma_wait3A_568, %dma_wait3A_569] : memref<2x64x128xf32, #tpu.memory_space<vmem>> -> memref<1x64x128xf32, #tpu.memory_space<vmem>>
        %dma_wait3A_571 = tpu.memref_squeeze %dma_wait3A_570 : memref<1x64x128xf32, #tpu.memory_space<vmem>> -> memref<64x128xf32, #tpu.memory_space<vmem>>
        tpu.wait_dma2 semaphore(%run_scoped3A_555 : memref<!tpu.dma_semaphore, #tpu.memory_space<semaphore_mem>>) src(%arg3 : memref<64x128xf32, #tpu.memory_space<hbm>>) dst(%dma_wait3A_571 : memref<64x128xf32, #tpu.memory_space<vmem>>)
        tpu.yield
      }) : () -> ()
      %parallel_loop3A = arith.constant 0 : i32
      %parallel_loop3A_550 = arith.constant 64 : i32
      %parallel_loop3A_551 = arith.constant 1 : i32
      %parallel_loop3A_552 = arith.constant 0 : i32
      %parallel_loop3A_553 = arith.constant 0 : i32
      scf.for %parallel_loop3A_555 = %parallel_loop3A to %parallel_loop3A_550 step %parallel_loop3A_551  : i32 {
        %parallel_loop3A_556 = vector.broadcast %parallel_loop3A_555 : i32 to vector<16xi32>
        %parallel_loop3A_557 = arith.addi %mul3A_287, %parallel_loop3A_556 : vector<16xi32>
        %parallel_loop3A_558 = arith.constant 0 : i32
        %parallel_loop3A_559 = arith.constant 0 : i32
        %parallel_loop3A_560 = tpu.memref_slice %arg5[%parallel_loop3A_552, %parallel_loop3A_558, %parallel_loop3A_559] : memref<2x64x128xf32, #tpu.memory_space<vmem>> -> memref<1x64x128xf32, #tpu.memory_space<vmem>>
        %parallel_loop3A_561 = tpu.memref_squeeze %parallel_loop3A_560 : memref<1x64x128xf32, #tpu.memory_space<vmem>> -> memref<64x128xf32, #tpu.memory_space<vmem>>
        %parallel_loop3A_562 = arith.constant 0 : i32
        %parallel_loop3A_563 = tpu.memref_slice %parallel_loop3A_561[%parallel_loop3A_555, %parallel_loop3A_562] : memref<64x128xf32, #tpu.memory_space<vmem>> -> memref<1x128xf32, #tpu.memory_space<vmem>>
        %parallel_loop3A_564 = tpu.memref_squeeze %parallel_loop3A_563 : memref<1x128xf32, #tpu.memory_space<vmem>> -> memref<128xf32, #tpu.memory_space<vmem>>
        %parallel_loop3A_565 = arith.constant 0 : index
        %parallel_loop3A_566 = tpu.vector_load %parallel_loop3A_564[%parallel_loop3A_565] {strides = array<i32>} : memref<128xf32, #tpu.memory_space<vmem>>, vector<16xf32>,
        %parallel_loop3A_567 = arith.constant 0 : i32
        %parallel_loop3A_568 = arith.constant 0 : i32
        %parallel_loop3A_569 = tpu.memref_slice %arg6[%parallel_loop3A_553, %parallel_loop3A_567, %parallel_loop3A_568] : memref<2x64x129xf32, #tpu.memory_space<vmem>> -> memref<1x64x129xf32, #tpu.memory_space<vmem>>
        %parallel_loop3A_570 = tpu.memref_squeeze %parallel_loop3A_569 : memref<1x64x129xf32, #tpu.memory_space<vmem>> -> memref<64x129xf32, #tpu.memory_space<vmem>>
        tpu.vector_store_idx %parallel_loop3A_570[%select_n3A, %parallel_loop3A_557], %parallel_loop3A_566 : memref<64x129xf32, #tpu.memory_space<vmem>>[vector<16xi32>, vector<16xi32>], vector<16xf32>,
        %parallel_loop3A_571 = arith.addi %mul3A_312, %parallel_loop3A_556 : vector<16xi32>
        %parallel_loop3A_572 = arith.constant 0 : i32
        %parallel_loop3A_573 = arith.constant 0 : i32
        %parallel_loop3A_574 = tpu.memref_slice %arg5[%parallel_loop3A_552, %parallel_loop3A_572, %parallel_loop3A_573] : memref<2x64x128xf32, #tpu.memory_space<vmem>> -> memref<1x64x128xf32, #tpu.memory_space<vmem>>
        %parallel_loop3A_575 = tpu.memref_squeeze %parallel_loop3A_574 : memref<1x64x128xf32, #tpu.memory_space<vmem>> -> memref<64x128xf32, #tpu.memory_space<vmem>>
        %parallel_loop3A_576 = arith.constant 0 : i32
        %parallel_loop3A_577 = tpu.memref_slice %parallel_loop3A_575[%parallel_loop3A_555, %parallel_loop3A_576] : memref<64x128xf32, #tpu.memory_space<vmem>> -> memref<1x128xf32, #tpu.memory_space<vmem>>
        %parallel_loop3A_578 = tpu.memref_squeeze %parallel_loop3A_577 : memref<1x128xf32, #tpu.memory_space<vmem>> -> memref<128xf32, #tpu.memory_space<vmem>>
        %parallel_loop3A_579 = arith.constant 16 : index
        %parallel_loop3A_580 = tpu.vector_load %parallel_loop3A_578[%parallel_loop3A_579] {strides = array<i32>} : memref<128xf32, #tpu.memory_space<vmem>>, vector<16xf32>,
        %parallel_loop3A_581 = arith.constant 0 : i32
        %parallel_loop3A_582 = arith.constant 0 : i32
        %parallel_loop3A_583 = tpu.memref_slice %arg6[%parallel_loop3A_553, %parallel_loop3A_581, %parallel_loop3A_582] : memref<2x64x129xf32, #tpu.memory_space<vmem>> -> memref<1x64x129xf32, #tpu.memory_space<vmem>>
        %parallel_loop3A_584 = tpu.memref_squeeze %parallel_loop3A_583 : memref<1x64x129xf32, #tpu.memory_space<vmem>> -> memref<64x129xf32, #tpu.memory_space<vmem>>
        tpu.vector_store_idx %parallel_loop3A_584[%select_n3A_78, %parallel_loop3A_571], %parallel_loop3A_580 : memref<64x129xf32, #tpu.memory_space<vmem>>[vector<16xi32>, vector<16xi32>], vector<16xf32>,
        %parallel_loop3A_585 = arith.addi %mul3A_337, %parallel_loop3A_556 : vector<16xi32>
        %parallel_loop3A_586 = arith.constant 0 : i32
        %parallel_loop3A_587 = arith.constant 0 : i32
        %parallel_loop3A_588 = tpu.memref_slice %arg5[%parallel_loop3A_552, %parallel_loop3A_586, %parallel_loop3A_587] : memref<2x64x128xf32, #tpu.memory_space<vmem>> -> memref<1x64x128xf32, #tpu.memory_space<vmem>>
        %parallel_loop3A_589 = tpu.memref_squeeze %parallel_loop3A_588 : memref<1x64x128xf32, #tpu.memory_space<vmem>> -> memref<64x128xf32, #tpu.memory_space<vmem>>
        %parallel_loop3A_590 = arith.constant 0 : i32
        %parallel_loop3A_591 = tpu.memref_slice %parallel_loop3A_589[%parallel_loop3A_555, %parallel_loop3A_590] : memref<64x128xf32, #tpu.memory_space<vmem>> -> memref<1x128xf32, #tpu.memory_space<vmem>>
        %parallel_loop3A_592 = tpu.memref_squeeze %parallel_loop3A_591 : memref<1x128xf32, #tpu.memory_space<vmem>> -> memref<128xf32, #tpu.memory_space<vmem>>
        %parallel_loop3A_593 = arith.constant 32 : index
        %parallel_loop3A_594 = tpu.vector_load %parallel_loop3A_592[%parallel_loop3A_593] {strides = array<i32>} : memref<128xf32, #tpu.memory_space<vmem>>, vector<16xf32>,
        %parallel_loop3A_595 = arith.constant 0 : i32
        %parallel_loop3A_596 = arith.constant 0 : i32
        %parallel_loop3A_597 = tpu.memref_slice %arg6[%parallel_loop3A_553, %parallel_loop3A_595, %parallel_loop3A_596] : memref<2x64x129xf32, #tpu.memory_space<vmem>> -> memref<1x64x129xf32, #tpu.memory_space<vmem>>
        %parallel_loop3A_598 = tpu.memref_squeeze %parallel_loop3A_597 : memref<1x64x129xf32, #tpu.memory_space<vmem>> -> memref<64x129xf32, #tpu.memory_space<vmem>>
        tpu.vector_store_idx %parallel_loop3A_598[%select_n3A_109, %parallel_loop3A_585], %parallel_loop3A_594 : memref<64x129xf32, #tpu.memory_space<vmem>>[vector<16xi32>, vector<16xi32>], vector<16xf32>,
        %parallel_loop3A_599 = arith.addi %mul3A_362, %parallel_loop3A_556 : vector<16xi32>
        %parallel_loop3A_600 = arith.constant 0 : i32
        %parallel_loop3A_601 = arith.constant 0 : i32
        %parallel_loop3A_602 = tpu.memref_slice %arg5[%parallel_loop3A_552, %parallel_loop3A_600, %parallel_loop3A_601] : memref<2x64x128xf32, #tpu.memory_space<vmem>> -> memref<1x64x128xf32, #tpu.memory_space<vmem>>
        %parallel_loop3A_603 = tpu.memref_squeeze %parallel_loop3A_602 : memref<1x64x128xf32, #tpu.memory_space<vmem>> -> memref<64x128xf32, #tpu.memory_space<vmem>>
        %parallel_loop3A_604 = arith.constant 0 : i32
        %parallel_loop3A_605 = tpu.memref_slice %parallel_loop3A_603[%parallel_loop3A_555, %parallel_loop3A_604] : memref<64x128xf32, #tpu.memory_space<vmem>> -> memref<1x128xf32, #tpu.memory_space<vmem>>
        %parallel_loop3A_606 = tpu.memref_squeeze %parallel_loop3A_605 : memref<1x128xf32, #tpu.memory_space<vmem>> -> memref<128xf32, #tpu.memory_space<vmem>>
        %parallel_loop3A_607 = arith.constant 48 : index
        %parallel_loop3A_608 = tpu.vector_load %parallel_loop3A_606[%parallel_loop3A_607] {strides = array<i32>} : memref<128xf32, #tpu.memory_space<vmem>>, vector<16xf32>,
        %parallel_loop3A_609 = arith.constant 0 : i32
        %parallel_loop3A_610 = arith.constant 0 : i32
        %parallel_loop3A_611 = tpu.memref_slice %arg6[%parallel_loop3A_553, %parallel_loop3A_609, %parallel_loop3A_610] : memref<2x64x129xf32, #tpu.memory_space<vmem>> -> memref<1x64x129xf32, #tpu.memory_space<vmem>>
        %parallel_loop3A_612 = tpu.memref_squeeze %parallel_loop3A_611 : memref<1x64x129xf32, #tpu.memory_space<vmem>> -> memref<64x129xf32, #tpu.memory_space<vmem>>
        tpu.vector_store_idx %parallel_loop3A_612[%select_n3A_140, %parallel_loop3A_599], %parallel_loop3A_608 : memref<64x129xf32, #tpu.memory_space<vmem>>[vector<16xi32>, vector<16xi32>], vector<16xf32>,
      } {sc.loop_unroll_factor = 4 : i64, sc.parallel_access}
      %run_scoped3A_554 = arith.constant 0 : i32
      "tpu.region"() ({
        %run_scoped3A_555 = tpu.sem_alloc : memref<!tpu.dma_semaphore, #tpu.memory_space<semaphore_mem>>
        %dma_start3A_556 = arith.constant 0 : i32
        %dma_start3A_557 = arith.constant 0 : i32
        %dma_start3A_558 = tpu.memref_slice %arg6[%run_scoped3A_554, %dma_start3A_556, %dma_start3A_557] : memref<2x64x129xf32, #tpu.memory_space<vmem>> -> memref<1x32x128xf32, #tpu.memory_space<vmem>>
        %dma_start3A_559 = tpu.memref_squeeze %dma_start3A_558 : memref<1x32x128xf32, #tpu.memory_space<vmem>> -> memref<32x128xf32, #tpu.memory_space<vmem>>
        %dma_start3A_560 = arith.constant 499968 : i32
        %dma_start3A_561 = arith.constant 0 : i32
        %dma_start3A_562 = tpu.memref_slice %arg4[%dma_start3A_560, %dma_start3A_561] : memref<500000x128xf32, #tpu.memory_space<hbm>> -> memref<32x128xf32, #tpu.memory_space<hbm>>
        %dma_start3A_563 = arith.constant 499968 : i32
        %dma_start3A_564 = arith.constant 0 : i32
        %dma_start3A_565 = tpu.memref_slice %arg4[%dma_start3A_563, %dma_start3A_564] : memref<500000x128xf32, #tpu.memory_space<hbm>> -> memref<32x128xf32, #tpu.memory_space<hbm>>
        %dma_start3A_566 = arith.constant 0 : i32
        %dma_start3A_567 = arith.constant 0 : i32
        %dma_start3A_568 = tpu.memref_slice %arg6[%run_scoped3A_554, %dma_start3A_566, %dma_start3A_567] : memref<2x64x129xf32, #tpu.memory_space<vmem>> -> memref<1x32x128xf32, #tpu.memory_space<vmem>>
        %dma_start3A_569 = tpu.memref_squeeze %dma_start3A_568 : memref<1x32x128xf32, #tpu.memory_space<vmem>> -> memref<32x128xf32, #tpu.memory_space<vmem>>
        tpu.enqueue_dma source(%dma_start3A_569 : memref<32x128xf32, #tpu.memory_space<vmem>>) target(%dma_start3A_565 : memref<32x128xf32, #tpu.memory_space<hbm>>) target_semaphore(%run_scoped3A_555 : memref<!tpu.dma_semaphore, #tpu.memory_space<semaphore_mem>>)
        %dma_wait3A_570 = arith.constant 0 : i32
        %dma_wait3A_571 = arith.constant 0 : i32
        %dma_wait3A_572 = tpu.memref_slice %arg6[%run_scoped3A_554, %dma_wait3A_570, %dma_wait3A_571] : memref<2x64x129xf32, #tpu.memory_space<vmem>> -> memref<1x32x128xf32, #tpu.memory_space<vmem>>
        %dma_wait3A_573 = tpu.memref_squeeze %dma_wait3A_572 : memref<1x32x128xf32, #tpu.memory_space<vmem>> -> memref<32x128xf32, #tpu.memory_space<vmem>>
        %dma_wait3A_574 = arith.constant 499968 : i32
        %dma_wait3A_575 = arith.constant 0 : i32
        %dma_wait3A_576 = tpu.memref_slice %arg4[%dma_wait3A_574, %dma_wait3A_575] : memref<500000x128xf32, #tpu.memory_space<hbm>> -> memref<32x128xf32, #tpu.memory_space<hbm>>
        %dma_wait3A_577 = arith.constant 499968 : i32
        %dma_wait3A_578 = arith.constant 0 : i32
        %dma_wait3A_579 = tpu.memref_slice %arg4[%dma_wait3A_577, %dma_wait3A_578] : memref<500000x128xf32, #tpu.memory_space<hbm>> -> memref<32x128xf32, #tpu.memory_space<hbm>>
        %dma_wait3A_580 = arith.constant 0 : i32
        %dma_wait3A_581 = arith.constant 0 : i32
        %dma_wait3A_582 = tpu.memref_slice %arg6[%run_scoped3A_554, %dma_wait3A_580, %dma_wait3A_581] : memref<2x64x129xf32, #tpu.memory_space<vmem>> -> memref<1x32x128xf32, #tpu.memory_space<vmem>>
        %dma_wait3A_583 = tpu.memref_squeeze %dma_wait3A_582 : memref<1x32x128xf32, #tpu.memory_space<vmem>> -> memref<32x128xf32, #tpu.memory_space<vmem>>
        tpu.wait_dma2 semaphore(%run_scoped3A_555 : memref<!tpu.dma_semaphore, #tpu.memory_space<semaphore_mem>>) src(%dma_wait3A_583 : memref<32x128xf32, #tpu.memory_space<vmem>>) dst(%dma_wait3A_579 : memref<32x128xf32, #tpu.memory_space<hbm>>)
        tpu.yield
      }) : () -> ()
    } else {
    }
    return
  }
}

</mosaic_0001>

<sc_bundles>
// kernel: _relayout.3.cloned.1.call-start
scs
__scs_entry_jumppad:
0x0: {  	(pc) =	sbr.rel $0x88, $3  }
0x1: {  	(tag) =	ssettag $0x0;
	lr =	simm.s32 $0x1  }
0x2: {  	[smem:$0x3F9F] =	sst lr;
	_ =	strace $0xD0000000  }
0x3: {  	_ = 	snop  }
0x4: {  	_ = 	snop  }
0x5: {  	_ = 	snop  }
0x6: {  	_ = 	snop  }
0x7: {  	_ = 	snop  }
__scs_overlays_trampoline_lowered:
0x8: {  	[smem:$0x3FAE] =	sst s0  }
0x9: {  	[smem:$0x3FAF] =	sst s1  }
0xa: {  	[smem:$0x3FB0] =	sst s2  }
0xb: {  	[smem:$0x3FB1] =	sst s3  }
0xc: {  	[smem:$0x3FB2] =	sst s4  }
0xd: {  	[smem:$0x3FB3] =	sst s5  }
0xe: {  	[smem:$0x3FB4] =	sst s6  }
0xf: {  	[smem:$0x3FB5] =	sst s7  }
0x10: {  	[smem:$0x3FB6] =	sst s8  }
0x11: {  	[smem:$0x3FB7] =	sst s9;
	s0 =	simm.s32 @!p0 $0x0  }
0x12: {  	s1 =	sld [smem:$0x3F9D];
	s0 =	simm.s32 @p0 $0x1  }
0x13: {  	[smem:$0x3FB8] =	sst s0;
	s0 =	simm.s32 @!p1 $0x0  }
0x14: {  	s2 =	sld [smem:$0x3F9C];
	s0 =	simm.s32 @p1 $0x1  }
0x15: {  	[smem:$0x3FB9] =	sst s0;
	s0 =	simm.s32 @!p2 $0x0  }
0x16: {  	s3 =	sld [smem:$0x3FDB];
	s0 =	simm.s32 @p2 $0x1  }
0x17: {  	s4 =	simm.s32 $0x1BF5;
	[smem:$0x3FBB] =	sst s0  }
0x18: {  	s0 =	sld [smem:$0x3F9E];
	_ =	swait.ge [sflag:s4], $0x0  }
0x19: {  	s7 =	sld [smem:$0x3F9F]  }
0x1a: {  	s8 =	sadd.s32 $0xFFFFE003, lr  }
0x1b: {  	s9 =	sadd.s32 $0xFFFFFEF7, lr;
	s5 =	simm.s32 $0xFFFFFFFF;
	p2 =	slt.u32 s8, $0xFFFFF086  }
0x1c: {  	p1 =	slt.u32 s9, $0xF7A;
	s5 =	simm.s32 @!p2 $0x0  }
0x1d: {  	s5 =	simm.s32 @p1 $0x1;
	p0 =	seq.s32 s7, s2  }
0x1e: {  	s7 =	smul.u32 @!p0 $0xF7A, s2;
	p2 =	seq.s32 @!p0 s5, $0x0  }
0x1f: {  	s9 =	smul.u32 $0xF7A, s1;
	s8 =	simm.s32 @!p0 $0x1BF5;
	p2 =	por !p2, p0  }
0x20: {  	[sflag:s8] =	ssyncset.s32 @!p0 $0xFFFFF086;
	s6 =	sadd.s32 @!p0 s3, s7;
	s7 =	simm.s32 @!p0 $0x108  }
0x21: {  	s3 =	sadd.s32 s3, s9;
	s6 =	sadd.s32 @!p0 $0x88, s6;
	s7 =	simm.s32 @p2 $0x1082  }
0x22: {  	[simem:s7], [sflag:s8] =	dma.local @!p0 [hbm:s6], $0xF7A  }
0x23: {  	s9 =	sor.u32 $0xD0000000, s2;
	s6 =	simm.s32 $0x108;
	_ =	swait.ge @!p0 [sflag:s8], $0x0  }
0x24: {  	s3 =	sadd.s32 $0x88, s3;
	s6 =	simm.s32 @!p1 $0x1082;
	[sflag:s4] =	ssyncset.s32 $0xFFFFF086  }
0x25: {  	[simem:s6], [sflag:s4] =	dma.local [hbm:s3], $0xF7A  }
0x26: {  	[smem:$0x3F9F] =	sst s1;
	(tag) =	ssettag s2;
	_ =	strace s9  }
0x27: {  	s1 =	sld [smem:$0x3FAF]  }
0x28: {  	s2 =	sld [smem:$0x3FB0]  }
0x29: {  	s4 =	sld [smem:$0x3FB2]  }
0x2a: {  	p0 =	seq.s32 s5, $0x0;
	s5 =	sld [smem:$0x3FB3]  }
0x2b: {  	s6 =	sld [smem:$0x3FB4]  }
0x2c: {  	s7 =	sld [smem:$0x3FB5]  }
0x2d: {  	s3 =	simm.s32 $0x108;
	s8 =	sld [smem:$0x3FB6]  }
0x2e: {  	s3 =	simm.s32 @!p0 $0x1082;
	s9 =	sld [smem:$0x3FB7]  }
0x2f: {  	lr =	sadd.s32 s0, s3;
	s0 =	sld [smem:$0x3FAE]  }
0x30: {  	s3 =	sld [smem:$0x3FB1]  }
0x31: {  	[smem:$0x3FBA] =	sst s10  }
0x32: {  	s10 =	sld [smem:$0x3FB8];
	_ =	sdelay $0x3  }
0x33: {  	p0 =	seq.s32 s10, $0x1;
	s10 =	sld [smem:$0x3FBA];
	_ =	sdelay $0x3  }
0x34: {  	[smem:$0x3FBA] =	sst s10  }
0x35: {  	s10 =	sld [smem:$0x3FB9];
	_ =	sdelay $0x3  }
0x36: {  	p1 =	seq.s32 s10, $0x1;
	s10 =	sld [smem:$0x3FBA];
	_ =	sdelay $0x3  }
0x37: {  	[smem:$0x3FBA] =	sst s10  }
0x38: {  	s10 =	sld [smem:$0x3FBB]  }
0x39: {  	_ = 	snop;
	(pc) =	sbr.ind lr, $3  }
0x3a: {  	_ = 	snop  }
0x3b: {  	_ = 	snop  }
0x3c: {  	p2 =	seq.s32 s10, $0x1;
	s10 =	sld [smem:$0x3FBA]  }
0x3d: {  	_ =	shalt  }
0x3e: {  	_ =	shalt  }
0x3f: {  	_ =	shalt  }
0x40: {  	_ =	shalt  }
0x41: {  	_ =	shalt  }
0x42: {  	_ =	shalt  }
0x43: {  	_ =	shalt  }
0x44: {  	_ =	shalt  }
0x45: {  	_ =	shalt  }
0x46: {  	_ =	shalt  }
0x47: {  	_ =	shalt  }
0x48: {  	_ =	shalt  }
0x49: {  	_ =	shalt  }
0x4a: {  	_ =	shalt  }
0x4b: {  	_ =	shalt  }
0x4c: {  	_ =	shalt  }
0x4d: {  	_ =	shalt  }
0x4e: {  	_ =	shalt  }
0x4f: {  	_ =	shalt  }
0x50: {  	_ =	shalt  }
0x51: {  	_ =	shalt  }
0x52: {  	_ =	shalt  }
0x53: {  	_ =	shalt  }
0x54: {  	_ =	shalt  }
0x55: {  	_ =	shalt  }
0x56: {  	_ =	shalt  }
0x57: {  	_ =	shalt  }
0x58: {  	_ =	shalt  }
0x59: {  	_ =	shalt  }
0x5a: {  	_ =	shalt  }
0x5b: {  	_ =	shalt  }
0x5c: {  	_ =	shalt  }
0x5d: {  	_ =	shalt  }
0x5e: {  	_ =	shalt  }
0x5f: {  	_ =	shalt  }
0x60: {  	_ =	shalt  }
0x61: {  	_ =	shalt  }
0x62: {  	_ =	shalt  }
0x63: {  	_ =	shalt  }
0x64: {  	_ =	shalt  }
0x65: {  	_ =	shalt  }
0x66: {  	_ =	shalt  }
0x67: {  	_ =	shalt  }
0x68: {  	_ =	shalt  }
0x69: {  	_ =	shalt  }
0x6a: {  	_ =	shalt  }
0x6b: {  	_ =	shalt  }
0x6c: {  	_ =	shalt  }
0x6d: {  	_ =	shalt  }
0x6e: {  	_ =	shalt  }
0x6f: {  	_ =	shalt  }
0x70: {  	_ =	shalt  }
0x71: {  	_ =	shalt  }
0x72: {  	_ =	shalt  }
0x73: {  	_ =	shalt  }
0x74: {  	_ =	shalt  }
0x75: {  	_ =	shalt  }
0x76: {  	_ =	shalt  }
0x77: {  	_ =	shalt  }
0x78: {  	_ =	shalt  }
0x79: {  	_ =	shalt  }
0x7a: {  	_ =	shalt  }
0x7b: {  	_ =	shalt  }
0x7c: {  	_ =	shalt  }
0x7d: {  	_ =	shalt  }
0x7e: {  	_ =	shalt  }
0x7f: {  	_ =	shalt  }
0x80: {  	_ =	shalt  }
0x81: {  	_ =	shalt  }
0x82: {  	_ =	shalt  }
0x83: {  	_ =	shalt  }
0x84: {  	_ =	shalt  }
0x85: {  	_ =	shalt  }
0x86: {  	_ =	shalt  }
0x87: {  	_ =	shalt  }
.Lfunc_end0:
.L_simem_size_0:
called_computation_lowered:
.L_overlay_start_0:
0x88: {  	s2 =	sld [smem:$0x3FD9]  }
0x89: {  	s3 =	sld [smem:$0x3FFE];
	_ =	sdelay $0x1  }
0x8a: {  	s1 =	srdreg.scid  }
0x8b: {  	s0 =	sand.u32 $0x1, s1  }
0x8c: {  	s18 =	sshll.u32 s0, $0xA;
	s2 =	sadd.s32 s3, s2  }
0x8d: {  	s2 =	sadd.s32 s2, s18  }
0x8e: {  	[smem:$0x3FC6] =	sst s2  }
0x8f: {  	_ = 	snop  }
0x90: {  	s2 =	sld [smem:$0x3FC9]  }
0x91: {  	s19 =	sld [smem:$0x3FC8]  }
0x92: {  	s4 =	sld [smem:$0x3FD0];
	(tm) =	ssettm $0x1  }
0x93: {  	s5 =	sld [smem:$0x3FFB];
	_ =	sdelay $0x3  }
0x94: {  	_ =	strace s5  }
0x95: {  	s5 =	sld [smem:$0x3FFC];
	_ =	sdelay $0x3  }
0x96: {  	_ =	strace s5  }
0x97: {  	s5 =	sld [smem:$0x3FFD];
	_ =	sdelay $0x3  }
0x98: {  	_ =	strace s5  }
0x99: {  	_ =	strace $0x8FFFFFFF  }
0x9a: {  	s20 =	sld [smem:$0x3FDB];
	_ =	sdelay $0x1  }
0x9b: {  	s6 =	simm.s32 $_scs_section_size  }
0x9c: {  	s7 =	simm.s32 $_size__tile_overlayer_lowered;
	s8 =	simm.s32 $_tile_overlayer_lowered  }
0x9d: {  	s23 =	simm.s32 $0x1BFF;
	s22 =	sshll.u32 s8, $0x1;
	s5 =	sadd.s32 s6, s20  }
0x9e: {  	s9 =	simm.s32 $0x0;
	s21 =	sshll.u32 s7, $0x1;
	s7 =	sadd.s32 s22, s5  }
0x9f: {  	[timem:s9], [sflag:s23] =	dma.local [hbm:s7], s21  }
0xa0: {  	_ =	swait.ge [sflag:s23], s21  }
0xa1: {  	s6 =	ssub.s32 $0x0, s21;
	[sflag:s23] =	ssyncset.done $0x0  }
0xa2: {  	[sflag:s23] =	ssyncadd.s32 s6;
	_ =	sdelay $0x1  }
0xa3: {  	s24 =	simm.s32 $0x1B8B  }
0xa4: {  	_ =	swait.ge [sflag:s24], $0x1  }
0xa5: {  	[sflag:s24] =	ssyncset.done $0x0  }
0xa6: {  	s25 =	simm.s32 $0x1B8E;
	[sflag:s24] =	ssyncadd.s32 $0xFFFFFFFF  }
0xa7: {  	s26 =	simm.s32 $execute0_lowered;
	[smem:$0x3FD2] =	sst s25  }
0xa8: {  	s6 =	sshll.u32 s26, $0x1;
	_ =	strace $0x80000046;
	[dreg:$0x1] =	wrdreg $0xFFFFFFFF  }
0xa9: {  	s28 =	simm.s32 $_size_execute0_lowered;
	s5 =	sadd.s32 s5, s6;
	[dreg:$0x0] =	wrdreg $0x0  }
0xaa: {  	s6 =	sshll.u32 s28, $0x1;
	[dreg:$0x2] =	wrdreg s5  }
0xab: {  	[dreg:$0x3] =	wrdreg s6  }
0xac: {  	[dreg:$0x4] =	wrdreg $0xC0  }
0xad: {  	_ =	task [dreg:s9], $0x5FFFF  }
0xae: {  	[dreg:$0x1] =	wrdreg $0xFFFFFFFF  }
0xaf: {  	[dreg:$0x0] =	wrdreg $0x60  }
0xb0: {  	[dreg:$0x2] =	wrdreg s2  }
0xb1: {  	[dreg:$0x3] =	wrdreg s19  }
0xb2: {  	[dreg:$0x4] =	wrdreg s4  }
0xb3: {  	[dreg:$0x5] =	wrdreg $0x9  }
0xb4: {  	_ =	task.clear_ibuf [dreg:s9], $0x6FFFF;
	_ =	strace $0x90000046  }
0xb5: {  	s29 =	simm.s32 $0x9;
	_ =	strace $0x80000048  }
0xb6: {  	_ =	swait.ge [sflag:s29], $0x1  }
0xb7: {  	[sflag:s29] =	ssyncadd.s32 $0xFFFFFFFF  }
0xb8: {  	_ =	strace $0x90000048  }
0xb9: {  	_ =	sfence  }
0xba: {  	s30 =	sld [smem:$0x0];
	_ =	sdelay $0x2  }
0xbb: {  	s31 =	sshll.u32 s1, $0xD;
	s1 =	sshrl.u32 s1, $0x2  }
0xbc: {  	s3 =	sand.u32 $0x4000, s31;
	s1 =	sadd.s32 s1, s30  }
0xbd: {  	s0 =	sor.u32 s3, s0;
	s1 =	sshll.u32 s1, $0x11  }
0xbe: {  	s0 =	sor.u32 s1, s0  }
0xbf: {  	s0 =	sadd.s32 $0x8F2B, s0  }
0xc0: {  	[sflag:s0] =	ssyncadd.remote.s32 $0x1  }
0xc1: {  	_ =	sfence.sel $0xFFFF  }
0xc2: {  	[dreg:$0x0] =	wrdreg $0xFFFFFFFF;
	(pc) =	sbr.abs _section_cstart, $3  }
0xc3: {  	[dreg:$0x1] =	wrdreg $0xFFFFFFFF  }
0xc4: {  	_ =	task.clear_ibuf [dreg:s9], $0x2FFFF;
	_ =	strace $0x9FFFFFFF  }
0xc5: {  	(tm) =	ssettm $0x7FFFFFFF  }
tec
execute0_lowered:
.L_overlay_start_1:
0x0: {  	(tag) =	ssettag $0x1  }
0x1: {  	s2 =	rddreg [dreg:$0x0]  }
0x2: {  	s8 =	rddreg [dreg:$0x2]  }
0x3: {  	s0 =	srdreg.scid;
	s6 =	stileid.u32;
	s5 =	simm.s32 $0x0  }
0x4: {  	s16 =	simm.s32 $0x400;
	s17 =	simm.s32 $0x7A1400;
	s19 =	simm.s32 $0x1  }
0x5: {  	s20 =	simm.s32 $0x4000;
	s28 =	simm.s32 $0x7800;
	s29 =	simm.s32 $0x2  }
0x6: {  	s30 =	simm.s32 $0x4;
	s31 =	simm.s32 $0x8000;
	s0 =	sand.u32 $0x1, s0  }
0x7: {  	s1 =	sshll.u32 s6, $0x1;
	[smem:$0x7FF] =	sst s5;
	s11 =	sadd.s32 $0x8000, s8  }
0x8: {  	s26 =	sadd.s32 $0x7A1000, s8;
	p1 =	sgt.u32 s6, $0x1;
	s3 =	ssub.s32 $0x2, s0  }
0x9: {  	s0 =	sor.u32 s0, s1;
	_ =	strace $0x80000047;
	[dreg:$0x9] =	wrdreg s26  }
0xa: {  	s26 =	simm.s32 $0x7000;
	s21 =	sshrl.u32 s3, $0x1;
	s4 =	sshll.u32 s0, $0x7  }
0xb: {  	s7 =	sshll.u32 s0, $0xA;
	s23 =	sor.u32 $0x1E80, s0;
	s24 =	sor.u32 $0x40, s0  }
0xc: {  	s10 =	sor.u32 $0x60, s0;
	p0 =	sne.s32 s0, $0x4;
	s1 =	ssub.s32 s3, s21  }
0xd: {  	v0 =	vlaneseq.u32;
	s22 =	sadd.s32 s2, s4;
	[dreg:$0x6] =	wrdreg s24;
	s25 =	sshll.u32 s23, $0x7  }
.Ltmp0:
0xe: {  	v0 =	vmul.u32 $0x40, v0;
	[dreg:$0x4] =	wrdreg s22;
	s3 =	sadd.s32 $0x1000, s22;
	(pc) =	sbr.rel .LBB2_1-.Ltmp0, $4  }
0xf: {  	s21 =	simm.s32 $0x4800;
	s4 =	sadd.s32 s2, s25;
	[dreg:$0x5] =	wrdreg s3  }
0x10: {  	v1 =	vor.u32 $0x800, v0;
	s1 =	smax.u32 s1, $0x1;
	[dreg:$0x7] =	wrdreg s4;
	s3 =	sshll.u32 s23, $0xA  }
0x11: {  	v2 =	vor.u32 $0x1000, v0;
	v3 =	vor.u32 $0x1800, v0;
	v4 =	vor.u32 $0x2000, v0;
	s22 =	simm.s32 $0x5000;
	[dreg:$0xa] =	wrdreg s1;
	s3 =	sadd.s32 s8, s3  }
0x12: {  	v5 =	vor.u32 $0x2800, v0;
	v6 =	vor.u32 $0x3000, v0;
	v7 =	vor.u32 $0x3800, v0;
	s23 =	simm.s32 $0x5800;
	s1 =	simm.s32 $0x0;
	[dreg:$0x8] =	wrdreg s3  }
.LBB2_20:
0x13: {  	s1 =	sadd.s32 $0x1, s1;
	s0 =	rddreg [dreg:$0xa]  }
0x14: {  	p2 =	sne.s32 s1, s0  }
.Ltmp1:
0x15: {  	_ = 	snop;
	(pc) =	sbr.rel @!p2 .LBB2_21-.Ltmp1, $1  }
0x16: {  	_ =	sdelay $0x3  }
.LBB2_1:
0x17: {  	[dreg:$0xb] =	wrdreg s1  }
0x18: {  	s0 =	rddreg [dreg:$0x4]  }
0x19: {  	[tilespmem:s5], [sflag:$0x1] =	stream.strided.gather [hbm4b:s0+s16], $0x2000, s17, s16, $0x38;
	[tilespmem:$0xC000] =	vst v63  }
0x1a: {  	s24 =	rddreg [dreg:$0x5];
	s25 =	simm.s32 $0x2000;
	s13 =	simm.s32 $0x0  }
0x1b: {  	[tilespmem:s25], [sflag:$0x2] =	stream.strided.gather [hbm4b:s24+s16], $0x2000, s17, s16, $0x38;
	[tilespmem:$0xC000] =	vst v63  }
.LBB2_2:
0x1c: {  	_ =	swait.ge [sflag:s19], $0x2000  }
0x1d: {  	p2 =	seq.s32 s13, $0x0;
	[sflag:s19] =	ssyncset.done $0x0  }
0x1e: {  	s0 =	simm.s32 @!p2 $0x3;
	[sflag:s19] =	ssyncadd.s32 $0xFFFFE000  }
0x1f: {  	_ =	swait.ge @!p2 [sflag:s0], $0x2000  }
0x20: {  	[sflag:s0] =	ssyncset.done @!p2 $0x0  }
0x21: {  	s3 =	simm.s32 $0x100;
	s14 =	simm.s32 $0x3;
	[sflag:s0] =	ssyncadd.s32 @!p2 $0xFFFFE000  }
0x22: {  	s12 =	simm.s32 $0x2;
	v9 =	vor.u32 s14, v0;
	v8 =	vld [tilespmem:s3+$0x80]  }
0x23: {  	s6 =	simm.s32 $0x1;
	v13 =	vor.u32 s12, v0;
	v12 =	vld [tilespmem:s3+$0x0]  }
0x24: {  	v11 =	vor.u32 s6, v0;
	v10 =	vld [tilespmem:s3+$0xFFFFFF80];
	_ =	sdelay $0x1  }
0x25: {  	s8 =	simm.s32 $0x0  }
0x26: {  	v15 =	vor.u32 s8, v0;
	v14 =	vld [tilespmem:s3+$0xFFFFFF00];
	[tilespmem:v9+s20+$0x0] =	vst.idx.msk $0xffff, v8  }
0x27: {  	v9 =	vor.u32 s14, v1;
	[tilespmem:v13+s20+$0x0] =	vst.idx.msk $0xffff, v12;
	v8 =	vld [tilespmem:s3+$0x90]  }
0x28: {  	[tilespmem:v11+s20+$0x0] =	vst.idx.msk $0xffff, v10;
	v13 =	vor.u32 s12, v1;
	v12 =	vld [tilespmem:s3+$0x10]  }
0x29: {  	v11 =	vor.u32 s6, v1;
	v10 =	vld [tilespmem:s3+$0xFFFFFF90];
	_ =	sdelay $0x1  }
0x2a: {  	[tilespmem:v15+s20+$0x0] =	vst.idx.msk $0xffff, v14  }
0x2b: {  	v15 =	vor.u32 s8, v1;
	v14 =	vld [tilespmem:s3+$0xFFFFFF10];
	[tilespmem:v9+s20+$0x0] =	vst.idx.msk $0xffff, v8  }
0x2c: {  	v9 =	vor.u32 s14, v2;
	[tilespmem:v13+s20+$0x0] =	vst.idx.msk $0xffff, v12;
	v8 =	vld [tilespmem:s3+$0xA0]  }
0x2d: {  	[tilespmem:v11+s20+$0x0] =	vst.idx.msk $0xffff, v10;
	v13 =	vor.u32 s12, v2;
	v12 =	vld [tilespmem:s3+$0x20]  }
0x2e: {  	v11 =	vor.u32 s6, v2;
	v10 =	vld [tilespmem:s3+$0xFFFFFFA0];
	_ =	sdelay $0x1  }
0x2f: {  	[tilespmem:v15+s20+$0x0] =	vst.idx.msk $0xffff, v14  }
0x30: {  	v15 =	vor.u32 s8, v2;
	v14 =	vld [tilespmem:s3+$0xFFFFFF20];
	[tilespmem:v9+s20+$0x0] =	vst.idx.msk $0xffff, v8  }
0x31: {  	v9 =	vor.u32 s14, v3;
	[tilespmem:v13+s20+$0x0] =	vst.idx.msk $0xffff, v12;
	v8 =	vld [tilespmem:s3+$0xB0]  }
0x32: {  	[tilespmem:v11+s20+$0x0] =	vst.idx.msk $0xffff, v10;
	v13 =	vor.u32 s12, v3;
	v12 =	vld [tilespmem:s3+$0x30]  }
0x33: {  	v11 =	vor.u32 s6, v3;
	v10 =	vld [tilespmem:s3+$0xFFFFFFB0];
	_ =	sdelay $0x1  }
0x34: {  	[tilespmem:v15+s20+$0x0] =	vst.idx.msk $0xffff, v14  }
0x35: {  	v15 =	vor.u32 s8, v3;
	v14 =	vld [tilespmem:s3+$0xFFFFFF30];
	[tilespmem:v9+s20+$0x0] =	vst.idx.msk $0xffff, v8  }
0x36: {  	v9 =	vor.u32 s14, v4;
	[tilespmem:v13+s20+$0x0] =	vst.idx.msk $0xffff, v12;
	v8 =	vld [tilespmem:s3+$0xC0]  }
0x37: {  	[tilespmem:v11+s20+$0x0] =	vst.idx.msk $0xffff, v10;
	v13 =	vor.u32 s12, v4;
	v12 =	vld [tilespmem:s3+$0x40]  }
0x38: {  	v11 =	vor.u32 s6, v4;
	v10 =	vld [tilespmem:s3+$0xFFFFFFC0]  }
0x39: {  	s1 =	simm.s32 $0x7;
	s4 =	simm.s32 $0x300  }
0x3a: {  	v17 =	vor.u32 s1, v0;
	v16 =	vld [tilespmem:s4+$0x80];
	[tilespmem:v15+s20+$0x0] =	vst.idx.msk $0xffff, v14  }
0x3b: {  	s0 =	simm.s32 $0x5;
	v15 =	vor.u32 s8, v4;
	v14 =	vld [tilespmem:s3+$0xFFFFFF40];
	[tilespmem:v9+s20+$0x0] =	vst.idx.msk $0xffff, v8  }
0x3c: {  	[tilespmem:v13+s20+$0x0] =	vst.idx.msk $0xffff, v12;
	v12 =	vld [tilespmem:s4+$0xFFFFFF80];
	v13 =	vor.u32 s0, v0  }
0x3d: {  	[tilespmem:v11+s20+$0x0] =	vst.idx.msk $0xffff, v10;
	v9 =	vor.u32 s14, v5;
	v8 =	vld [tilespmem:s3+$0xD0]  }
0x3e: {  	v11 =	vor.u32 s6, v5;
	v10 =	vld [tilespmem:s3+$0xFFFFFFD0]  }
0x3f: {  	s18 =	simm.s32 $0x6;
	[tilespmem:v17+s20+$0x0] =	vst.idx.msk $0xffff, v16  }
0x40: {  	s9 =	simm.s32 $0x4;
	[tilespmem:v15+s20+$0x0] =	vst.idx.msk $0xffff, v14;
	v14 =	vld [tilespmem:s4+$0x0];
	v15 =	vor.u32 s18, v0  }
0x41: {  	v19 =	vor.u32 s9, v0;
	v18 =	vld [tilespmem:s4+$0xFFFFFF00];
	[tilespmem:v13+s20+$0x0] =	vst.idx.msk $0xffff, v12  }
0x42: {  	v12 =	vld [tilespmem:s4+$0x90];
	v13 =	vor.u32 s1, v1;
	[tilespmem:v9+s20+$0x0] =	vst.idx.msk $0xffff, v8  }
0x43: {  	[tilespmem:v11+s20+$0x0] =	vst.idx.msk $0xffff, v10;
	v10 =	vld [tilespmem:s3+$0x50];
	v11 =	vor.u32 s12, v5  }
0x44: {  	v9 =	vor.u32 s14, v6;
	v8 =	vld [tilespmem:s3+$0xE0]  }
0x45: {  	v17 =	vor.u32 s0, v1;
	[tilespmem:v15+s20+$0x0] =	vst.idx.msk $0xffff, v14;
	v16 =	vld [tilespmem:s4+$0xFFFFFF90]  }
0x46: {  	[tilespmem:v19+s20+$0x0] =	vst.idx.msk $0xffff, v18;
	v15 =	vor.u32 s18, v1;
	v14 =	vld [tilespmem:s4+$0x10]  }
0x47: {  	v19 =	vor.u32 s9, v1;
	v18 =	vld [tilespmem:s4+$0xFFFFFF10];
	[tilespmem:v13+s20+$0x0] =	vst.idx.msk $0xffff, v12  }
0x48: {  	v13 =	vor.u32 s1, v2;
	[tilespmem:v11+s20+$0x0] =	vst.idx.msk $0xffff, v10;
	v12 =	vld [tilespmem:s4+$0xA0]  }
0x49: {  	v10 =	vld [tilespmem:s3+$0xFFFFFF50];
	v11 =	vor.u32 s8, v5;
	[tilespmem:v9+s20+$0x0] =	vst.idx.msk $0xffff, v8  }
0x4a: {  	[tilespmem:v17+s20+$0x0] =	vst.idx.msk $0xffff, v16;
	v9 =	vor.u32 s14, v7;
	v8 =	vld [tilespmem:s3+$0xF0]  }
0x4b: {  	v17 =	vor.u32 s0, v2;
	[tilespmem:v15+s20+$0x0] =	vst.idx.msk $0xffff, v14;
	v16 =	vld [tilespmem:s4+$0xFFFFFFA0]  }
0x4c: {  	[tilespmem:v19+s20+$0x0] =	vst.idx.msk $0xffff, v18;
	v15 =	vor.u32 s18, v2;
	v14 =	vld [tilespmem:s4+$0x20]  }
0x4d: {  	v19 =	vor.u32 s9, v2;
	v18 =	vld [tilespmem:s4+$0xFFFFFF20];
	[tilespmem:v13+s20+$0x0] =	vst.idx.msk $0xffff, v12  }
0x4e: {  	[tilespmem:v11+s20+$0x0] =	vst.idx.msk $0xffff, v10;
	v13 =	vor.u32 s1, v3;
	v12 =	vld [tilespmem:s4+$0xB0]  }
0x4f: {  	[tilespmem:v9+s20+$0x0] =	vst.idx.msk $0xffff, v8;
	v8 =	vld [tilespmem:s3+$0xFFFFFFE0];
	v9 =	vor.u32 s6, v6  }
0x50: {  	v10 =	vld [tilespmem:s3+$0x60];
	v11 =	vor.u32 s12, v6;
	[tilespmem:v17+s20+$0x0] =	vst.idx.msk $0xffff, v16  }
0x51: {  	v17 =	vor.u32 s0, v3;
	[tilespmem:v15+s20+$0x0] =	vst.idx.msk $0xffff, v14;
	v16 =	vld [tilespmem:s4+$0xFFFFFFB0]  }
0x52: {  	[tilespmem:v19+s20+$0x0] =	vst.idx.msk $0xffff, v18;
	v15 =	vor.u32 s18, v3;
	v14 =	vld [tilespmem:s4+$0x30]  }
0x53: {  	v19 =	vor.u32 s9, v3;
	v18 =	vld [tilespmem:s4+$0xFFFFFF30];
	[tilespmem:v13+s20+$0x0] =	vst.idx.msk $0xffff, v12  }
0x54: {  	[tilespmem:v9+s20+$0x0] =	vst.idx.msk $0xffff, v8;
	v8 =	vld [tilespmem:s3+$0xFFFFFF60];
	v9 =	vor.u32 s8, v6  }
0x55: {  	[tilespmem:v11+s20+$0x0] =	vst.idx.msk $0xffff, v10;
	v13 =	vor.u32 s1, v4;
	v12 =	vld [tilespmem:s4+$0xC0]  }
0x56: {  	v11 =	vor.u32 s6, v7;
	[tilespmem:v17+s20+$0x0] =	vst.idx.msk $0xffff, v16;
	v10 =	vld [tilespmem:s3+$0xFFFFFFF0]  }
0x57: {  	v21 =	vor.u32 s0, v4;
	[tilespmem:v15+s20+$0x0] =	vst.idx.msk $0xffff, v14;
	v20 =	vld [tilespmem:s4+$0xFFFFFFC0]  }
0x58: {  	[tilespmem:v19+s20+$0x0] =	vst.idx.msk $0xffff, v18;
	v19 =	vor.u32 s18, v4;
	v18 =	vld [tilespmem:s4+$0x40]  }
0x59: {  	v16 =	vld [tilespmem:s4+$0xFFFFFF40];
	v17 =	vor.u32 s9, v4;
	[tilespmem:v9+s20+$0x0] =	vst.idx.msk $0xffff, v8  }
0x5a: {  	v15 =	vor.u32 s12, v7;
	v9 =	vld [tilespmem:s3+$0x70];
	[tilespmem:v13+s20+$0x0] =	vst.idx.msk $0xffff, v12  }
0x5b: {  	v14 =	vor.u32 s8, v7;
	[tilespmem:v11+s20+$0x0] =	vst.idx.msk $0xffff, v10;
	v10 =	vld [tilespmem:s3+$0xFFFFFF70]  }
0x5c: {  	s14 =	sshll.u32 s13, $0x6;
	s6 =	simm.s32 $0xC;
	[tilespmem:v21+s20+$0x0] =	vst.idx.msk $0xffff, v20;
	v8 =	vld [tilespmem:s4+$0xD0];
	v11 =	vor.u32 s1, v5  }
0x5d: {  	s8 =	simm.s32 $0xB;
	s12 =	simm.s32 $0x500;
	v13 =	vor.u32 s0, v5;
	s3 =	simm.s32 $0x8;
	[tilespmem:v19+s20+$0x0] =	vst.idx.msk $0xffff, v18;
	v12 =	vld [tilespmem:s4+$0xFFFFFFD0]  }
.LBB2_3:
0x5e: {  	p3 =	slt.u32 s6, $0x3C;
	s24 =	sadd.s32 $0x1, s3;
	v18 =	vld [tilespmem:s12+$0x80];
	v19 =	vor.u32 s8, v0;
	[tilespmem:v17+s20+$0x0] =	vst.idx.msk $0xffff, v16  }
0x5f: {  	s15 =	sadd.s32 $0x2, s3;
	v16 =	vld [tilespmem:s12+$0xFFFFFF80];
	v17 =	vor.u32 s24, v0;
	[tilespmem:v15+s20+$0x0] =	vst.idx.msk $0xffff, v9  }
0x60: {  	v15 =	vor.u32 s15, v0;
	v9 =	vld [tilespmem:s12+$0x0];
	[tilespmem:v14+s20+$0x0] =	vst.idx.msk $0xffff, v10  }
0x61: {  	v14 =	vor.u32 s3, v0;
	v10 =	vld [tilespmem:s12+$0xFFFFFF00];
	[tilespmem:v11+s20+$0x0] =	vst.idx.msk $0xffff, v8  }
0x62: {  	v11 =	vor.u32 s1, v6;
	[tilespmem:v13+s20+$0x0] =	vst.idx.msk $0xffff, v12;
	v8 =	vld [tilespmem:s4+$0xE0]  }
0x63: {  	v13 =	vor.u32 s18, v5;
	[tilespmem:v19+s20+$0x0] =	vst.idx.msk $0xffff, v18;
	v12 =	vld [tilespmem:s4+$0x50]  }
0x64: {  	[tilespmem:v17+s20+$0x0] =	vst.idx.msk $0xffff, v16;
	v16 =	vld [tilespmem:s12+$0x90];
	v17 =	vor.u32 s8, v1  }
0x65: {  	v19 =	vor.u32 s24, v1;
	v18 =	vld [tilespmem:s12+$0xFFFFFF90];
	[tilespmem:v15+s20+$0x0] =	vst.idx.msk $0xffff, v9  }
0x66: {  	[tilespmem:v14+s20+$0x0] =	vst.idx.msk $0xffff, v10;
	v9 =	vld [tilespmem:s12+$0x10];
	v10 =	vor.u32 s15, v1  }
0x67: {  	v15 =	vor.u32 s3, v1;
	v14 =	vld [tilespmem:s12+$0xFFFFFF10];
	[tilespmem:v11+s20+$0x0] =	vst.idx.msk $0xffff, v8  }
0x68: {  	v11 =	vor.u32 s1, v7;
	s1 =	smov.u32 s8;
	[tilespmem:v13+s20+$0x0] =	vst.idx.msk $0xffff, v12;
	v8 =	vld [tilespmem:s4+$0xF0]  }
0x69: {  	v13 =	vor.u32 s9, v5;
	[tilespmem:v17+s20+$0x0] =	vst.idx.msk $0xffff, v16;
	v12 =	vld [tilespmem:s4+$0xFFFFFF50]  }
0x6a: {  	v17 =	vor.u32 s1, v2;
	[tilespmem:v19+s20+$0x0] =	vst.idx.msk $0xffff, v18;
	v16 =	vld [tilespmem:s12+$0xA0]  }
0x6b: {  	v19 =	vor.u32 s24, v2;
	v18 =	vld [tilespmem:s12+$0xFFFFFFA0];
	[tilespmem:v10+s20+$0x0] =	vst.idx.msk $0xffff, v9  }
0x6c: {  	v10 =	vor.u32 s15, v2;
	[tilespmem:v15+s20+$0x0] =	vst.idx.msk $0xffff, v14;
	v9 =	vld [tilespmem:s12+$0x20]  }
0x6d: {  	v15 =	vor.u32 s3, v2;
	v14 =	vld [tilespmem:s12+$0xFFFFFF20];
	[tilespmem:v11+s20+$0x0] =	vst.idx.msk $0xffff, v8  }
0x6e: {  	v11 =	vor.u32 s0, v6;
	[tilespmem:v13+s20+$0x0] =	vst.idx.msk $0xffff, v12;
	v8 =	vld [tilespmem:s4+$0xFFFFFFE0]  }
0x6f: {  	v13 =	vor.u32 s18, v6;
	[tilespmem:v17+s20+$0x0] =	vst.idx.msk $0xffff, v16;
	v12 =	vld [tilespmem:s4+$0x60]  }
0x70: {  	v17 =	vor.u32 s1, v3;
	[tilespmem:v19+s20+$0x0] =	vst.idx.msk $0xffff, v18;
	v16 =	vld [tilespmem:s12+$0xB0]  }
0x71: {  	v19 =	vor.u32 s24, v3;
	v18 =	vld [tilespmem:s12+$0xFFFFFFB0];
	[tilespmem:v10+s20+$0x0] =	vst.idx.msk $0xffff, v9  }
0x72: {  	v10 =	vor.u32 s15, v3;
	[tilespmem:v15+s20+$0x0] =	vst.idx.msk $0xffff, v14;
	v9 =	vld [tilespmem:s12+$0x30]  }
0x73: {  	v15 =	vor.u32 s3, v3;
	v14 =	vld [tilespmem:s12+$0xFFFFFF30];
	[tilespmem:v11+s20+$0x0] =	vst.idx.msk $0xffff, v8  }
0x74: {  	v11 =	vor.u32 s9, v6;
	v8 =	vld [tilespmem:s4+$0xFFFFFF60];
	[tilespmem:v13+s20+$0x0] =	vst.idx.msk $0xffff, v12  }
0x75: {  	v13 =	vor.u32 s0, v7;
	s0 =	smov.u32 s24;
	[tilespmem:v17+s20+$0x0] =	vst.idx.msk $0xffff, v16;
	v12 =	vld [tilespmem:s4+$0xFFFFFFF0]  }
0x76: {  	[tilespmem:v19+s20+$0x0] =	vst.idx.msk $0xffff, v18;
	v18 =	vld [tilespmem:s12+$0xC0];
	v19 =	vor.u32 s1, v4  }
0x77: {  	v21 =	vor.u32 s0, v4;
	v20 =	vld [tilespmem:s12+$0xFFFFFFC0];
	[tilespmem:v10+s20+$0x0] =	vst.idx.msk $0xffff, v9  }
0x78: {  	v23 =	vor.u32 s15, v4;
	[tilespmem:v15+s20+$0x0] =	vst.idx.msk $0xffff, v14;
	v22 =	vld [tilespmem:s12+$0x40]  }
.Ltmp2:
0x79: {  	v17 =	vor.u32 s3, v4;
	v16 =	vld [tilespmem:s12+$0xFFFFFF40];
	[tilespmem:v11+s20+$0x0] =	vst.idx.msk $0xffff, v8;
	(pc) =	sbr.rel @p3 .LBB2_3-.Ltmp2, $4  }
0x7a: {  	v15 =	vor.u32 s18, v7;
	s18 =	smov.u32 s15;
	[tilespmem:v13+s20+$0x0] =	vst.idx.msk $0xffff, v12;
	v9 =	vld [tilespmem:s4+$0x70]  }
0x7b: {  	v14 =	vor.u32 s9, v7;
	s9 =	smov.u32 s3;
	s3 =	smov.u32 s6;
	[tilespmem:v19+s20+$0x0] =	vst.idx.msk $0xffff, v18;
	v10 =	vld [tilespmem:s4+$0xFFFFFF70];
	s4 =	smov.u32 s12  }
0x7c: {  	v11 =	vor.u32 s1, v5;
	[tilespmem:v21+s20+$0x0] =	vst.idx.msk $0xffff, v20;
	v8 =	vld [tilespmem:s12+$0xD0]  }
0x7d: {  	s6 =	sadd.s32 $0x4, s6;
	s8 =	sadd.s32 $0x3, s3;
	v13 =	vor.u32 s0, v5;
	s12 =	sadd.s32 $0x200, s12;
	v12 =	vld [tilespmem:s4+$0xFFFFFFD0];
	[tilespmem:v23+s20+$0x0] =	vst.idx.msk $0xffff, v22  }
0x7e: {  	v18 =	vld [tilespmem:s12+$0x80];
	v19 =	vor.u32 s8, v0  }
0x7f: {  	s6 =	sadd.s32 $0x1, s3;
	v24 =	vld [tilespmem:s12+$0xFFFFFF00];
	v25 =	vor.u32 s3, v0  }
0x80: {  	v20 =	vld [tilespmem:s12+$0xFFFFFF80];
	s15 =	sadd.s32 $0x2, s3;
	v21 =	vor.u32 s6, v0  }
0x81: {  	v22 =	vld [tilespmem:s12+$0x0];
	v23 =	vor.u32 s15, v0  }
0x82: {  	[tilespmem:v17+s20+$0x0] =	vst.idx.msk $0xffff, v16  }
0x83: {  	[tilespmem:v19+s20+$0x0] =	vst.idx.msk $0xffff, v18  }
0x84: {  	v52 =	vor.u32 s8, v1;
	[tilespmem:v25+s20+$0x0] =	vst.idx.msk $0xffff, v24;
	v51 =	vld [tilespmem:s12+$0x90]  }
0x85: {  	v58 =	vor.u32 s3, v1;
	[tilespmem:v21+s20+$0x0] =	vst.idx.msk $0xffff, v20;
	v57 =	vld [tilespmem:s12+$0xFFFFFF10]  }
0x86: {  	v54 =	vor.u32 s6, v1;
	[tilespmem:v23+s20+$0x0] =	vst.idx.msk $0xffff, v22;
	v53 =	vld [tilespmem:s12+$0xFFFFFF90]  }
0x87: {  	v56 =	vor.u32 s15, v1;
	[tilespmem:v15+s20+$0x0] =	vst.idx.msk $0xffff, v9;
	v55 =	vld [tilespmem:s12+$0x10]  }
0x88: {  	[tilespmem:v11+s20+$0x0] =	vst.idx.msk $0xffff, v8  }
0x89: {  	[tilespmem:v52+s20+$0x0] =	vst.idx.msk $0xffff, v51  }
0x8a: {  	v60 =	vor.u32 s8, v2;
	[tilespmem:v58+s20+$0x0] =	vst.idx.msk $0xffff, v57;
	v59 =	vld [tilespmem:s12+$0xA0]  }
0x8b: {  	v22 =	vor.u32 s3, v2;
	[tilespmem:v54+s20+$0x0] =	vst.idx.msk $0xffff, v53;
	v8 =	vld [tilespmem:s12+$0xFFFFFF20]  }
0x8c: {  	v62 =	vor.u32 s6, v2;
	[tilespmem:v56+s20+$0x0] =	vst.idx.msk $0xffff, v55;
	v61 =	vld [tilespmem:s12+$0xFFFFFFA0]  }
0x8d: {  	[tilespmem:v14+s20+$0x0] =	vst.idx.msk $0xffff, v10;
	v21 =	vor.u32 s15, v2;
	v63 =	vld [tilespmem:s12+$0x20]  }
0x8e: {  	v33 =	vor.u32 s9, v5;
	v32 =	vld [tilespmem:s4+$0xFFFFFF50];
	[tilespmem:v13+s20+$0x0] =	vst.idx.msk $0xffff, v12  }
0x8f: {  	v26 =	vor.u32 s18, v5;
	v25 =	vld [tilespmem:s4+$0x50];
	[tilespmem:v60+s20+$0x0] =	vst.idx.msk $0xffff, v59  }
0x90: {  	v27 =	vor.u32 s8, v3;
	[tilespmem:v22+s20+$0x0] =	vst.idx.msk $0xffff, v8;
	v10 =	vld [tilespmem:s12+$0xB0]  }
0x91: {  	v30 =	vor.u32 s3, v3;
	[tilespmem:v62+s20+$0x0] =	vst.idx.msk $0xffff, v61;
	v11 =	vld [tilespmem:s12+$0xFFFFFF30]  }
0x92: {  	v28 =	vor.u32 s6, v3;
	[tilespmem:v21+s20+$0x0] =	vst.idx.msk $0xffff, v63;
	v16 =	vld [tilespmem:s12+$0xFFFFFFB0]  }
0x93: {  	v29 =	vor.u32 s15, v3;
	[tilespmem:v33+s20+$0x0] =	vst.idx.msk $0xffff, v32;
	v8 =	vld [tilespmem:s12+$0x30]  }
0x94: {  	v39 =	vor.u32 s0, v6;
	v38 =	vld [tilespmem:s4+$0xFFFFFFE0];
	[tilespmem:v26+s20+$0x0] =	vst.idx.msk $0xffff, v25  }
0x95: {  	v24 =	vor.u32 s1, v6;
	v23 =	vld [tilespmem:s4+$0xE0];
	[tilespmem:v27+s20+$0x0] =	vst.idx.msk $0xffff, v10  }
0x96: {  	v34 =	vor.u32 s8, v4;
	[tilespmem:v30+s20+$0x0] =	vst.idx.msk $0xffff, v11;
	v10 =	vld [tilespmem:s12+$0xC0]  }
0x97: {  	v37 =	vor.u32 s3, v4;
	[tilespmem:v28+s20+$0x0] =	vst.idx.msk $0xffff, v16;
	v11 =	vld [tilespmem:s12+$0xFFFFFF40]  }
0x98: {  	v35 =	vor.u32 s6, v4;
	[tilespmem:v29+s20+$0x0] =	vst.idx.msk $0xffff, v8;
	v16 =	vld [tilespmem:s12+$0xFFFFFFC0]  }
0x99: {  	v36 =	vor.u32 s15, v4;
	[tilespmem:v39+s20+$0x0] =	vst.idx.msk $0xffff, v38;
	v8 =	vld [tilespmem:s12+$0x40]  }
0x9a: {  	v47 =	vor.u32 s9, v6;
	v46 =	vld [tilespmem:s4+$0xFFFFFF60];
	[tilespmem:v24+s20+$0x0] =	vst.idx.msk $0xffff, v23  }
0x9b: {  	v41 =	vor.u32 s18, v6;
	v40 =	vld [tilespmem:s4+$0x60];
	[tilespmem:v34+s20+$0x0] =	vst.idx.msk $0xffff, v10  }
0x9c: {  	v42 =	vor.u32 s8, v5;
	[tilespmem:v37+s20+$0x0] =	vst.idx.msk $0xffff, v11;
	v10 =	vld [tilespmem:s12+$0xD0]  }
0x9d: {  	v45 =	vor.u32 s3, v5;
	[tilespmem:v35+s20+$0x0] =	vst.idx.msk $0xffff, v16;
	v11 =	vld [tilespmem:s12+$0xFFFFFF50]  }
0x9e: {  	v43 =	vor.u32 s6, v5;
	[tilespmem:v36+s20+$0x0] =	vst.idx.msk $0xffff, v8;
	v16 =	vld [tilespmem:s12+$0xFFFFFFD0]  }
0x9f: {  	v44 =	vor.u32 s15, v5;
	[tilespmem:v47+s20+$0x0] =	vst.idx.msk $0xffff, v46;
	v8 =	vld [tilespmem:s12+$0x50]  }
0xa0: {  	v49 =	vor.u32 s0, v7;
	v48 =	vld [tilespmem:s4+$0xFFFFFFF0];
	[tilespmem:v41+s20+$0x0] =	vst.idx.msk $0xffff, v40  }
0xa1: {  	v31 =	vor.u32 s1, v7;
	v13 =	vld [tilespmem:s4+$0xF0];
	[tilespmem:v42+s20+$0x0] =	vst.idx.msk $0xffff, v10  }
0xa2: {  	v50 =	vor.u32 s8, v6;
	[tilespmem:v45+s20+$0x0] =	vst.idx.msk $0xffff, v11;
	v10 =	vld [tilespmem:s12+$0xE0]  }
0xa3: {  	v55 =	vor.u32 s3, v6;
	[tilespmem:v43+s20+$0x0] =	vst.idx.msk $0xffff, v16;
	v54 =	vld [tilespmem:s12+$0xFFFFFF60]  }
0xa4: {  	v51 =	vor.u32 s6, v6;
	[tilespmem:v44+s20+$0x0] =	vst.idx.msk $0xffff, v8;
	v8 =	vld [tilespmem:s12+$0xFFFFFFE0]  }
0xa5: {  	v53 =	vor.u32 s15, v6;
	[tilespmem:v49+s20+$0x0] =	vst.idx.msk $0xffff, v48;
	v52 =	vld [tilespmem:s12+$0x60]  }
0xa6: {  	v57 =	vor.u32 s18, v7;
	[tilespmem:v31+s20+$0x0] =	vst.idx.msk $0xffff, v13;
	v56 =	vld [tilespmem:s4+$0x70]  }
0xa7: {  	v58 =	vld [tilespmem:s4+$0xFFFFFF70];
	v59 =	vor.u32 s9, v7;
	[tilespmem:v50+s20+$0x0] =	vst.idx.msk $0xffff, v10  }
0xa8: {  	v60 =	vor.u32 s8, v7;
	[tilespmem:v55+s20+$0x0] =	vst.idx.msk $0xffff, v54;
	v10 =	vld [tilespmem:s12+$0xF0]  }
0xa9: {  	v63 =	vor.u32 s3, v7;
	[tilespmem:v51+s20+$0x0] =	vst.idx.msk $0xffff, v8;
	v13 =	vld [tilespmem:s12+$0xFFFFFF70]  }
0xaa: {  	v61 =	vor.u32 s6, v7;
	[tilespmem:v53+s20+$0x0] =	vst.idx.msk $0xffff, v52;
	v8 =	vld [tilespmem:s12+$0xFFFFFFF0]  }
0xab: {  	v62 =	vor.u32 s15, v7;
	[tilespmem:v57+s20+$0x0] =	vst.idx.msk $0xffff, v56;
	v11 =	vld [tilespmem:s12+$0x70]  }
0xac: {  	[tilespmem:v59+s20+$0x0] =	vst.idx.msk $0xffff, v58  }
0xad: {  	[tilespmem:v60+s20+$0x0] =	vst.idx.msk $0xffff, v10  }
0xae: {  	s1 =	sshll.u32 s13, $0x10;
	[tilespmem:v63+s20+$0x0] =	vst.idx.msk $0xffff, v13  }
0xaf: {  	s4 =	sor.u32 s7, s1;
	s3 =	rddreg [dreg:$0x2];
	[tilespmem:v61+s20+$0x0] =	vst.idx.msk $0xffff, v8  }
0xb0: {  	s0 =	sadd.s32 s3, s4;
	[tilespmem:v62+s20+$0x0] =	vst.idx.msk $0xffff, v11  }
0xb1: {  	[hbm4b:s0+s5] =	stream.linear.scatter [tilespmem:s20], [sflag:$0x3], $0x400, $0x38;
	[tilespmem:$0xC000] =	vst v63  }
0xb2: {  	s6 =	sadd.s32 $0x80, s0  }
0xb3: {  	[hbm4b:s6+s5] =	stream.linear.scatter [tilespmem:s21], [sflag:$0x3], $0x400, $0x38;
	[tilespmem:$0xC000] =	vst v63  }
0xb4: {  	s8 =	sadd.s32 $0x100, s0  }
0xb5: {  	[hbm4b:s8+s5] =	stream.linear.scatter [tilespmem:s22], [sflag:$0x3], $0x400, $0x38;
	[tilespmem:$0xC000] =	vst v63  }
0xb6: {  	s9 =	sadd.s32 $0x180, s0  }
0xb7: {  	[hbm4b:s9+s5] =	stream.linear.scatter [tilespmem:s23], [sflag:$0x3], $0x400, $0x38;
	[tilespmem:$0xC000] =	vst v63  }
0xb8: {  	s15 =	simm.s32 $0x6000;
	s12 =	sadd.s32 $0x200, s0  }
0xb9: {  	[hbm4b:s12+s5] =	stream.linear.scatter [tilespmem:s15], [sflag:$0x3], $0x400, $0x38;
	[tilespmem:$0xC000] =	vst v63  }
0xba: {  	s24 =	simm.s32 $0x6800;
	p3 =	sne.s32 s13, $0x79;
	s18 =	sadd.s32 $0x280, s0  }
0xbb: {  	[hbm4b:s18+s5] =	stream.linear.scatter [tilespmem:s24], [sflag:$0x3], $0x400, $0x38;
	[tilespmem:$0xC000] =	vst v63  }
.Ltmp3:
0xbc: {  	_ = 	snop;
	(pc) =	sbr.rel @p3 .LBB2_6-.Ltmp3, $4  }
0xbd: {  	s25 =	sadd.s32 $0x300, s0  }
0xbe: {  	[hbm4b:s25+s5] =	stream.linear.scatter [tilespmem:s26], [sflag:$0x3], $0x400, $0x38;
	[tilespmem:$0xC000] =	vst v63  }
0xbf: {  	s0 =	sadd.s32 $0x380, s0  }
0xc0: {  	[hbm4b:s0+s5] =	stream.linear.scatter [tilespmem:s28], [sflag:$0x3], $0x400, $0x38;
	[tilespmem:$0xC000] =	vst v63  }
.Ltmp4:
0xc1: {  	(pc) =	sbr.rel .LBB2_7-.Ltmp4, $4  }
0xc2: {  	_ = 	snop  }
0xc3: {  	_ =	swait.ge [sflag:s29], $0x2000  }
0xc4: {  	[sflag:s29] =	ssyncset.done $0x0  }
0xc5: {  	[sflag:s29] =	ssyncadd.s32 $0xFFFFE000  }
.LBB2_6:
0xc6: {  	s0 =	rddreg [dreg:$0x6]  }
0xc7: {  	s0 =	sadd.s32 s0, s14  }
0xc8: {  	s0 =	sshll.u32 s0, $0x7  }
.Ltmp5:
0xc9: {  	s0 =	sadd.s32 s2, s0;
	(pc) =	sbr.rel @p2 .LBB2_8-.Ltmp5, $4  }
0xca: {  	[tilespmem:s5], [sflag:$0x1] =	stream.strided.gather [hbm4b:s0+s16], $0x2000, s17, s16, $0x38;
	[tilespmem:$0xC000] =	vst v63  }
0xcb: {  	_ =	swait.ge [sflag:s29], $0x2000  }
0xcc: {  	[sflag:s29] =	ssyncset.done $0x0  }
0xcd: {  	[sflag:s29] =	ssyncadd.s32 $0xFFFFE000  }
.LBB2_7:
0xce: {  	_ =	swait.ge [sflag:s30], $0x2000  }
0xcf: {  	[sflag:s30] =	ssyncset.done $0x0  }
0xd0: {  	[sflag:s30] =	ssyncadd.s32 $0xFFFFE000  }
.LBB2_8:
0xd1: {  	s8 =	simm.s32 $0x21F0;
	s24 =	simm.s32 $0x3  }
0xd2: {  	s6 =	simm.s32 $0x2;
	v8 =	vld [tilespmem:s8+$0xFFFFFF90];
	v9 =	vor.u32 s24, v0  }
0xd3: {  	s12 =	simm.s32 $0x1;
	v12 =	vld [tilespmem:s8+$0xFFFFFF10];
	v13 =	vor.u32 s6, v0  }
0xd4: {  	v10 =	vld [tilespmem:s8+$0xFFFFFE90];
	v11 =	vor.u32 s12, v0;
	_ =	sdelay $0x1  }
0xd5: {  	s15 =	simm.s32 $0x0  }
0xd6: {  	v14 =	vld [tilespmem:s8+$0xFFFFFE10];
	v15 =	vor.u32 s15, v0;
	[tilespmem:v9+s31+$0x0] =	vst.idx.msk $0xffff, v8  }
0xd7: {  	v9 =	vor.u32 s24, v1;
	[tilespmem:v13+s31+$0x0] =	vst.idx.msk $0xffff, v12;
	v8 =	vld [tilespmem:s8+$0xFFFFFFA0]  }
0xd8: {  	[tilespmem:v11+s31+$0x0] =	vst.idx.msk $0xffff, v10;
	v13 =	vor.u32 s6, v1;
	v12 =	vld [tilespmem:s8+$0xFFFFFF20]  }
0xd9: {  	v11 =	vor.u32 s12, v1;
	v10 =	vld [tilespmem:s8+$0xFFFFFEA0];
	_ =	sdelay $0x1  }
0xda: {  	[tilespmem:v15+s31+$0x0] =	vst.idx.msk $0xffff, v14  }
0xdb: {  	v15 =	vor.u32 s15, v1;
	v14 =	vld [tilespmem:s8+$0xFFFFFE20];
	[tilespmem:v9+s31+$0x0] =	vst.idx.msk $0xffff, v8  }
0xdc: {  	v9 =	vor.u32 s24, v2;
	[tilespmem:v13+s31+$0x0] =	vst.idx.msk $0xffff, v12;
	v8 =	vld [tilespmem:s8+$0xFFFFFFB0]  }
0xdd: {  	[tilespmem:v11+s31+$0x0] =	vst.idx.msk $0xffff, v10;
	v13 =	vor.u32 s6, v2;
	v12 =	vld [tilespmem:s8+$0xFFFFFF30]  }
0xde: {  	v11 =	vor.u32 s12, v2;
	v10 =	vld [tilespmem:s8+$0xFFFFFEB0];
	_ =	sdelay $0x1  }
0xdf: {  	[tilespmem:v15+s31+$0x0] =	vst.idx.msk $0xffff, v14  }
0xe0: {  	v15 =	vor.u32 s15, v2;
	v14 =	vld [tilespmem:s8+$0xFFFFFE30];
	[tilespmem:v9+s31+$0x0] =	vst.idx.msk $0xffff, v8  }
0xe1: {  	v9 =	vor.u32 s24, v3;
	[tilespmem:v13+s31+$0x0] =	vst.idx.msk $0xffff, v12;
	v8 =	vld [tilespmem:s8+$0xFFFFFFC0]  }
0xe2: {  	[tilespmem:v11+s31+$0x0] =	vst.idx.msk $0xffff, v10;
	v13 =	vor.u32 s6, v3;
	v12 =	vld [tilespmem:s8+$0xFFFFFF40]  }
0xe3: {  	v11 =	vor.u32 s12, v3;
	v10 =	vld [tilespmem:s8+$0xFFFFFEC0];
	_ =	sdelay $0x1  }
0xe4: {  	[tilespmem:v15+s31+$0x0] =	vst.idx.msk $0xffff, v14  }
0xe5: {  	v15 =	vor.u32 s15, v3;
	v14 =	vld [tilespmem:s8+$0xFFFFFE40];
	[tilespmem:v9+s31+$0x0] =	vst.idx.msk $0xffff, v8  }
0xe6: {  	v9 =	vor.u32 s24, v4;
	[tilespmem:v13+s31+$0x0] =	vst.idx.msk $0xffff, v12;
	v8 =	vld [tilespmem:s8+$0xFFFFFFD0]  }
0xe7: {  	[tilespmem:v11+s31+$0x0] =	vst.idx.msk $0xffff, v10;
	v13 =	vor.u32 s6, v4;
	v12 =	vld [tilespmem:s8+$0xFFFFFF50]  }
0xe8: {  	v11 =	vor.u32 s12, v4;
	v10 =	vld [tilespmem:s8+$0xFFFFFED0]  }
0xe9: {  	s3 =	simm.s32 $0x7;
	s9 =	simm.s32 $0x23F0  }
0xea: {  	v16 =	vld [tilespmem:s9+$0xFFFFFF90];
	v17 =	vor.u32 s3, v0;
	[tilespmem:v15+s31+$0x0] =	vst.idx.msk $0xffff, v14  }
0xeb: {  	s1 =	simm.s32 $0x5;
	v15 =	vor.u32 s15, v4;
	v14 =	vld [tilespmem:s8+$0xFFFFFE50];
	[tilespmem:v9+s31+$0x0] =	vst.idx.msk $0xffff, v8  }
0xec: {  	[tilespmem:v13+s31+$0x0] =	vst.idx.msk $0xffff, v12;
	v12 =	vld [tilespmem:s9+$0xFFFFFE90];
	v13 =	vor.u32 s1, v0  }
0xed: {  	[tilespmem:v11+s31+$0x0] =	vst.idx.msk $0xffff, v10;
	v9 =	vor.u32 s24, v5;
	v8 =	vld [tilespmem:s8+$0xFFFFFFE0]  }
0xee: {  	v11 =	vor.u32 s12, v5;
	v10 =	vld [tilespmem:s8+$0xFFFFFEE0]  }
0xef: {  	s0 =	simm.s32 $0x6;
	[tilespmem:v17+s31+$0x0] =	vst.idx.msk $0xffff, v16  }
0xf0: {  	s18 =	simm.s32 $0x4;
	[tilespmem:v15+s31+$0x0] =	vst.idx.msk $0xffff, v14;
	v14 =	vld [tilespmem:s9+$0xFFFFFF10];
	v15 =	vor.u32 s0, v0  }
0xf1: {  	v18 =	vld [tilespmem:s9+$0xFFFFFE10];
	v19 =	vor.u32 s18, v0;
	[tilespmem:v13+s31+$0x0] =	vst.idx.msk $0xffff, v12  }
0xf2: {  	v12 =	vld [tilespmem:s9+$0xFFFFFFA0];
	v13 =	vor.u32 s3, v1;
	[tilespmem:v9+s31+$0x0] =	vst.idx.msk $0xffff, v8  }
0xf3: {  	[tilespmem:v11+s31+$0x0] =	vst.idx.msk $0xffff, v10;
	v10 =	vld [tilespmem:s8+$0xFFFFFF60];
	v11 =	vor.u32 s6, v5  }
0xf4: {  	v9 =	vor.u32 s24, v6;
	v8 =	vld [tilespmem:s8+$0xFFFFFFF0]  }
0xf5: {  	v17 =	vor.u32 s1, v1;
	[tilespmem:v15+s31+$0x0] =	vst.idx.msk $0xffff, v14;
	v16 =	vld [tilespmem:s9+$0xFFFFFEA0]  }
0xf6: {  	[tilespmem:v19+s31+$0x0] =	vst.idx.msk $0xffff, v18;
	v15 =	vor.u32 s0, v1;
	v14 =	vld [tilespmem:s9+$0xFFFFFF20]  }
0xf7: {  	v19 =	vor.u32 s18, v1;
	v18 =	vld [tilespmem:s9+$0xFFFFFE20];
	[tilespmem:v13+s31+$0x0] =	vst.idx.msk $0xffff, v12  }
0xf8: {  	v13 =	vor.u32 s3, v2;
	[tilespmem:v11+s31+$0x0] =	vst.idx.msk $0xffff, v10;
	v12 =	vld [tilespmem:s9+$0xFFFFFFB0]  }
0xf9: {  	v10 =	vld [tilespmem:s8+$0xFFFFFE60];
	v11 =	vor.u32 s15, v5;
	[tilespmem:v9+s31+$0x0] =	vst.idx.msk $0xffff, v8  }
0xfa: {  	[tilespmem:v17+s31+$0x0] =	vst.idx.msk $0xffff, v16;
	v9 =	vor.u32 s24, v7;
	v8 =	vld [tilespmem:s8+$0x0]  }
0xfb: {  	v17 =	vor.u32 s1, v2;
	[tilespmem:v15+s31+$0x0] =	vst.idx.msk $0xffff, v14;
	v16 =	vld [tilespmem:s9+$0xFFFFFEB0]  }
0xfc: {  	[tilespmem:v19+s31+$0x0] =	vst.idx.msk $0xffff, v18;
	v15 =	vor.u32 s0, v2;
	v14 =	vld [tilespmem:s9+$0xFFFFFF30]  }
0xfd: {  	v19 =	vor.u32 s18, v2;
	v18 =	vld [tilespmem:s9+$0xFFFFFE30];
	[tilespmem:v13+s31+$0x0] =	vst.idx.msk $0xffff, v12  }
0xfe: {  	[tilespmem:v11+s31+$0x0] =	vst.idx.msk $0xffff, v10;
	v13 =	vor.u32 s3, v3;
	v12 =	vld [tilespmem:s9+$0xFFFFFFC0]  }
0xff: {  	[tilespmem:v9+s31+$0x0] =	vst.idx.msk $0xffff, v8;
	v8 =	vld [tilespmem:s8+$0xFFFFFEF0];
	v9 =	vor.u32 s12, v6  }
0x100: {  	v10 =	vld [tilespmem:s8+$0xFFFFFF70];
	v11 =	vor.u32 s6, v6;
	[tilespmem:v17+s31+$0x0] =	vst.idx.msk $0xffff, v16  }
0x101: {  	v17 =	vor.u32 s1, v3;
	[tilespmem:v15+s31+$0x0] =	vst.idx.msk $0xffff, v14;
	v16 =	vld [tilespmem:s9+$0xFFFFFEC0]  }
0x102: {  	[tilespmem:v19+s31+$0x0] =	vst.idx.msk $0xffff, v18;
	v15 =	vor.u32 s0, v3;
	v14 =	vld [tilespmem:s9+$0xFFFFFF40]  }
0x103: {  	v19 =	vor.u32 s18, v3;
	v18 =	vld [tilespmem:s9+$0xFFFFFE40];
	[tilespmem:v13+s31+$0x0] =	vst.idx.msk $0xffff, v12  }
0x104: {  	[tilespmem:v9+s31+$0x0] =	vst.idx.msk $0xffff, v8;
	v8 =	vld [tilespmem:s8+$0xFFFFFE70];
	v9 =	vor.u32 s15, v6  }
0x105: {  	[tilespmem:v11+s31+$0x0] =	vst.idx.msk $0xffff, v10;
	v13 =	vor.u32 s3, v4;
	v12 =	vld [tilespmem:s9+$0xFFFFFFD0]  }
0x106: {  	v11 =	vor.u32 s12, v7;
	[tilespmem:v17+s31+$0x0] =	vst.idx.msk $0xffff, v16;
	v10 =	vld [tilespmem:s8+$0xFFFFFF00]  }
0x107: {  	v21 =	vor.u32 s1, v4;
	[tilespmem:v15+s31+$0x0] =	vst.idx.msk $0xffff, v14;
	v20 =	vld [tilespmem:s9+$0xFFFFFED0]  }
0x108: {  	[tilespmem:v19+s31+$0x0] =	vst.idx.msk $0xffff, v18;
	v19 =	vor.u32 s0, v4;
	v18 =	vld [tilespmem:s9+$0xFFFFFF50]  }
0x109: {  	v16 =	vld [tilespmem:s9+$0xFFFFFE50];
	v17 =	vor.u32 s18, v4;
	[tilespmem:v9+s31+$0x0] =	vst.idx.msk $0xffff, v8  }
0x10a: {  	v15 =	vor.u32 s6, v7;
	v9 =	vld [tilespmem:s8+$0xFFFFFF80];
	[tilespmem:v13+s31+$0x0] =	vst.idx.msk $0xffff, v12  }
0x10b: {  	v14 =	vor.u32 s15, v7;
	[tilespmem:v11+s31+$0x0] =	vst.idx.msk $0xffff, v10;
	v11 =	vld [tilespmem:s8+$0xFFFFFE80]  }
0x10c: {  	s12 =	simm.s32 $0x8;
	[tilespmem:v21+s31+$0x0] =	vst.idx.msk $0xffff, v20;
	v8 =	vld [tilespmem:s9+$0xFFFFFFE0];
	v10 =	vor.u32 s3, v5  }
0x10d: {  	s15 =	simm.s32 $0xB;
	s6 =	simm.s32 $0xC;
	v13 =	vor.u32 s1, v5;
	[tilespmem:v19+s31+$0x0] =	vst.idx.msk $0xffff, v18;
	s8 =	simm.s32 $0x25F0;
	v12 =	vld [tilespmem:s9+$0xFFFFFEE0]  }
.LBB2_9:
0x10e: {  	p2 =	slt.u32 s6, $0x3C;
	s25 =	sadd.s32 $0x1, s12;
	v18 =	vld [tilespmem:s8+$0xFFFFFF90];
	v19 =	vor.u32 s15, v0;
	[tilespmem:v17+s31+$0x0] =	vst.idx.msk $0xffff, v16  }
0x10f: {  	s24 =	sadd.s32 $0x2, s12;
	v16 =	vld [tilespmem:s8+$0xFFFFFE90];
	v17 =	vor.u32 s25, v0;
	[tilespmem:v15+s31+$0x0] =	vst.idx.msk $0xffff, v9  }
0x110: {  	v15 =	vor.u32 s24, v0;
	v9 =	vld [tilespmem:s8+$0xFFFFFF10];
	[tilespmem:v14+s31+$0x0] =	vst.idx.msk $0xffff, v11  }
0x111: {  	v14 =	vor.u32 s12, v0;
	v11 =	vld [tilespmem:s8+$0xFFFFFE10];
	[tilespmem:v10+s31+$0x0] =	vst.idx.msk $0xffff, v8  }
0x112: {  	v10 =	vor.u32 s3, v6;
	[tilespmem:v13+s31+$0x0] =	vst.idx.msk $0xffff, v12;
	v8 =	vld [tilespmem:s9+$0xFFFFFFF0]  }
0x113: {  	v13 =	vor.u32 s0, v5;
	[tilespmem:v19+s31+$0x0] =	vst.idx.msk $0xffff, v18;
	v12 =	vld [tilespmem:s9+$0xFFFFFF60]  }
0x114: {  	[tilespmem:v17+s31+$0x0] =	vst.idx.msk $0xffff, v16;
	v16 =	vld [tilespmem:s8+$0xFFFFFFA0];
	v17 =	vor.u32 s15, v1  }
0x115: {  	v19 =	vor.u32 s25, v1;
	v18 =	vld [tilespmem:s8+$0xFFFFFEA0];
	[tilespmem:v15+s31+$0x0] =	vst.idx.msk $0xffff, v9  }
0x116: {  	[tilespmem:v14+s31+$0x0] =	vst.idx.msk $0xffff, v11;
	v9 =	vld [tilespmem:s8+$0xFFFFFF20];
	v11 =	vor.u32 s24, v1  }
0x117: {  	v15 =	vor.u32 s12, v1;
	v14 =	vld [tilespmem:s8+$0xFFFFFE20];
	[tilespmem:v10+s31+$0x0] =	vst.idx.msk $0xffff, v8  }
0x118: {  	v10 =	vor.u32 s3, v7;
	s3 =	smov.u32 s15;
	[tilespmem:v13+s31+$0x0] =	vst.idx.msk $0xffff, v12;
	v8 =	vld [tilespmem:s9+$0x0]  }
0x119: {  	v13 =	vor.u32 s18, v5;
	[tilespmem:v17+s31+$0x0] =	vst.idx.msk $0xffff, v16;
	v12 =	vld [tilespmem:s9+$0xFFFFFE60]  }
0x11a: {  	v17 =	vor.u32 s3, v2;
	[tilespmem:v19+s31+$0x0] =	vst.idx.msk $0xffff, v18;
	v16 =	vld [tilespmem:s8+$0xFFFFFFB0]  }
0x11b: {  	v19 =	vor.u32 s25, v2;
	v18 =	vld [tilespmem:s8+$0xFFFFFEB0];
	[tilespmem:v11+s31+$0x0] =	vst.idx.msk $0xffff, v9  }
0x11c: {  	v11 =	vor.u32 s24, v2;
	[tilespmem:v15+s31+$0x0] =	vst.idx.msk $0xffff, v14;
	v9 =	vld [tilespmem:s8+$0xFFFFFF30]  }
0x11d: {  	v15 =	vor.u32 s12, v2;
	v14 =	vld [tilespmem:s8+$0xFFFFFE30];
	[tilespmem:v10+s31+$0x0] =	vst.idx.msk $0xffff, v8  }
0x11e: {  	v10 =	vor.u32 s1, v6;
	[tilespmem:v13+s31+$0x0] =	vst.idx.msk $0xffff, v12;
	v8 =	vld [tilespmem:s9+$0xFFFFFEF0]  }
0x11f: {  	v13 =	vor.u32 s0, v6;
	[tilespmem:v17+s31+$0x0] =	vst.idx.msk $0xffff, v16;
	v12 =	vld [tilespmem:s9+$0xFFFFFF70]  }
0x120: {  	v17 =	vor.u32 s3, v3;
	[tilespmem:v19+s31+$0x0] =	vst.idx.msk $0xffff, v18;
	v16 =	vld [tilespmem:s8+$0xFFFFFFC0]  }
0x121: {  	v19 =	vor.u32 s25, v3;
	v18 =	vld [tilespmem:s8+$0xFFFFFEC0];
	[tilespmem:v11+s31+$0x0] =	vst.idx.msk $0xffff, v9  }
0x122: {  	v11 =	vor.u32 s24, v3;
	[tilespmem:v15+s31+$0x0] =	vst.idx.msk $0xffff, v14;
	v9 =	vld [tilespmem:s8+$0xFFFFFF40]  }
0x123: {  	v15 =	vor.u32 s12, v3;
	v14 =	vld [tilespmem:s8+$0xFFFFFE40];
	[tilespmem:v10+s31+$0x0] =	vst.idx.msk $0xffff, v8  }
0x124: {  	v10 =	vor.u32 s18, v6;
	v8 =	vld [tilespmem:s9+$0xFFFFFE70];
	[tilespmem:v13+s31+$0x0] =	vst.idx.msk $0xffff, v12  }
0x125: {  	v13 =	vor.u32 s1, v7;
	s1 =	smov.u32 s25;
	[tilespmem:v17+s31+$0x0] =	vst.idx.msk $0xffff, v16;
	v12 =	vld [tilespmem:s9+$0xFFFFFF00]  }
0x126: {  	[tilespmem:v19+s31+$0x0] =	vst.idx.msk $0xffff, v18;
	v18 =	vld [tilespmem:s8+$0xFFFFFFD0];
	v19 =	vor.u32 s3, v4  }
0x127: {  	v21 =	vor.u32 s1, v4;
	v20 =	vld [tilespmem:s8+$0xFFFFFED0];
	[tilespmem:v11+s31+$0x0] =	vst.idx.msk $0xffff, v9  }
0x128: {  	v23 =	vor.u32 s24, v4;
	[tilespmem:v15+s31+$0x0] =	vst.idx.msk $0xffff, v14;
	v22 =	vld [tilespmem:s8+$0xFFFFFF50]  }
.Ltmp6:
0x129: {  	v17 =	vor.u32 s12, v4;
	v16 =	vld [tilespmem:s8+$0xFFFFFE50];
	[tilespmem:v10+s31+$0x0] =	vst.idx.msk $0xffff, v8;
	(pc) =	sbr.rel @p2 .LBB2_9-.Ltmp6, $4  }
0x12a: {  	v15 =	vor.u32 s0, v7;
	s0 =	smov.u32 s24;
	[tilespmem:v13+s31+$0x0] =	vst.idx.msk $0xffff, v12;
	v9 =	vld [tilespmem:s9+$0xFFFFFF80]  }
0x12b: {  	v14 =	vor.u32 s18, v7;
	s18 =	smov.u32 s12;
	s12 =	smov.u32 s6;
	[tilespmem:v19+s31+$0x0] =	vst.idx.msk $0xffff, v18;
	v11 =	vld [tilespmem:s9+$0xFFFFFE80];
	s9 =	smov.u32 s8  }
0x12c: {  	v10 =	vor.u32 s3, v5;
	[tilespmem:v21+s31+$0x0] =	vst.idx.msk $0xffff, v20;
	v8 =	vld [tilespmem:s8+$0xFFFFFFE0]  }
0x12d: {  	s6 =	sadd.s32 $0x4, s6;
	s15 =	sadd.s32 $0x3, s12;
	v13 =	vor.u32 s1, v5;
	s8 =	sadd.s32 $0x200, s8;
	v12 =	vld [tilespmem:s9+$0xFFFFFEE0];
	[tilespmem:v23+s31+$0x0] =	vst.idx.msk $0xffff, v22  }
0x12e: {  	v18 =	vld [tilespmem:s8+$0xFFFFFF90];
	v19 =	vor.u32 s15, v0  }
0x12f: {  	s6 =	sadd.s32 $0x1, s12;
	v24 =	vld [tilespmem:s8+$0xFFFFFE10];
	v25 =	vor.u32 s12, v0  }
0x130: {  	v20 =	vld [tilespmem:s8+$0xFFFFFE90];
	s24 =	sadd.s32 $0x2, s12;
	v21 =	vor.u32 s6, v0  }
0x131: {  	v22 =	vld [tilespmem:s8+$0xFFFFFF10];
	v23 =	vor.u32 s24, v0  }
0x132: {  	[tilespmem:v17+s31+$0x0] =	vst.idx.msk $0xffff, v16  }
0x133: {  	[tilespmem:v19+s31+$0x0] =	vst.idx.msk $0xffff, v18  }
0x134: {  	v52 =	vor.u32 s15, v1;
	[tilespmem:v25+s31+$0x0] =	vst.idx.msk $0xffff, v24;
	v51 =	vld [tilespmem:s8+$0xFFFFFFA0]  }
0x135: {  	v58 =	vor.u32 s12, v1;
	[tilespmem:v21+s31+$0x0] =	vst.idx.msk $0xffff, v20;
	v57 =	vld [tilespmem:s8+$0xFFFFFE20]  }
0x136: {  	v54 =	vor.u32 s6, v1;
	[tilespmem:v23+s31+$0x0] =	vst.idx.msk $0xffff, v22;
	v53 =	vld [tilespmem:s8+$0xFFFFFEA0]  }
0x137: {  	v56 =	vor.u32 s24, v1;
	[tilespmem:v15+s31+$0x0] =	vst.idx.msk $0xffff, v9;
	v55 =	vld [tilespmem:s8+$0xFFFFFF20]  }
0x138: {  	[tilespmem:v10+s31+$0x0] =	vst.idx.msk $0xffff, v8  }
0x139: {  	[tilespmem:v52+s31+$0x0] =	vst.idx.msk $0xffff, v51  }
0x13a: {  	v60 =	vor.u32 s15, v2;
	[tilespmem:v58+s31+$0x0] =	vst.idx.msk $0xffff, v57;
	v59 =	vld [tilespmem:s8+$0xFFFFFFB0]  }
0x13b: {  	v22 =	vor.u32 s12, v2;
	[tilespmem:v54+s31+$0x0] =	vst.idx.msk $0xffff, v53;
	v8 =	vld [tilespmem:s8+$0xFFFFFE30]  }
0x13c: {  	v62 =	vor.u32 s6, v2;
	[tilespmem:v56+s31+$0x0] =	vst.idx.msk $0xffff, v55;
	v61 =	vld [tilespmem:s8+$0xFFFFFEB0]  }
0x13d: {  	[tilespmem:v14+s31+$0x0] =	vst.idx.msk $0xffff, v11;
	v21 =	vor.u32 s24, v2;
	v63 =	vld [tilespmem:s8+$0xFFFFFF30]  }
0x13e: {  	v33 =	vor.u32 s18, v5;
	v32 =	vld [tilespmem:s9+$0xFFFFFE60];
	[tilespmem:v13+s31+$0x0] =	vst.idx.msk $0xffff, v12  }
0x13f: {  	v26 =	vor.u32 s0, v5;
	v25 =	vld [tilespmem:s9+$0xFFFFFF60];
	[tilespmem:v60+s31+$0x0] =	vst.idx.msk $0xffff, v59  }
0x140: {  	v27 =	vor.u32 s15, v3;
	[tilespmem:v22+s31+$0x0] =	vst.idx.msk $0xffff, v8;
	v11 =	vld [tilespmem:s8+$0xFFFFFFC0]  }
0x141: {  	v30 =	vor.u32 s12, v3;
	[tilespmem:v62+s31+$0x0] =	vst.idx.msk $0xffff, v61;
	v10 =	vld [tilespmem:s8+$0xFFFFFE40]  }
0x142: {  	v28 =	vor.u32 s6, v3;
	[tilespmem:v21+s31+$0x0] =	vst.idx.msk $0xffff, v63;
	v16 =	vld [tilespmem:s8+$0xFFFFFEC0]  }
0x143: {  	v29 =	vor.u32 s24, v3;
	[tilespmem:v33+s31+$0x0] =	vst.idx.msk $0xffff, v32;
	v8 =	vld [tilespmem:s8+$0xFFFFFF40]  }
0x144: {  	v39 =	vor.u32 s1, v6;
	v38 =	vld [tilespmem:s9+$0xFFFFFEF0];
	[tilespmem:v26+s31+$0x0] =	vst.idx.msk $0xffff, v25  }
0x145: {  	v24 =	vor.u32 s3, v6;
	v23 =	vld [tilespmem:s9+$0xFFFFFFF0];
	[tilespmem:v27+s31+$0x0] =	vst.idx.msk $0xffff, v11  }
0x146: {  	v34 =	vor.u32 s15, v4;
	[tilespmem:v30+s31+$0x0] =	vst.idx.msk $0xffff, v10;
	v11 =	vld [tilespmem:s8+$0xFFFFFFD0]  }
0x147: {  	v37 =	vor.u32 s12, v4;
	[tilespmem:v28+s31+$0x0] =	vst.idx.msk $0xffff, v16;
	v10 =	vld [tilespmem:s8+$0xFFFFFE50]  }
0x148: {  	v35 =	vor.u32 s6, v4;
	[tilespmem:v29+s31+$0x0] =	vst.idx.msk $0xffff, v8;
	v16 =	vld [tilespmem:s8+$0xFFFFFED0]  }
0x149: {  	v36 =	vor.u32 s24, v4;
	[tilespmem:v39+s31+$0x0] =	vst.idx.msk $0xffff, v38;
	v8 =	vld [tilespmem:s8+$0xFFFFFF50]  }
0x14a: {  	v47 =	vor.u32 s18, v6;
	v46 =	vld [tilespmem:s9+$0xFFFFFE70];
	[tilespmem:v24+s31+$0x0] =	vst.idx.msk $0xffff, v23  }
0x14b: {  	v41 =	vor.u32 s0, v6;
	v40 =	vld [tilespmem:s9+$0xFFFFFF70];
	[tilespmem:v34+s31+$0x0] =	vst.idx.msk $0xffff, v11  }
0x14c: {  	v42 =	vor.u32 s15, v5;
	[tilespmem:v37+s31+$0x0] =	vst.idx.msk $0xffff, v10;
	v11 =	vld [tilespmem:s8+$0xFFFFFFE0]  }
0x14d: {  	v45 =	vor.u32 s12, v5;
	[tilespmem:v35+s31+$0x0] =	vst.idx.msk $0xffff, v16;
	v10 =	vld [tilespmem:s8+$0xFFFFFE60]  }
0x14e: {  	v43 =	vor.u32 s6, v5;
	[tilespmem:v36+s31+$0x0] =	vst.idx.msk $0xffff, v8;
	v16 =	vld [tilespmem:s8+$0xFFFFFEE0]  }
0x14f: {  	v44 =	vor.u32 s24, v5;
	[tilespmem:v47+s31+$0x0] =	vst.idx.msk $0xffff, v46;
	v8 =	vld [tilespmem:s8+$0xFFFFFF60]  }
0x150: {  	v49 =	vor.u32 s1, v7;
	v48 =	vld [tilespmem:s9+$0xFFFFFF00];
	[tilespmem:v41+s31+$0x0] =	vst.idx.msk $0xffff, v40  }
0x151: {  	v31 =	vor.u32 s3, v7;
	v13 =	vld [tilespmem:s9+$0x0];
	[tilespmem:v42+s31+$0x0] =	vst.idx.msk $0xffff, v11  }
0x152: {  	v50 =	vor.u32 s15, v6;
	[tilespmem:v45+s31+$0x0] =	vst.idx.msk $0xffff, v10;
	v11 =	vld [tilespmem:s8+$0xFFFFFFF0]  }
0x153: {  	v55 =	vor.u32 s12, v6;
	[tilespmem:v43+s31+$0x0] =	vst.idx.msk $0xffff, v16;
	v54 =	vld [tilespmem:s8+$0xFFFFFE70]  }
0x154: {  	v51 =	vor.u32 s6, v6;
	[tilespmem:v44+s31+$0x0] =	vst.idx.msk $0xffff, v8;
	v8 =	vld [tilespmem:s8+$0xFFFFFEF0]  }
0x155: {  	v53 =	vor.u32 s24, v6;
	[tilespmem:v49+s31+$0x0] =	vst.idx.msk $0xffff, v48;
	v52 =	vld [tilespmem:s8+$0xFFFFFF70]  }
0x156: {  	v57 =	vor.u32 s0, v7;
	[tilespmem:v31+s31+$0x0] =	vst.idx.msk $0xffff, v13;
	v56 =	vld [tilespmem:s9+$0xFFFFFF80]  }
0x157: {  	v58 =	vld [tilespmem:s9+$0xFFFFFE80];
	v59 =	vor.u32 s18, v7;
	[tilespmem:v50+s31+$0x0] =	vst.idx.msk $0xffff, v11  }
0x158: {  	v60 =	vor.u32 s15, v7;
	[tilespmem:v55+s31+$0x0] =	vst.idx.msk $0xffff, v54;
	v11 =	vld [tilespmem:s8+$0x0]  }
0x159: {  	v63 =	vor.u32 s12, v7;
	[tilespmem:v51+s31+$0x0] =	vst.idx.msk $0xffff, v8;
	v13 =	vld [tilespmem:s8+$0xFFFFFE80]  }
0x15a: {  	v61 =	vor.u32 s6, v7;
	[tilespmem:v53+s31+$0x0] =	vst.idx.msk $0xffff, v52;
	v8 =	vld [tilespmem:s8+$0xFFFFFF00]  }
0x15b: {  	v62 =	vor.u32 s24, v7;
	[tilespmem:v57+s31+$0x0] =	vst.idx.msk $0xffff, v56;
	v10 =	vld [tilespmem:s8+$0xFFFFFF80]  }
0x15c: {  	[tilespmem:v59+s31+$0x0] =	vst.idx.msk $0xffff, v58  }
0x15d: {  	[tilespmem:v60+s31+$0x0] =	vst.idx.msk $0xffff, v11  }
0x15e: {  	[tilespmem:v63+s31+$0x0] =	vst.idx.msk $0xffff, v13  }
0x15f: {  	[tilespmem:v61+s31+$0x0] =	vst.idx.msk $0xffff, v8  }
0x160: {  	s0 =	sadd.s32 s4, s11;
	[tilespmem:v62+s31+$0x0] =	vst.idx.msk $0xffff, v10  }
0x161: {  	[hbm4b:s0+s5] =	stream.linear.scatter [tilespmem:s31], [sflag:$0x4], $0x400, $0x38;
	[tilespmem:$0xC000] =	vst v63  }
0x162: {  	s15 =	sadd.s32 $0x80, s0;
	s18 =	simm.s32 $0x8800  }
0x163: {  	[hbm4b:s15+s5] =	stream.linear.scatter [tilespmem:s18], [sflag:$0x4], $0x400, $0x38;
	[tilespmem:$0xC000] =	vst v63  }
0x164: {  	s25 =	simm.s32 $0x9000;
	s24 =	sadd.s32 $0x100, s0  }
0x165: {  	[hbm4b:s24+s5] =	stream.linear.scatter [tilespmem:s25], [sflag:$0x4], $0x400, $0x38;
	[tilespmem:$0xC000] =	vst v63  }
0x166: {  	s4 =	sadd.s32 $0x180, s0;
	s6 =	simm.s32 $0x9800  }
0x167: {  	[hbm4b:s4+s5] =	stream.linear.scatter [tilespmem:s6], [sflag:$0x4], $0x400, $0x38;
	[tilespmem:$0xC000] =	vst v63  }
0x168: {  	s9 =	simm.s32 $0xA000;
	s8 =	sadd.s32 $0x200, s0  }
0x169: {  	[hbm4b:s8+s5] =	stream.linear.scatter [tilespmem:s9], [sflag:$0x4], $0x400, $0x38;
	[tilespmem:$0xC000] =	vst v63  }
0x16a: {  	p2 =	seq.s32 s13, $0x79;
	s12 =	sadd.s32 $0x280, s0;
	s15 =	simm.s32 $0xA800  }
0x16b: {  	[hbm4b:s12+s5] =	stream.linear.scatter [tilespmem:s15], [sflag:$0x4], $0x400, $0x38;
	[tilespmem:$0xC000] =	vst v63  }
.Ltmp7:
0x16c: {  	_ = 	snop;
	(pc) =	sbr.rel @p2 .LBB2_12-.Ltmp7, $4  }
0x16d: {  	s18 =	sadd.s32 $0x300, s0;
	s24 =	simm.s32 $0xB000  }
0x16e: {  	[hbm4b:s18+s5] =	stream.linear.scatter [tilespmem:s24], [sflag:$0x4], $0x400, $0x38;
	[tilespmem:$0xC000] =	vst v63  }
0x16f: {  	s0 =	sadd.s32 $0x380, s0;
	s25 =	simm.s32 $0xB800  }
0x170: {  	[hbm4b:s0+s5] =	stream.linear.scatter [tilespmem:s25], [sflag:$0x4], $0x400, $0x38;
	[tilespmem:$0xC000] =	vst v63  }
.Ltmp8:
0x171: {  	(pc) =	sbr.rel .LBB2_2-.Ltmp8, $4  }
0x172: {  	s0 =	sadd.s32 s10, s14  }
0x173: {  	s0 =	sshll.u32 s0, $0x7  }
0x174: {  	s1 =	simm.s32 $0x2000;
	s13 =	sadd.s32 $0x1, s13;
	s0 =	sadd.s32 s2, s0  }
0x175: {  	[tilespmem:s1], [sflag:$0x2] =	stream.strided.gather [hbm4b:s0+s16], $0x2000, s17, s16, $0x38;
	[tilespmem:$0xC000] =	vst v63  }
.LBB2_12:
0x176: {  	s0 =	simm.s32 $0x3  }
0x177: {  	_ =	swait.ge [sflag:s0], $0x2000  }
.Ltmp9:
0x178: {  	[sflag:s0] =	ssyncset.done $0x0;
	(pc) =	sbr.rel @p1 .LBB2_16-.Ltmp9, $4  }
0x179: {  	[sflag:s0] =	ssyncadd.s32 $0xFFFFE000  }
0x17a: {  	_ =	swait.ge [sflag:s30], $0x2000  }
0x17b: {  	[sflag:s30] =	ssyncset.done $0x0  }
0x17c: {  	s18 =	simm.s32 $0x5;
	[sflag:s30] =	ssyncadd.s32 $0xFFFFE000  }
0x17d: {  	s8 =	simm.s32 $0x0;
	s0 =	rddreg [dreg:$0x7]  }
0x17e: {  	[tilespmem:s8], [sflag:$0x5] =	stream.strided.gather [hbm4b:s0+s16], $0x2000, s17, s16, $0x38;
	[tilespmem:$0xC000] =	vst v63  }
0x17f: {  	_ =	swait.ge [sflag:s18], $0x2000  }
0x180: {  	[sflag:s18] =	ssyncset.done $0x0  }
0x181: {  	s12 =	simm.s32 $0x100;
	s14 =	simm.s32 $0x3;
	[sflag:s18] =	ssyncadd.s32 $0xFFFFE000  }
0x182: {  	s6 =	simm.s32 $0x2;
	v9 =	vor.u32 s14, v0;
	v8 =	vld [tilespmem:s12+$0x80]  }
0x183: {  	s13 =	simm.s32 $0x1;
	v13 =	vor.u32 s6, v0;
	v12 =	vld [tilespmem:s12+$0x0]  }
0x184: {  	v11 =	vor.u32 s13, v0;
	v10 =	vld [tilespmem:s12+$0xFFFFFF80];
	_ =	sdelay $0x2  }
0x185: {  	v15 =	vor.u32 s8, v0;
	v14 =	vld [tilespmem:s12+$0xFFFFFF00];
	[tilespmem:v9+s20+$0x0] =	vst.idx.msk $0xffff, v8  }
0x186: {  	v9 =	vor.u32 s14, v1;
	[tilespmem:v13+s20+$0x0] =	vst.idx.msk $0xffff, v12;
	v8 =	vld [tilespmem:s12+$0x90]  }
0x187: {  	[tilespmem:v11+s20+$0x0] =	vst.idx.msk $0xffff, v10;
	v13 =	vor.u32 s6, v1;
	v12 =	vld [tilespmem:s12+$0x10]  }
0x188: {  	v11 =	vor.u32 s13, v1;
	v10 =	vld [tilespmem:s12+$0xFFFFFF90];
	_ =	sdelay $0x1  }
0x189: {  	[tilespmem:v15+s20+$0x0] =	vst.idx.msk $0xffff, v14  }
0x18a: {  	v15 =	vor.u32 s8, v1;
	v14 =	vld [tilespmem:s12+$0xFFFFFF10];
	[tilespmem:v9+s20+$0x0] =	vst.idx.msk $0xffff, v8  }
0x18b: {  	v9 =	vor.u32 s14, v2;
	[tilespmem:v13+s20+$0x0] =	vst.idx.msk $0xffff, v12;
	v8 =	vld [tilespmem:s12+$0xA0]  }
0x18c: {  	[tilespmem:v11+s20+$0x0] =	vst.idx.msk $0xffff, v10;
	v13 =	vor.u32 s6, v2;
	v12 =	vld [tilespmem:s12+$0x20]  }
0x18d: {  	v11 =	vor.u32 s13, v2;
	v10 =	vld [tilespmem:s12+$0xFFFFFFA0];
	_ =	sdelay $0x1  }
0x18e: {  	[tilespmem:v15+s20+$0x0] =	vst.idx.msk $0xffff, v14  }
0x18f: {  	v15 =	vor.u32 s8, v2;
	v14 =	vld [tilespmem:s12+$0xFFFFFF20];
	[tilespmem:v9+s20+$0x0] =	vst.idx.msk $0xffff, v8  }
0x190: {  	v9 =	vor.u32 s14, v3;
	[tilespmem:v13+s20+$0x0] =	vst.idx.msk $0xffff, v12;
	v8 =	vld [tilespmem:s12+$0xB0]  }
0x191: {  	[tilespmem:v11+s20+$0x0] =	vst.idx.msk $0xffff, v10;
	v13 =	vor.u32 s6, v3;
	v12 =	vld [tilespmem:s12+$0x30]  }
0x192: {  	v11 =	vor.u32 s13, v3;
	v10 =	vld [tilespmem:s12+$0xFFFFFFB0];
	_ =	sdelay $0x1  }
0x193: {  	[tilespmem:v15+s20+$0x0] =	vst.idx.msk $0xffff, v14  }
0x194: {  	v15 =	vor.u32 s8, v3;
	v14 =	vld [tilespmem:s12+$0xFFFFFF30];
	[tilespmem:v9+s20+$0x0] =	vst.idx.msk $0xffff, v8  }
0x195: {  	v9 =	vor.u32 s14, v4;
	[tilespmem:v13+s20+$0x0] =	vst.idx.msk $0xffff, v12;
	v8 =	vld [tilespmem:s12+$0xC0]  }
0x196: {  	[tilespmem:v11+s20+$0x0] =	vst.idx.msk $0xffff, v10;
	v13 =	vor.u32 s6, v4;
	v12 =	vld [tilespmem:s12+$0x40]  }
0x197: {  	v11 =	vor.u32 s13, v4;
	v10 =	vld [tilespmem:s12+$0xFFFFFFC0]  }
0x198: {  	s3 =	simm.s32 $0x7;
	s4 =	simm.s32 $0x300  }
0x199: {  	v17 =	vor.u32 s3, v0;
	v16 =	vld [tilespmem:s4+$0x80];
	[tilespmem:v15+s20+$0x0] =	vst.idx.msk $0xffff, v14  }
0x19a: {  	s1 =	simm.s32 $0x5;
	v15 =	vor.u32 s8, v4;
	v14 =	vld [tilespmem:s12+$0xFFFFFF40];
	[tilespmem:v9+s20+$0x0] =	vst.idx.msk $0xffff, v8  }
0x19b: {  	[tilespmem:v13+s20+$0x0] =	vst.idx.msk $0xffff, v12;
	v12 =	vld [tilespmem:s4+$0xFFFFFF80];
	v13 =	vor.u32 s1, v0  }
0x19c: {  	[tilespmem:v11+s20+$0x0] =	vst.idx.msk $0xffff, v10;
	v9 =	vor.u32 s14, v5;
	v8 =	vld [tilespmem:s12+$0xD0]  }
0x19d: {  	v11 =	vor.u32 s13, v5;
	v10 =	vld [tilespmem:s12+$0xFFFFFFD0]  }
0x19e: {  	s0 =	simm.s32 $0x6;
	[tilespmem:v17+s20+$0x0] =	vst.idx.msk $0xffff, v16  }
0x19f: {  	s9 =	simm.s32 $0x4;
	[tilespmem:v15+s20+$0x0] =	vst.idx.msk $0xffff, v14;
	v14 =	vld [tilespmem:s4+$0x0];
	v15 =	vor.u32 s0, v0  }
0x1a0: {  	v19 =	vor.u32 s9, v0;
	v18 =	vld [tilespmem:s4+$0xFFFFFF00];
	[tilespmem:v13+s20+$0x0] =	vst.idx.msk $0xffff, v12  }
0x1a1: {  	v12 =	vld [tilespmem:s4+$0x90];
	v13 =	vor.u32 s3, v1;
	[tilespmem:v9+s20+$0x0] =	vst.idx.msk $0xffff, v8  }
0x1a2: {  	[tilespmem:v11+s20+$0x0] =	vst.idx.msk $0xffff, v10;
	v10 =	vld [tilespmem:s12+$0x50];
	v11 =	vor.u32 s6, v5  }
0x1a3: {  	v9 =	vor.u32 s14, v6;
	v8 =	vld [tilespmem:s12+$0xE0]  }
0x1a4: {  	v17 =	vor.u32 s1, v1;
	[tilespmem:v15+s20+$0x0] =	vst.idx.msk $0xffff, v14;
	v16 =	vld [tilespmem:s4+$0xFFFFFF90]  }
0x1a5: {  	[tilespmem:v19+s20+$0x0] =	vst.idx.msk $0xffff, v18;
	v15 =	vor.u32 s0, v1;
	v14 =	vld [tilespmem:s4+$0x10]  }
0x1a6: {  	v19 =	vor.u32 s9, v1;
	v18 =	vld [tilespmem:s4+$0xFFFFFF10];
	[tilespmem:v13+s20+$0x0] =	vst.idx.msk $0xffff, v12  }
0x1a7: {  	v13 =	vor.u32 s3, v2;
	[tilespmem:v11+s20+$0x0] =	vst.idx.msk $0xffff, v10;
	v12 =	vld [tilespmem:s4+$0xA0]  }
0x1a8: {  	v10 =	vld [tilespmem:s12+$0xFFFFFF50];
	v11 =	vor.u32 s8, v5;
	[tilespmem:v9+s20+$0x0] =	vst.idx.msk $0xffff, v8  }
0x1a9: {  	[tilespmem:v17+s20+$0x0] =	vst.idx.msk $0xffff, v16;
	v9 =	vor.u32 s14, v7;
	v8 =	vld [tilespmem:s12+$0xF0]  }
0x1aa: {  	v17 =	vor.u32 s1, v2;
	[tilespmem:v15+s20+$0x0] =	vst.idx.msk $0xffff, v14;
	v16 =	vld [tilespmem:s4+$0xFFFFFFA0]  }
0x1ab: {  	[tilespmem:v19+s20+$0x0] =	vst.idx.msk $0xffff, v18;
	v15 =	vor.u32 s0, v2;
	v14 =	vld [tilespmem:s4+$0x20]  }
0x1ac: {  	v19 =	vor.u32 s9, v2;
	v18 =	vld [tilespmem:s4+$0xFFFFFF20];
	[tilespmem:v13+s20+$0x0] =	vst.idx.msk $0xffff, v12  }
0x1ad: {  	[tilespmem:v11+s20+$0x0] =	vst.idx.msk $0xffff, v10;
	v13 =	vor.u32 s3, v3;
	v12 =	vld [tilespmem:s4+$0xB0]  }
0x1ae: {  	[tilespmem:v9+s20+$0x0] =	vst.idx.msk $0xffff, v8;
	v8 =	vld [tilespmem:s12+$0xFFFFFFE0];
	v9 =	vor.u32 s13, v6  }
0x1af: {  	v10 =	vld [tilespmem:s12+$0x60];
	v11 =	vor.u32 s6, v6;
	[tilespmem:v17+s20+$0x0] =	vst.idx.msk $0xffff, v16  }
0x1b0: {  	v17 =	vor.u32 s1, v3;
	[tilespmem:v15+s20+$0x0] =	vst.idx.msk $0xffff, v14;
	v16 =	vld [tilespmem:s4+$0xFFFFFFB0]  }
0x1b1: {  	[tilespmem:v19+s20+$0x0] =	vst.idx.msk $0xffff, v18;
	v15 =	vor.u32 s0, v3;
	v14 =	vld [tilespmem:s4+$0x30]  }
0x1b2: {  	v19 =	vor.u32 s9, v3;
	v18 =	vld [tilespmem:s4+$0xFFFFFF30];
	[tilespmem:v13+s20+$0x0] =	vst.idx.msk $0xffff, v12  }
0x1b3: {  	[tilespmem:v9+s20+$0x0] =	vst.idx.msk $0xffff, v8;
	v8 =	vld [tilespmem:s12+$0xFFFFFF60];
	v9 =	vor.u32 s8, v6  }
0x1b4: {  	[tilespmem:v11+s20+$0x0] =	vst.idx.msk $0xffff, v10;
	v13 =	vor.u32 s3, v4;
	v12 =	vld [tilespmem:s4+$0xC0]  }
0x1b5: {  	v11 =	vor.u32 s13, v7;
	[tilespmem:v17+s20+$0x0] =	vst.idx.msk $0xffff, v16;
	v10 =	vld [tilespmem:s12+$0xFFFFFFF0]  }
0x1b6: {  	v21 =	vor.u32 s1, v4;
	[tilespmem:v15+s20+$0x0] =	vst.idx.msk $0xffff, v14;
	v20 =	vld [tilespmem:s4+$0xFFFFFFC0]  }
0x1b7: {  	[tilespmem:v19+s20+$0x0] =	vst.idx.msk $0xffff, v18;
	v19 =	vor.u32 s0, v4;
	v18 =	vld [tilespmem:s4+$0x40]  }
0x1b8: {  	v16 =	vld [tilespmem:s4+$0xFFFFFF40];
	v17 =	vor.u32 s9, v4;
	[tilespmem:v9+s20+$0x0] =	vst.idx.msk $0xffff, v8  }
0x1b9: {  	v15 =	vor.u32 s6, v7;
	v9 =	vld [tilespmem:s12+$0x70];
	[tilespmem:v13+s20+$0x0] =	vst.idx.msk $0xffff, v12  }
0x1ba: {  	v14 =	vor.u32 s8, v7;
	[tilespmem:v11+s20+$0x0] =	vst.idx.msk $0xffff, v10;
	v11 =	vld [tilespmem:s12+$0xFFFFFF70]  }
0x1bb: {  	s13 =	simm.s32 $0xB;
	[tilespmem:v21+s20+$0x0] =	vst.idx.msk $0xffff, v20;
	v8 =	vld [tilespmem:s4+$0xD0];
	v10 =	vor.u32 s3, v5  }
0x1bc: {  	s6 =	simm.s32 $0xC;
	s8 =	simm.s32 $0x500;
	v13 =	vor.u32 s1, v5;
	s12 =	simm.s32 $0x8;
	[tilespmem:v19+s20+$0x0] =	vst.idx.msk $0xffff, v18;
	v12 =	vld [tilespmem:s4+$0xFFFFFFD0]  }
.LBB2_14:
0x1bd: {  	p2 =	slt.u32 s6, $0x3C;
	s15 =	sadd.s32 $0x1, s12;
	v18 =	vld [tilespmem:s8+$0x80];
	v19 =	vor.u32 s13, v0;
	[tilespmem:v17+s20+$0x0] =	vst.idx.msk $0xffff, v16  }
0x1be: {  	s14 =	sadd.s32 $0x2, s12;
	v16 =	vld [tilespmem:s8+$0xFFFFFF80];
	v17 =	vor.u32 s15, v0;
	[tilespmem:v15+s20+$0x0] =	vst.idx.msk $0xffff, v9  }
0x1bf: {  	v15 =	vor.u32 s14, v0;
	v9 =	vld [tilespmem:s8+$0x0];
	[tilespmem:v14+s20+$0x0] =	vst.idx.msk $0xffff, v11  }
0x1c0: {  	v14 =	vor.u32 s12, v0;
	v11 =	vld [tilespmem:s8+$0xFFFFFF00];
	[tilespmem:v10+s20+$0x0] =	vst.idx.msk $0xffff, v8  }
0x1c1: {  	v10 =	vor.u32 s3, v6;
	[tilespmem:v13+s20+$0x0] =	vst.idx.msk $0xffff, v12;
	v8 =	vld [tilespmem:s4+$0xE0]  }
0x1c2: {  	v13 =	vor.u32 s0, v5;
	[tilespmem:v19+s20+$0x0] =	vst.idx.msk $0xffff, v18;
	v12 =	vld [tilespmem:s4+$0x50]  }
0x1c3: {  	[tilespmem:v17+s20+$0x0] =	vst.idx.msk $0xffff, v16;
	v16 =	vld [tilespmem:s8+$0x90];
	v17 =	vor.u32 s13, v1  }
0x1c4: {  	v19 =	vor.u32 s15, v1;
	v18 =	vld [tilespmem:s8+$0xFFFFFF90];
	[tilespmem:v15+s20+$0x0] =	vst.idx.msk $0xffff, v9  }
0x1c5: {  	[tilespmem:v14+s20+$0x0] =	vst.idx.msk $0xffff, v11;
	v9 =	vld [tilespmem:s8+$0x10];
	v11 =	vor.u32 s14, v1  }
0x1c6: {  	v15 =	vor.u32 s12, v1;
	v14 =	vld [tilespmem:s8+$0xFFFFFF10];
	[tilespmem:v10+s20+$0x0] =	vst.idx.msk $0xffff, v8  }
0x1c7: {  	v10 =	vor.u32 s3, v7;
	s3 =	smov.u32 s13;
	[tilespmem:v13+s20+$0x0] =	vst.idx.msk $0xffff, v12;
	v8 =	vld [tilespmem:s4+$0xF0]  }
0x1c8: {  	v13 =	vor.u32 s9, v5;
	[tilespmem:v17+s20+$0x0] =	vst.idx.msk $0xffff, v16;
	v12 =	vld [tilespmem:s4+$0xFFFFFF50]  }
0x1c9: {  	v17 =	vor.u32 s3, v2;
	[tilespmem:v19+s20+$0x0] =	vst.idx.msk $0xffff, v18;
	v16 =	vld [tilespmem:s8+$0xA0]  }
0x1ca: {  	v19 =	vor.u32 s15, v2;
	v18 =	vld [tilespmem:s8+$0xFFFFFFA0];
	[tilespmem:v11+s20+$0x0] =	vst.idx.msk $0xffff, v9  }
0x1cb: {  	v11 =	vor.u32 s14, v2;
	[tilespmem:v15+s20+$0x0] =	vst.idx.msk $0xffff, v14;
	v9 =	vld [tilespmem:s8+$0x20]  }
0x1cc: {  	v15 =	vor.u32 s12, v2;
	v14 =	vld [tilespmem:s8+$0xFFFFFF20];
	[tilespmem:v10+s20+$0x0] =	vst.idx.msk $0xffff, v8  }
0x1cd: {  	v10 =	vor.u32 s1, v6;
	[tilespmem:v13+s20+$0x0] =	vst.idx.msk $0xffff, v12;
	v8 =	vld [tilespmem:s4+$0xFFFFFFE0]  }
0x1ce: {  	v13 =	vor.u32 s0, v6;
	[tilespmem:v17+s20+$0x0] =	vst.idx.msk $0xffff, v16;
	v12 =	vld [tilespmem:s4+$0x60]  }
0x1cf: {  	v17 =	vor.u32 s3, v3;
	[tilespmem:v19+s20+$0x0] =	vst.idx.msk $0xffff, v18;
	v16 =	vld [tilespmem:s8+$0xB0]  }
0x1d0: {  	v19 =	vor.u32 s15, v3;
	v18 =	vld [tilespmem:s8+$0xFFFFFFB0];
	[tilespmem:v11+s20+$0x0] =	vst.idx.msk $0xffff, v9  }
0x1d1: {  	v11 =	vor.u32 s14, v3;
	[tilespmem:v15+s20+$0x0] =	vst.idx.msk $0xffff, v14;
	v9 =	vld [tilespmem:s8+$0x30]  }
0x1d2: {  	v15 =	vor.u32 s12, v3;
	v14 =	vld [tilespmem:s8+$0xFFFFFF30];
	[tilespmem:v10+s20+$0x0] =	vst.idx.msk $0xffff, v8  }
0x1d3: {  	v10 =	vor.u32 s9, v6;
	v8 =	vld [tilespmem:s4+$0xFFFFFF60];
	[tilespmem:v13+s20+$0x0] =	vst.idx.msk $0xffff, v12  }
0x1d4: {  	v13 =	vor.u32 s1, v7;
	s1 =	smov.u32 s15;
	[tilespmem:v17+s20+$0x0] =	vst.idx.msk $0xffff, v16;
	v12 =	vld [tilespmem:s4+$0xFFFFFFF0]  }
0x1d5: {  	[tilespmem:v19+s20+$0x0] =	vst.idx.msk $0xffff, v18;
	v18 =	vld [tilespmem:s8+$0xC0];
	v19 =	vor.u32 s3, v4  }
0x1d6: {  	v21 =	vor.u32 s1, v4;
	v20 =	vld [tilespmem:s8+$0xFFFFFFC0];
	[tilespmem:v11+s20+$0x0] =	vst.idx.msk $0xffff, v9  }
0x1d7: {  	v23 =	vor.u32 s14, v4;
	[tilespmem:v15+s20+$0x0] =	vst.idx.msk $0xffff, v14;
	v22 =	vld [tilespmem:s8+$0x40]  }
.Ltmp10:
0x1d8: {  	v17 =	vor.u32 s12, v4;
	v16 =	vld [tilespmem:s8+$0xFFFFFF40];
	[tilespmem:v10+s20+$0x0] =	vst.idx.msk $0xffff, v8;
	(pc) =	sbr.rel @p2 .LBB2_14-.Ltmp10, $4  }
0x1d9: {  	v15 =	vor.u32 s0, v7;
	s0 =	smov.u32 s14;
	[tilespmem:v13+s20+$0x0] =	vst.idx.msk $0xffff, v12;
	v9 =	vld [tilespmem:s4+$0x70]  }
0x1da: {  	v14 =	vor.u32 s9, v7;
	s9 =	smov.u32 s12;
	s12 =	smov.u32 s6;
	[tilespmem:v19+s20+$0x0] =	vst.idx.msk $0xffff, v18;
	v11 =	vld [tilespmem:s4+$0xFFFFFF70];
	s4 =	smov.u32 s8  }
0x1db: {  	v10 =	vor.u32 s3, v5;
	[tilespmem:v21+s20+$0x0] =	vst.idx.msk $0xffff, v20;
	v8 =	vld [tilespmem:s8+$0xD0]  }
0x1dc: {  	s6 =	sadd.s32 $0x4, s6;
	s13 =	sadd.s32 $0x3, s12;
	v13 =	vor.u32 s1, v5;
	s8 =	sadd.s32 $0x200, s8;
	v12 =	vld [tilespmem:s4+$0xFFFFFFD0];
	[tilespmem:v23+s20+$0x0] =	vst.idx.msk $0xffff, v22  }
0x1dd: {  	v18 =	vld [tilespmem:s8+$0x80];
	v19 =	vor.u32 s13, v0  }
0x1de: {  	s6 =	sadd.s32 $0x1, s12;
	v24 =	vld [tilespmem:s8+$0xFFFFFF00];
	v25 =	vor.u32 s12, v0  }
0x1df: {  	v20 =	vld [tilespmem:s8+$0xFFFFFF80];
	s14 =	sadd.s32 $0x2, s12;
	v21 =	vor.u32 s6, v0  }
0x1e0: {  	v22 =	vld [tilespmem:s8+$0x0];
	v23 =	vor.u32 s14, v0  }
0x1e1: {  	[tilespmem:v17+s20+$0x0] =	vst.idx.msk $0xffff, v16  }
0x1e2: {  	[tilespmem:v19+s20+$0x0] =	vst.idx.msk $0xffff, v18  }
0x1e3: {  	v52 =	vor.u32 s13, v1;
	[tilespmem:v25+s20+$0x0] =	vst.idx.msk $0xffff, v24;
	v51 =	vld [tilespmem:s8+$0x90]  }
0x1e4: {  	v58 =	vor.u32 s12, v1;
	[tilespmem:v21+s20+$0x0] =	vst.idx.msk $0xffff, v20;
	v57 =	vld [tilespmem:s8+$0xFFFFFF10]  }
0x1e5: {  	v54 =	vor.u32 s6, v1;
	[tilespmem:v23+s20+$0x0] =	vst.idx.msk $0xffff, v22;
	v53 =	vld [tilespmem:s8+$0xFFFFFF90]  }
0x1e6: {  	v56 =	vor.u32 s14, v1;
	[tilespmem:v15+s20+$0x0] =	vst.idx.msk $0xffff, v9;
	v55 =	vld [tilespmem:s8+$0x10]  }
0x1e7: {  	[tilespmem:v10+s20+$0x0] =	vst.idx.msk $0xffff, v8  }
0x1e8: {  	[tilespmem:v52+s20+$0x0] =	vst.idx.msk $0xffff, v51  }
0x1e9: {  	v60 =	vor.u32 s13, v2;
	[tilespmem:v58+s20+$0x0] =	vst.idx.msk $0xffff, v57;
	v59 =	vld [tilespmem:s8+$0xA0]  }
0x1ea: {  	v22 =	vor.u32 s12, v2;
	[tilespmem:v54+s20+$0x0] =	vst.idx.msk $0xffff, v53;
	v8 =	vld [tilespmem:s8+$0xFFFFFF20]  }
0x1eb: {  	v62 =	vor.u32 s6, v2;
	[tilespmem:v56+s20+$0x0] =	vst.idx.msk $0xffff, v55;
	v61 =	vld [tilespmem:s8+$0xFFFFFFA0]  }
0x1ec: {  	[tilespmem:v14+s20+$0x0] =	vst.idx.msk $0xffff, v11;
	v21 =	vor.u32 s14, v2;
	v63 =	vld [tilespmem:s8+$0x20]  }
0x1ed: {  	v33 =	vor.u32 s9, v5;
	v32 =	vld [tilespmem:s4+$0xFFFFFF50];
	[tilespmem:v13+s20+$0x0] =	vst.idx.msk $0xffff, v12  }
0x1ee: {  	v26 =	vor.u32 s0, v5;
	v25 =	vld [tilespmem:s4+$0x50];
	[tilespmem:v60+s20+$0x0] =	vst.idx.msk $0xffff, v59  }
0x1ef: {  	v27 =	vor.u32 s13, v3;
	[tilespmem:v22+s20+$0x0] =	vst.idx.msk $0xffff, v8;
	v11 =	vld [tilespmem:s8+$0xB0]  }
0x1f0: {  	v30 =	vor.u32 s12, v3;
	[tilespmem:v62+s20+$0x0] =	vst.idx.msk $0xffff, v61;
	v10 =	vld [tilespmem:s8+$0xFFFFFF30]  }
0x1f1: {  	v28 =	vor.u32 s6, v3;
	[tilespmem:v21+s20+$0x0] =	vst.idx.msk $0xffff, v63;
	v16 =	vld [tilespmem:s8+$0xFFFFFFB0]  }
0x1f2: {  	v29 =	vor.u32 s14, v3;
	[tilespmem:v33+s20+$0x0] =	vst.idx.msk $0xffff, v32;
	v8 =	vld [tilespmem:s8+$0x30]  }
0x1f3: {  	v39 =	vor.u32 s1, v6;
	v38 =	vld [tilespmem:s4+$0xFFFFFFE0];
	[tilespmem:v26+s20+$0x0] =	vst.idx.msk $0xffff, v25  }
0x1f4: {  	v24 =	vor.u32 s3, v6;
	v23 =	vld [tilespmem:s4+$0xE0];
	[tilespmem:v27+s20+$0x0] =	vst.idx.msk $0xffff, v11  }
0x1f5: {  	v34 =	vor.u32 s13, v4;
	[tilespmem:v30+s20+$0x0] =	vst.idx.msk $0xffff, v10;
	v11 =	vld [tilespmem:s8+$0xC0]  }
0x1f6: {  	v37 =	vor.u32 s12, v4;
	[tilespmem:v28+s20+$0x0] =	vst.idx.msk $0xffff, v16;
	v10 =	vld [tilespmem:s8+$0xFFFFFF40]  }
0x1f7: {  	v35 =	vor.u32 s6, v4;
	[tilespmem:v29+s20+$0x0] =	vst.idx.msk $0xffff, v8;
	v16 =	vld [tilespmem:s8+$0xFFFFFFC0]  }
0x1f8: {  	v36 =	vor.u32 s14, v4;
	[tilespmem:v39+s20+$0x0] =	vst.idx.msk $0xffff, v38;
	v8 =	vld [tilespmem:s8+$0x40]  }
0x1f9: {  	v47 =	vor.u32 s9, v6;
	v46 =	vld [tilespmem:s4+$0xFFFFFF60];
	[tilespmem:v24+s20+$0x0] =	vst.idx.msk $0xffff, v23  }
0x1fa: {  	v41 =	vor.u32 s0, v6;
	v40 =	vld [tilespmem:s4+$0x60];
	[tilespmem:v34+s20+$0x0] =	vst.idx.msk $0xffff, v11  }
0x1fb: {  	v42 =	vor.u32 s13, v5;
	[tilespmem:v37+s20+$0x0] =	vst.idx.msk $0xffff, v10;
	v11 =	vld [tilespmem:s8+$0xD0]  }
0x1fc: {  	v45 =	vor.u32 s12, v5;
	[tilespmem:v35+s20+$0x0] =	vst.idx.msk $0xffff, v16;
	v10 =	vld [tilespmem:s8+$0xFFFFFF50]  }
0x1fd: {  	v43 =	vor.u32 s6, v5;
	[tilespmem:v36+s20+$0x0] =	vst.idx.msk $0xffff, v8;
	v16 =	vld [tilespmem:s8+$0xFFFFFFD0]  }
0x1fe: {  	v44 =	vor.u32 s14, v5;
	[tilespmem:v47+s20+$0x0] =	vst.idx.msk $0xffff, v46;
	v8 =	vld [tilespmem:s8+$0x50]  }
0x1ff: {  	v49 =	vor.u32 s1, v7;
	v48 =	vld [tilespmem:s4+$0xFFFFFFF0];
	[tilespmem:v41+s20+$0x0] =	vst.idx.msk $0xffff, v40  }
0x200: {  	v31 =	vor.u32 s3, v7;
	v13 =	vld [tilespmem:s4+$0xF0];
	[tilespmem:v42+s20+$0x0] =	vst.idx.msk $0xffff, v11  }
0x201: {  	v50 =	vor.u32 s13, v6;
	[tilespmem:v45+s20+$0x0] =	vst.idx.msk $0xffff, v10;
	v11 =	vld [tilespmem:s8+$0xE0]  }
0x202: {  	v55 =	vor.u32 s12, v6;
	[tilespmem:v43+s20+$0x0] =	vst.idx.msk $0xffff, v16;
	v54 =	vld [tilespmem:s8+$0xFFFFFF60]  }
0x203: {  	v51 =	vor.u32 s6, v6;
	[tilespmem:v44+s20+$0x0] =	vst.idx.msk $0xffff, v8;
	v8 =	vld [tilespmem:s8+$0xFFFFFFE0]  }
0x204: {  	v53 =	vor.u32 s14, v6;
	[tilespmem:v49+s20+$0x0] =	vst.idx.msk $0xffff, v48;
	v52 =	vld [tilespmem:s8+$0x60]  }
0x205: {  	v57 =	vor.u32 s0, v7;
	[tilespmem:v31+s20+$0x0] =	vst.idx.msk $0xffff, v13;
	v56 =	vld [tilespmem:s4+$0x70]  }
0x206: {  	v58 =	vld [tilespmem:s4+$0xFFFFFF70];
	v59 =	vor.u32 s9, v7;
	[tilespmem:v50+s20+$0x0] =	vst.idx.msk $0xffff, v11  }
0x207: {  	v60 =	vor.u32 s13, v7;
	[tilespmem:v55+s20+$0x0] =	vst.idx.msk $0xffff, v54;
	v11 =	vld [tilespmem:s8+$0xF0]  }
0x208: {  	v63 =	vor.u32 s12, v7;
	[tilespmem:v51+s20+$0x0] =	vst.idx.msk $0xffff, v8;
	v13 =	vld [tilespmem:s8+$0xFFFFFF70]  }
0x209: {  	v61 =	vor.u32 s6, v7;
	[tilespmem:v53+s20+$0x0] =	vst.idx.msk $0xffff, v52;
	v8 =	vld [tilespmem:s8+$0xFFFFFFF0]  }
0x20a: {  	v62 =	vor.u32 s14, v7;
	[tilespmem:v57+s20+$0x0] =	vst.idx.msk $0xffff, v56;
	v10 =	vld [tilespmem:s8+$0x70]  }
0x20b: {  	[tilespmem:v59+s20+$0x0] =	vst.idx.msk $0xffff, v58  }
0x20c: {  	[tilespmem:v60+s20+$0x0] =	vst.idx.msk $0xffff, v11  }
0x20d: {  	[tilespmem:v63+s20+$0x0] =	vst.idx.msk $0xffff, v13  }
0x20e: {  	[tilespmem:v61+s20+$0x0] =	vst.idx.msk $0xffff, v8  }
0x20f: {  	[tilespmem:v62+s20+$0x0] =	vst.idx.msk $0xffff, v10  }
0x210: {  	s4 =	rddreg [dreg:$0x8]  }
0x211: {  	[hbm4b:s4+s5] =	stream.linear.scatter [tilespmem:s20], [sflag:$0x5], $0x400, $0x38;
	[tilespmem:$0xC000] =	vst v63  }
0x212: {  	s6 =	sadd.s32 $0x80, s4  }
0x213: {  	[hbm4b:s6+s5] =	stream.linear.scatter [tilespmem:s21], [sflag:$0x5], $0x400, $0x38;
	[tilespmem:$0xC000] =	vst v63  }
0x214: {  	s8 =	sadd.s32 $0x100, s4  }
0x215: {  	[hbm4b:s8+s5] =	stream.linear.scatter [tilespmem:s22], [sflag:$0x5], $0x400, $0x38;
	[tilespmem:$0xC000] =	vst v63  }
0x216: {  	s9 =	sadd.s32 $0x180, s4  }
0x217: {  	[hbm4b:s9+s5] =	stream.linear.scatter [tilespmem:s23], [sflag:$0x5], $0x400, $0x38;
	[tilespmem:$0xC000] =	vst v63  }
0x218: {  	s13 =	simm.s32 $0x6000;
	s12 =	sadd.s32 $0x200, s4  }
0x219: {  	[hbm4b:s12+s5] =	stream.linear.scatter [tilespmem:s13], [sflag:$0x5], $0x400, $0x38;
	[tilespmem:$0xC000] =	vst v63  }
0x21a: {  	s15 =	simm.s32 $0x6800;
	s14 =	sadd.s32 $0x280, s4  }
0x21b: {  	[hbm4b:s14+s5] =	stream.linear.scatter [tilespmem:s15], [sflag:$0x5], $0x400, $0x38;
	[tilespmem:$0xC000] =	vst v63  }
0x21c: {  	s24 =	sadd.s32 $0x300, s4  }
0x21d: {  	[hbm4b:s24+s5] =	stream.linear.scatter [tilespmem:s26], [sflag:$0x5], $0x400, $0x38;
	[tilespmem:$0xC000] =	vst v63  }
0x21e: {  	s25 =	sadd.s32 $0x380, s4  }
0x21f: {  	[hbm4b:s25+s5] =	stream.linear.scatter [tilespmem:s28], [sflag:$0x5], $0x400, $0x38;
	[tilespmem:$0xC000] =	vst v63  }
0x220: {  	_ =	swait.ge [sflag:s18], $0x2000  }
0x221: {  	[sflag:s18] =	ssyncset.done $0x0  }
0x222: {  	[sflag:s18] =	ssyncadd.s32 $0xFFFFE000  }
.LBB2_16:
.Ltmp11:
0x223: {  	(pc) =	sbr.rel @p0 .LBB2_20-.Ltmp11, $2  }
0x224: {  	_ =	sdelay $0x2  }
0x225: {  	s1 =	rddreg [dreg:$0xb]  }
0x226: {  	s9 =	simm.s32 $0x0;
	s0 =	rddreg [dreg:$0x1]  }
0x227: {  	[tilespmem:s9], [sflag:$0x5] =	stream.linear.gather [hbm4b:s0+s9], $0x2000, $0x38;
	[tilespmem:$0xC000] =	vst v63  }
0x228: {  	_ =	swait.ge [sflag:s18], $0x2000  }
0x229: {  	[sflag:s18] =	ssyncset.done $0x0  }
0x22a: {  	s12 =	simm.s32 $0x100;
	s1 =	simm.s32 $0x3;
	[sflag:s18] =	ssyncadd.s32 $0xFFFFE000  }
0x22b: {  	s13 =	simm.s32 $0x1;
	v9 =	vor.u32 s1, v0;
	v8 =	vld [tilespmem:s12+$0x80]  }
0x22c: {  	v11 =	vor.u32 s13, v0;
	v10 =	vld [tilespmem:s12+$0xFFFFFF80];
	_ =	sdelay $0x2  }
0x22d: {  	s8 =	simm.s32 $0x2  }
0x22e: {  	v13 =	vor.u32 s8, v0;
	v12 =	vld [tilespmem:s12+$0x0];
	[tilespmem:v9+s20+$0x0] =	vst.idx.msk $0xffff, v8  }
0x22f: {  	v9 =	vor.u32 s1, v1;
	[tilespmem:v11+s20+$0x0] =	vst.idx.msk $0xffff, v10;
	v8 =	vld [tilespmem:s12+$0x90]  }
0x230: {  	v11 =	vor.u32 s13, v1;
	v10 =	vld [tilespmem:s12+$0xFFFFFF90];
	_ =	sdelay $0x1  }
0x231: {  	v15 =	vor.u32 s9, v0;
	v14 =	vld [tilespmem:s12+$0xFFFFFF00]  }
0x232: {  	[tilespmem:v13+s20+$0x0] =	vst.idx.msk $0xffff, v12  }
0x233: {  	v13 =	vor.u32 s8, v1;
	v12 =	vld [tilespmem:s12+$0x10];
	[tilespmem:v9+s20+$0x0] =	vst.idx.msk $0xffff, v8  }
0x234: {  	v9 =	vor.u32 s1, v2;
	[tilespmem:v11+s20+$0x0] =	vst.idx.msk $0xffff, v10;
	v8 =	vld [tilespmem:s12+$0xA0]  }
0x235: {  	s6 =	simm.s32 $0x7;
	s0 =	simm.s32 $0x300;
	v11 =	vor.u32 s13, v2;
	v10 =	vld [tilespmem:s12+$0xFFFFFFA0]  }
0x236: {  	v17 =	vor.u32 s6, v0;
	v16 =	vld [tilespmem:s0+$0x80];
	[tilespmem:v15+s20+$0x0] =	vst.idx.msk $0xffff, v14  }
0x237: {  	s4 =	simm.s32 $0x5;
	v15 =	vor.u32 s9, v1;
	v14 =	vld [tilespmem:s12+$0xFFFFFF10]  }
0x238: {  	v19 =	vor.u32 s4, v0;
	v18 =	vld [tilespmem:s0+$0xFFFFFF80];
	[tilespmem:v13+s20+$0x0] =	vst.idx.msk $0xffff, v12  }
0x239: {  	s3 =	simm.s32 $0x6;
	v13 =	vor.u32 s8, v2;
	v12 =	vld [tilespmem:s12+$0x20];
	[tilespmem:v9+s20+$0x0] =	vst.idx.msk $0xffff, v8  }
0x23a: {  	[tilespmem:v11+s20+$0x0] =	vst.idx.msk $0xffff, v10;
	v10 =	vld [tilespmem:s0+$0x0];
	v11 =	vor.u32 s3, v0  }
0x23b: {  	[tilespmem:v17+s20+$0x0] =	vst.idx.msk $0xffff, v16;
	v9 =	vor.u32 s1, v3;
	s1 =	simm.s32 $0x4;
	v8 =	vld [tilespmem:s12+$0xB0]  }
0x23c: {  	[tilespmem:v15+s20+$0x0] =	vst.idx.msk $0xffff, v14;
	v14 =	vld [tilespmem:s0+$0xFFFFFF00];
	v15 =	vor.u32 s1, v0  }
0x23d: {  	[tilespmem:v19+s20+$0x0] =	vst.idx.msk $0xffff, v18;
	v17 =	vor.u32 s6, v1;
	v16 =	vld [tilespmem:s0+$0x90]  }
0x23e: {  	[tilespmem:v13+s20+$0x0] =	vst.idx.msk $0xffff, v12;
	v12 =	vld [tilespmem:s12+$0xFFFFFF20];
	v13 =	vor.u32 s9, v2  }
0x23f: {  	v19 =	vor.u32 s4, v1;
	v18 =	vld [tilespmem:s0+$0xFFFFFF90];
	[tilespmem:v11+s20+$0x0] =	vst.idx.msk $0xffff, v10  }
0x240: {  	v10 =	vor.u32 s13, v3;
	[tilespmem:v9+s20+$0x0] =	vst.idx.msk $0xffff, v8;
	v8 =	vld [tilespmem:s12+$0xFFFFFFB0]  }
0x241: {  	v20 =	vor.u32 s3, v1;
	[tilespmem:v15+s20+$0x0] =	vst.idx.msk $0xffff, v14;
	v14 =	vld [tilespmem:s0+$0x10]  }
0x242: {  	[tilespmem:v17+s20+$0x0] =	vst.idx.msk $0xffff, v16;
	v22 =	vor.u32 s1, v1;
	v21 =	vld [tilespmem:s0+$0xFFFFFF10]  }
0x243: {  	v16 =	vor.u32 s8, v3;
	[tilespmem:v13+s20+$0x0] =	vst.idx.msk $0xffff, v12;
	v13 =	vld [tilespmem:s12+$0x30]  }
0x244: {  	[tilespmem:v19+s20+$0x0] =	vst.idx.msk $0xffff, v18;
	v17 =	vor.u32 s6, v2;
	v11 =	vld [tilespmem:s0+$0xA0]  }
0x245: {  	v9 =	vld [tilespmem:s0+$0xFFFFFFA0];
	v15 =	vor.u32 s4, v2;
	[tilespmem:v10+s20+$0x0] =	vst.idx.msk $0xffff, v8  }
0x246: {  	s8 =	simm.s32 $0x8;
	v12 =	vld [tilespmem:s12+$0xFFFFFF30];
	[tilespmem:v20+s20+$0x0] =	vst.idx.msk $0xffff, v14;
	v14 =	vor.u32 s9, v3  }
0x247: {  	s13 =	simm.s32 $0xC;
	s12 =	simm.s32 $0xB;
	v10 =	vor.u32 s3, v2;
	s9 =	simm.s32 $0x500;
	[tilespmem:v22+s20+$0x0] =	vst.idx.msk $0xffff, v21;
	v8 =	vld [tilespmem:s0+$0x20]  }
.LBB2_18:
0x248: {  	p2 =	slt.u32 s13, $0x3C;
	s14 =	sadd.s32 $0x1, s8;
	v18 =	vld [tilespmem:s9+$0x80];
	v19 =	vor.u32 s12, v0;
	[tilespmem:v16+s20+$0x0] =	vst.idx.msk $0xffff, v13  }
0x249: {  	v13 =	vld [tilespmem:s9+$0xFFFFFF80];
	v16 =	vor.u32 s14, v0;
	[tilespmem:v17+s20+$0x0] =	vst.idx.msk $0xffff, v11  }
0x24a: {  	s15 =	sadd.s32 $0x2, s8;
	v11 =	vor.u32 s6, v3;
	s6 =	smov.u32 s12;
	[tilespmem:v15+s20+$0x0] =	vst.idx.msk $0xffff, v9;
	v9 =	vld [tilespmem:s0+$0xB0]  }
0x24b: {  	v17 =	vor.u32 s15, v0;
	v15 =	vld [tilespmem:s9+$0x0];
	[tilespmem:v14+s20+$0x0] =	vst.idx.msk $0xffff, v12  }
0x24c: {  	v14 =	vor.u32 s8, v0;
	v12 =	vld [tilespmem:s9+$0xFFFFFF00];
	[tilespmem:v10+s20+$0x0] =	vst.idx.msk $0xffff, v8  }
0x24d: {  	v10 =	vor.u32 s1, v2;
	[tilespmem:v19+s20+$0x0] =	vst.idx.msk $0xffff, v18;
	v8 =	vld [tilespmem:s0+$0xFFFFFF20]  }
0x24e: {  	[tilespmem:v16+s20+$0x0] =	vst.idx.msk $0xffff, v13;
	v13 =	vld [tilespmem:s9+$0x90];
	v16 =	vor.u32 s6, v1  }
0x24f: {  	v19 =	vor.u32 s14, v1;
	v18 =	vld [tilespmem:s9+$0xFFFFFF90];
	[tilespmem:v11+s20+$0x0] =	vst.idx.msk $0xffff, v9  }
0x250: {  	v21 =	vor.u32 s4, v3;
	s4 =	smov.u32 s14;
	[tilespmem:v17+s20+$0x0] =	vst.idx.msk $0xffff, v15;
	v20 =	vld [tilespmem:s0+$0xFFFFFFB0]  }
0x251: {  	[tilespmem:v14+s20+$0x0] =	vst.idx.msk $0xffff, v12;
	v12 =	vld [tilespmem:s9+$0x10];
	v14 =	vor.u32 s15, v1  }
0x252: {  	v23 =	vor.u32 s8, v1;
	v22 =	vld [tilespmem:s9+$0xFFFFFF10];
	[tilespmem:v10+s20+$0x0] =	vst.idx.msk $0xffff, v8  }
.Ltmp12:
0x253: {  	[tilespmem:v16+s20+$0x0] =	vst.idx.msk $0xffff, v13;
	v13 =	vld [tilespmem:s0+$0x30];
	v16 =	vor.u32 s3, v3;
	s3 =	smov.u32 s15;
	(pc) =	sbr.rel @p2 .LBB2_18-.Ltmp12, $4  }
0x254: {  	v17 =	vor.u32 s6, v2;
	[tilespmem:v19+s20+$0x0] =	vst.idx.msk $0xffff, v18;
	v11 =	vld [tilespmem:s9+$0xA0]  }
0x255: {  	v15 =	vor.u32 s4, v2;
	v9 =	vld [tilespmem:s9+$0xFFFFFFA0];
	[tilespmem:v21+s20+$0x0] =	vst.idx.msk $0xffff, v20  }
0x256: {  	[tilespmem:v14+s20+$0x0] =	vst.idx.msk $0xffff, v12;
	v12 =	vld [tilespmem:s0+$0xFFFFFF30];
	v14 =	vor.u32 s1, v3;
	s1 =	smov.u32 s8;
	s8 =	smov.u32 s13;
	s0 =	smov.u32 s9  }
0x257: {  	v10 =	vor.u32 s3, v2;
	s13 =	sadd.s32 $0x4, s13;
	s9 =	sadd.s32 $0x200, s9;
	s12 =	sadd.s32 $0x3, s8;
	[tilespmem:v23+s20+$0x0] =	vst.idx.msk $0xffff, v22;
	v8 =	vld [tilespmem:s0+$0x20]  }
0x258: {  	_ =	sdelay $0x2  }
0x259: {  	v18 =	vld [tilespmem:s9+$0x80];
	v19 =	vor.u32 s12, v0  }
0x25a: {  	s13 =	sadd.s32 $0x1, s8;
	[tilespmem:v16+s20+$0x0] =	vst.idx.msk $0xffff, v13;
	v35 =	vld [tilespmem:s9+$0xFFFFFF00];
	v36 =	vor.u32 s8, v0  }
0x25b: {  	v31 =	vld [tilespmem:s9+$0xFFFFFF80];
	s14 =	sadd.s32 $0x2, s8;
	v32 =	vor.u32 s13, v0;
	[tilespmem:v17+s20+$0x0] =	vst.idx.msk $0xffff, v11  }
0x25c: {  	v33 =	vld [tilespmem:s9+$0x0];
	v34 =	vor.u32 s14, v0;
	[tilespmem:v15+s20+$0x0] =	vst.idx.msk $0xffff, v9  }
0x25d: {  	[tilespmem:v10+s20+$0x0] =	vst.idx.msk $0xffff, v8  }
0x25e: {  	v46 =	vld [tilespmem:s0+$0xFFFFFF20];
	v47 =	vor.u32 s1, v2;
	[tilespmem:v19+s20+$0x0] =	vst.idx.msk $0xffff, v18  }
0x25f: {  	v40 =	vor.u32 s12, v1;
	[tilespmem:v36+s20+$0x0] =	vst.idx.msk $0xffff, v35;
	v39 =	vld [tilespmem:s9+$0x90]  }
0x260: {  	v45 =	vor.u32 s8, v1;
	[tilespmem:v32+s20+$0x0] =	vst.idx.msk $0xffff, v31;
	v8 =	vld [tilespmem:s9+$0xFFFFFF10]  }
0x261: {  	v42 =	vor.u32 s13, v1;
	[tilespmem:v34+s20+$0x0] =	vst.idx.msk $0xffff, v33;
	v41 =	vld [tilespmem:s9+$0xFFFFFF90]  }
0x262: {  	v44 =	vor.u32 s14, v1;
	[tilespmem:v14+s20+$0x0] =	vst.idx.msk $0xffff, v12;
	v43 =	vld [tilespmem:s9+$0x10]  }
0x263: {  	v38 =	vor.u32 s6, v3;
	v37 =	vld [tilespmem:s0+$0xB0];
	[tilespmem:v47+s20+$0x0] =	vst.idx.msk $0xffff, v46  }
0x264: {  	v49 =	vor.u32 s4, v3;
	v48 =	vld [tilespmem:s0+$0xFFFFFFB0];
	[tilespmem:v40+s20+$0x0] =	vst.idx.msk $0xffff, v39  }
0x265: {  	v50 =	vor.u32 s12, v2;
	[tilespmem:v45+s20+$0x0] =	vst.idx.msk $0xffff, v8;
	v13 =	vld [tilespmem:s9+$0xA0]  }
0x266: {  	v53 =	vor.u32 s8, v2;
	[tilespmem:v42+s20+$0x0] =	vst.idx.msk $0xffff, v41;
	v10 =	vld [tilespmem:s9+$0xFFFFFF20]  }
0x267: {  	v51 =	vor.u32 s13, v2;
	[tilespmem:v44+s20+$0x0] =	vst.idx.msk $0xffff, v43;
	v18 =	vld [tilespmem:s9+$0xFFFFFFA0]  }
0x268: {  	v52 =	vor.u32 s14, v2;
	[tilespmem:v38+s20+$0x0] =	vst.idx.msk $0xffff, v37;
	v8 =	vld [tilespmem:s9+$0x20]  }
0x269: {  	v55 =	vor.u32 s3, v3;
	v54 =	vld [tilespmem:s0+$0x30];
	[tilespmem:v49+s20+$0x0] =	vst.idx.msk $0xffff, v48  }
0x26a: {  	v57 =	vor.u32 s1, v3;
	v56 =	vld [tilespmem:s0+$0xFFFFFF30];
	[tilespmem:v50+s20+$0x0] =	vst.idx.msk $0xffff, v13  }
0x26b: {  	v58 =	vor.u32 s12, v3;
	[tilespmem:v53+s20+$0x0] =	vst.idx.msk $0xffff, v10;
	v13 =	vld [tilespmem:s9+$0xB0]  }
0x26c: {  	v63 =	vor.u32 s8, v3;
	[tilespmem:v51+s20+$0x0] =	vst.idx.msk $0xffff, v18;
	v62 =	vld [tilespmem:s9+$0xFFFFFF30]  }
0x26d: {  	v59 =	vor.u32 s13, v3;
	[tilespmem:v52+s20+$0x0] =	vst.idx.msk $0xffff, v8;
	v8 =	vld [tilespmem:s9+$0xFFFFFFB0]  }
0x26e: {  	v61 =	vor.u32 s14, v3;
	[tilespmem:v55+s20+$0x0] =	vst.idx.msk $0xffff, v54;
	v60 =	vld [tilespmem:s9+$0x30]  }
0x26f: {  	[tilespmem:v57+s20+$0x0] =	vst.idx.msk $0xffff, v56  }
0x270: {  	[tilespmem:v58+s20+$0x0] =	vst.idx.msk $0xffff, v13  }
0x271: {  	[tilespmem:v63+s20+$0x0] =	vst.idx.msk $0xffff, v62  }
0x272: {  	[tilespmem:v59+s20+$0x0] =	vst.idx.msk $0xffff, v8  }
0x273: {  	[tilespmem:v61+s20+$0x0] =	vst.idx.msk $0xffff, v60  }
0x274: {  	s14 =	rddreg [dreg:$0x9]  }
0x275: {  	[hbm4b:s14+s5] =	stream.linear.scatter [tilespmem:s20], [sflag:$0x5], $0x400, $0x38;
	[tilespmem:$0xC000] =	vst v63  }
0x276: {  	s15 =	sadd.s32 $0x80, s14  }
0x277: {  	[hbm4b:s15+s5] =	stream.linear.scatter [tilespmem:s21], [sflag:$0x5], $0x400, $0x38;
	[tilespmem:$0xC000] =	vst v63  }
0x278: {  	s24 =	sadd.s32 $0x100, s14  }
0x279: {  	[hbm4b:s24+s5] =	stream.linear.scatter [tilespmem:s22], [sflag:$0x5], $0x400, $0x38;
	[tilespmem:$0xC000] =	vst v63  }
.Ltmp13:
0x27a: {  	s25 =	sadd.s32 $0x180, s14;
	(pc) =	sbr.rel .LBB2_20-.Ltmp13, $4  }
0x27b: {  	[hbm4b:s25+s5] =	stream.linear.scatter [tilespmem:s23], [sflag:$0x5], $0x400, $0x38;
	[tilespmem:$0xC000] =	vst v63  }
0x27c: {  	_ =	swait.ge [sflag:s18], $0x1000  }
0x27d: {  	[sflag:s18] =	ssyncset.done $0x0  }
0x27e: {  	s1 =	rddreg [dreg:$0xb];
	[sflag:s18] =	ssyncadd.s32 $0xFFFFF000  }
.LBB2_21:
0x27f: {  	_ =	sfence.sel $0x180000  }
0x280: {  	[bflag:$0x0] =	sbarrier.arrive $0xFFFF  }
0x281: {  	_ =	strace $0x90000047  }
0x282: {  	s0 =	stileid.u32;
	[bflag:$0x2] =	sbarrier.arrive $0xFFFF  }
0x283: {  	p0 =	sne.s32 s0, $0x0;
	s0 =	rddreg [dreg:$0x3]  }
0x284: {  	s0 =	sadd.s32 @!p0 $0x100000, s0  }
0x285: {  	[sflag:s0] =	ssyncadd.tile.s32 @!p0 $0x1;
	_ =	shalt  }
.Lfunc_end2:
_tile_overlayer_lowered:
.L_overlay_start_2:
0x286: {  	(tag) =	ssettag $0x2  }
0x287: {  	s0 =	rddreg [dreg:$0x0];
	s2 =	stileid.u32  }
0x288: {  	s1 =	rddreg [dreg:$0x1];
	p0 =	sne.s32 s2, $0x0  }
0x289: {  	s3 =	rddreg [dreg:$0x2];
	[bflag:$0x3] =	sbarrier.arrive $0xFFFF;
	s2 =	simm.s32 @!p0 $0x1C05  }
0x28a: {  	[timem:s3], [sflag:s2] =	dma.local @!p0 [hbm:s0], s1  }
0x28b: {  	s0 =	simm.s32 @!p0 $0x5  }
0x28c: {  	_ =	swait.ge @!p0 [sflag:s0], s1  }
0x28d: {  	s1 =	ssub.s32 @!p0 $0x0, s1;
	[sflag:s0] =	ssyncset.done @!p0 $0x0  }
0x28e: {  	[sflag:s0] =	ssyncadd.s32 @!p0 s1  }
0x28f: {  	[bflag:$0x3] =	sbarrier.arrive $0xFFFF  }
0x290: {  	_ =	shalt  }

</sc_bundles>
